<compile_context>
chip_gen: v7x
topology: tpu7x:2x2x1
jax: 0.10.2.dev20260603
libtpu: 0.0.44.dev20260713+nightly
codegen_flags: <defaults>
</compile_context>

<pallas_src>
import functools

import jax
import jax.numpy as jnp
from jax import lax
from jax.experimental import pallas as pl
from jax.experimental.pallas import tpu as pltpu
from jax.experimental.pallas import tpu_sc as plsc

NC = 2
NS = 16
NW = NC * NS
L = 16

CHUNK = 8192
NBUF = 2
UNROLL = 8
Q = 1024


@functools.partial(jax.jit, static_argnums=(2, 3))
def _time_indexer_sc(time, key_times, n, k):
    ew = n // NW
    nchunks = ew // CHUNK
    ngroups = nchunks // NBUF
    nvec = CHUNK // L

    mesh = plsc.VectorSubcoreMesh(
        core_axis_name="c", subcore_axis_name="s",
        num_cores=NC, num_subcores=NS,
    )

    @functools.partial(
        pl.kernel,
        out_type=(
            jax.ShapeDtypeStruct((n,), jnp.int32),
            jax.ShapeDtypeStruct((n,), jnp.int32),
            jax.ShapeDtypeStruct((n,), jnp.float32),
        ),
        mesh=mesh,
        compiler_params=pltpu.CompilerParams(needs_layout_passes=False),
        scratch_types=[
            pltpu.VMEM((k + L,), jnp.float32),
            pltpu.VMEM((k,), jnp.float32),
            pltpu.VMEM((Q + L,), jnp.int32),
            pltpu.VMEM((Q + L,), jnp.int32),
            [pltpu.VMEM((CHUNK,), jnp.float32) for _ in range(NBUF)],
            [pltpu.VMEM((CHUNK,), jnp.int32) for _ in range(NBUF)],
            [pltpu.VMEM((CHUNK,), jnp.int32) for _ in range(NBUF)],
            [pltpu.VMEM((CHUNK,), jnp.float32) for _ in range(NBUF)],
            [pltpu.SemaphoreType.DMA for _ in range(NBUF)],
            [pltpu.SemaphoreType.DMA for _ in range(NBUF)],
        ],
    )
    def sc_kernel(time_hbm, key_hbm, lo_hbm, up_hbm, fr_hbm,
                  key_v, rtab_v, lut_v, b_v, in_v, lo_v, up_v, fr_v,
                  in_sem, out_sem):
        wid = lax.axis_index("s") * NC + lax.axis_index("c")
        wbase = wid * ew

        pltpu.sync_copy(key_hbm, key_v.at[pl.ds(0, k)])

        def bcast_key(j):
            return jnp.full((L,), jnp.max(key_v[pl.ds(j - (L - 1), L)]),
                            jnp.float32)

        maxk = bcast_key(k - 1)
        key_v[pl.ds(k, L)] = maxk
        mink = jnp.full((L,), jnp.min(key_v[pl.ds(0, L)]), jnp.float32)
        piv1 = bcast_key(k // 2 - 1)
        piv2a = bcast_key(k // 4 - 1)
        piv2b = bcast_key(k // 2 + k // 4 - 1)
        for j in range(k // L):
            kk = key_v[pl.ds(j * L, L)]
            kn = key_v[pl.ds(j * L + 1, L)]
            rtab_v[pl.ds(j * L, L)] = 1.0 / (kn - kk)
        iota = lax.iota(jnp.int32, L)
        lastr = jnp.where(iota == L - 1, jnp.zeros((L,), jnp.float32),
                          rtab_v[pl.ds(k - L, L)])
        rtab_v[pl.ds(k - L, L)] = lastr

        def search(t):
            cpr = jnp.where(piv1 < t,
                            jnp.full((L,), k // 2 - 1, jnp.int32),
                            jnp.full((L,), -1, jnp.int32))
            g2 = jnp.where(piv1 < t, piv2b, piv2a)
            cpr = jnp.where(g2 < t, cpr + k // 4, cpr)
            s = k // 8
            while s >= 1:
                probe = cpr + s
                g_ = plsc.load_gather(key_v, [probe])
                cpr = jnp.where(g_ < t, probe, cpr)
                s //= 2
            return cpr + 1

        rngv = maxk - mink
        rng_ok = rngv > jnp.zeros((L,), jnp.float32)
        cw = jnp.where(rng_ok, rngv * (1.0 / Q), jnp.ones((L,), jnp.float32))
        invcw = 1.0 / cw
        delta = cw * (1.0 / 256)

        def lut_body(q, _):
            cells = (q * L + iota).astype(jnp.float32)
            gp = mink + cells * cw
            lut_v[pl.ds(q * L, L)] = search(gp)
            b_v[pl.ds(q * L, L)] = search(gp + delta)
            return 0

        lax.fori_loop(0, Q // L, lut_body, 0)
        lut_v[pl.ds(Q, L)] = jnp.full((L,), k, jnp.int32)
        b_v[pl.ds(Q, L)] = jnp.full((L,), k, jnp.int32)

        def chk_body(q, carry):
            amax, bmax = carry
            cells = (q * L + iota).astype(jnp.float32)
            gp = mink + cells * cw
            av = search(gp - delta)
            lv = lut_v[pl.ds(q * L, L)]
            bv1 = b_v[pl.ds(q * L + 1, L)]
            return (jnp.maximum(amax, lv - av), jnp.maximum(bmax, bv1 - lv))

        amax, bmax = lax.fori_loop(
            0, Q // L, chk_body,
            (jnp.zeros((L,), jnp.int32), jnp.zeros((L,), jnp.int32)))
        lut_ok = ((jnp.max(amax) == 0) & (jnp.max(bmax) <= 1)
                  & (jnp.max(rngv) > 0.0))

        def finish(t, idx, tlo, tup, tfr, off):
            upper = jnp.minimum(idx, k - 1)
            lower = jnp.where(t < maxk, jnp.maximum(idx - 1, 0),
                              jnp.full((L,), k - 1, jnp.int32))
            tl = plsc.load_gather(key_v, [lower])
            rt = plsc.load_gather(rtab_v, [lower])
            fr = jnp.maximum((t - tl) * rt, jnp.zeros((L,), jnp.float32))
            tlo[pl.ds(off, L)] = lower
            tup[pl.ds(off, L)] = upper
            tfr[pl.ds(off, L)] = fr

        def in_copy(c, b):
            base = wbase + c * CHUNK
            return pltpu.make_async_copy(
                time_hbm.at[pl.ds(base, CHUNK)], in_v[b], in_sem[b])

        def out_copies(c, b):
            base = wbase + c * CHUNK
            return (
                pltpu.make_async_copy(lo_v[b], lo_hbm.at[pl.ds(base, CHUNK)],
                                      out_sem[b]),
                pltpu.make_async_copy(up_v[b], up_hbm.at[pl.ds(base, CHUNK)],
                                      out_sem[b]),
                pltpu.make_async_copy(fr_v[b], fr_hbm.at[pl.ds(base, CHUNK)],
                                      out_sem[b]),
            )

        for b in range(NBUF):
            in_copy(b, b).start()

        def group_body(g, _):
            for b in range(NBUF):
                c = g * NBUF + b
                in_copy(c, b).wait()

                @pl.when(g > 0)
                def _wait_prev_out():
                    for cp in out_copies(c - NBUF, b):
                        cp.wait()

                tin, tlo, tup, tfr = in_v[b], lo_v[b], up_v[b], fr_v[b]

                @pl.when(lut_ok)
                def _fast():
                    @plsc.parallel_loop(0, nvec, unroll=UNROLL)
                    def _vec(i):
                        off = i * L
                        t = tin[pl.ds(off, L)]
                        cellf = jnp.maximum(
                            jnp.minimum((t - mink) * invcw,
                                        jnp.full((L,), Q - 1, jnp.float32)),
                            jnp.zeros((L,), jnp.float32))
                        cell = cellf.astype(jnp.int32)
                        idx0 = plsc.load_gather(lut_v, [cell])
                        gk = plsc.load_gather(key_v, [idx0])
                        idx = jnp.where(gk < t, idx0 + 1, idx0)
                        finish(t, idx, tlo, tup, tfr, off)

                @pl.when(jnp.logical_not(lut_ok))
                def _general():
                    @plsc.parallel_loop(0, nvec, unroll=UNROLL)
                    def _vec(i):
                        off = i * L
                        t = tin[pl.ds(off, L)]
                        finish(t, search(t), tlo, tup, tfr, off)

                for cp in out_copies(c, b):
                    cp.start()

                @pl.when(g < ngroups - 1)
                def _prefetch_next():
                    in_copy(c + NBUF, b).start()
            return 0

        lax.fori_loop(0, ngroups, group_body, 0)

        for b in range(NBUF):
            for cp in out_copies(nchunks - NBUF + b, b):
                cp.wait()

    return sc_kernel(time, key_times)


def kernel(time, key_times):
    n = time.shape[0]
    k = key_times.shape[0]
    return _time_indexer_sc(time, key_times, n, k)

# --- scband reference (transcript-rebuilt; emitter-appended) ---
"""Pipeline reference for scband-time-indexer-64089501991205 (READ-ONLY COPY).

The authoritative reference and input builder live on the scoring server;
editing this copy changes nothing except your own understanding.
"""

import jax, jax.numpy as jnp
import numpy as np


def setup_inputs(seed: int = 0) -> dict:
    key = jax.random.key(seed)
    # time queries uniformly covering [0, 64) so they span the whole key_times range
    time = jax.random.uniform(key, (16777216,), dtype=jnp.float32) * 64.0
    # buffer built in __init__: sorted key_times tensor (init_kwargs list [0..63])
    key_times = jnp.sort(jnp.arange(64, dtype=jnp.float32))
    return {"time": time, "key_times": key_times}


def reference(time, key_times):
    K = key_times.shape[0]
    max_time = key_times[-1]
    # torch.searchsorted default (right=False) == jnp.searchsorted side='left'
    indices = jnp.searchsorted(key_times, time, side='left')
    upper = jnp.clip(indices, 0, K - 1)
    lower = jnp.where(time < max_time,
                      jnp.clip(indices - 1, 0, K - 1),
                      jnp.full_like(indices, K - 1))
    bounds_differ = jnp.not_equal(lower, upper)
    time_lower = key_times[lower]
    time_upper = key_times[upper]
    denom = jnp.where(bounds_differ, time_upper - time_lower, jnp.ones_like(time))
    fraction = jnp.where(bounds_differ, (time - time_lower) / denom, jnp.zeros_like(time))
    return (lower, upper, fraction)

if __name__ == "__main__":
    import jax
    _d = setup_inputs()
    print(jax.jit(kernel)(*tuple(_d.values())))

</pallas_src>

<mosaic_0001>
#map = affine_map<(d0, d1) -> (0)>
module attributes {stable_mosaic.version = 14 : i64} {
  func.func @sc_kernel(%arg0: i32, %arg1: i32, %arg2: memref<16777216xf32, #tpu.memory_space<hbm>>, %arg3: memref<64xf32, #tpu.memory_space<hbm>>, %arg4: memref<16777216xi32, #tpu.memory_space<hbm>>, %arg5: memref<16777216xi32, #tpu.memory_space<hbm>>, %arg6: memref<16777216xf32, #tpu.memory_space<hbm>>, %arg7: memref<80xf32, #tpu.memory_space<vmem>>, %arg8: memref<64xf32, #tpu.memory_space<vmem>>, %arg9: memref<1040xi32, #tpu.memory_space<vmem>>, %arg10: memref<1040xi32, #tpu.memory_space<vmem>>, %arg11: memref<8192xf32, #tpu.memory_space<vmem>>, %arg12: memref<8192xf32, #tpu.memory_space<vmem>>, %arg13: memref<8192xi32, #tpu.memory_space<vmem>>, %arg14: memref<8192xi32, #tpu.memory_space<vmem>>, %arg15: memref<8192xi32, #tpu.memory_space<vmem>>, %arg16: memref<8192xi32, #tpu.memory_space<vmem>>, %arg17: memref<8192xf32, #tpu.memory_space<vmem>>, %arg18: memref<8192xf32, #tpu.memory_space<vmem>>, %arg19: memref<!tpu.dma_semaphore, #tpu.memory_space<semaphore_mem>>, %arg20: memref<!tpu.dma_semaphore, #tpu.memory_space<semaphore_mem>>, %arg21: memref<!tpu.dma_semaphore, #tpu.memory_space<semaphore_mem>>, %arg22: memref<!tpu.dma_semaphore, #tpu.memory_space<semaphore_mem>>) attributes {dimension_semantics = [#tpu.dimension_semantics<core_parallel>, #tpu.dimension_semantics<subcore_parallel>], iteration_bounds = array<i64: 2, 16>, scalar_prefetch = 0 : i64, scratch_operands = 16 : i64, tpu.core_type = #tpu.core_type<sc_vector_subcore>, window_params = [{transform_indices = #map}, {transform_indices = #map}, {transform_indices = #map}, {transform_indices = #map}, {transform_indices = #map}]} {
    %mul3A = arith.constant 2 : i32
    %mul3A_0 = arith.muli %arg1, %mul3A : i32
    %add3A = arith.addi %mul3A_0, %arg0 : i32
    %mul3A_1 = arith.constant 524288 : i32
    %mul3A_2 = arith.muli %add3A, %mul3A_1 : i32
    "tpu.region"() ({
      %run_scoped3A = tpu.sem_alloc : memref<!tpu.dma_semaphore, #tpu.memory_space<semaphore_mem>>
      %dma_start3A_175 = arith.constant 0 : i32
      %dma_start3A_176 = tpu.memref_slice %arg7[%dma_start3A_175] : memref<80xf32, #tpu.memory_space<vmem>> -> memref<64xf32, #tpu.memory_space<vmem>>
      %dma_start3A_177 = arith.constant 0 : i32
      %dma_start3A_178 = tpu.memref_slice %arg7[%dma_start3A_177] : memref<80xf32, #tpu.memory_space<vmem>> -> memref<64xf32, #tpu.memory_space<vmem>>
      tpu.enqueue_dma source(%arg3 : memref<64xf32, #tpu.memory_space<hbm>>) target(%dma_start3A_178 : memref<64xf32, #tpu.memory_space<vmem>>) target_semaphore(%run_scoped3A : memref<!tpu.dma_semaphore, #tpu.memory_space<semaphore_mem>>)
      %dma_wait3A_179 = arith.constant 0 : i32
      %dma_wait3A_180 = tpu.memref_slice %arg7[%dma_wait3A_179] : memref<80xf32, #tpu.memory_space<vmem>> -> memref<64xf32, #tpu.memory_space<vmem>>
      %dma_wait3A_181 = arith.constant 0 : i32
      %dma_wait3A_182 = tpu.memref_slice %arg7[%dma_wait3A_181] : memref<80xf32, #tpu.memory_space<vmem>> -> memref<64xf32, #tpu.memory_space<vmem>>
      tpu.wait_dma2 semaphore(%run_scoped3A : memref<!tpu.dma_semaphore, #tpu.memory_space<semaphore_mem>>) src(%arg3 : memref<64xf32, #tpu.memory_space<hbm>>) dst(%dma_wait3A_182 : memref<64xf32, #tpu.memory_space<vmem>>)
      tpu.yield
    }) : () -> ()
    %get3A = arith.constant 48 : index
    %get3A_3 = tpu.vector_load %arg7[%get3A] {strides = array<i32>} : memref<80xf32, #tpu.memory_space<vmem>>, vector<16xf32>,
    %reduce_max3A = arith.constant true
    %reduce_max3A_4 = vector.broadcast %reduce_max3A : i1 to vector<16xi1>
    %reduce_max3A_5 = tpu.scan <max>, %get3A_3 masked %reduce_max3A_4 : vector<16xf32>, vector<16xi1> -> vector<16xf32>
    %reduce_max3A_6 = vector.extract %reduce_max3A_5[15] : f32 from vector<16xf32>
    %broadcast_in_dim3A = vector.broadcast %reduce_max3A_6 : f32 to vector<16xf32>
    %swap3A = arith.constant 64 : index
    %swap3A_7 = tpu.vector_load %arg7[%swap3A] {strides = array<i32>} : memref<80xf32, #tpu.memory_space<vmem>>, vector<16xf32>,
    tpu.vector_store %arg7[%swap3A], %broadcast_in_dim3A {strides = array<i32>} : memref<80xf32, #tpu.memory_space<vmem>>, vector<16xf32>,
    %get3A_8 = arith.constant 0 : index
    %get3A_9 = tpu.vector_load %arg7[%get3A_8] {strides = array<i32>} : memref<80xf32, #tpu.memory_space<vmem>>, vector<16xf32>,
    %reduce_min3A = arith.constant true
    %reduce_min3A_10 = vector.broadcast %reduce_min3A : i1 to vector<16xi1>
    %reduce_min3A_11 = tpu.scan <min>, %get3A_9 masked %reduce_min3A_10 : vector<16xf32>, vector<16xi1> -> vector<16xf32>
    %reduce_min3A_12 = vector.extract %reduce_min3A_11[15] : f32 from vector<16xf32>
    %broadcast_in_dim3A_13 = vector.broadcast %reduce_min3A_12 : f32 to vector<16xf32>
    %get3A_14 = arith.constant 16 : index
    %get3A_15 = tpu.vector_load %arg7[%get3A_14] {strides = array<i32>} : memref<80xf32, #tpu.memory_space<vmem>>, vector<16xf32>,
    %reduce_max3A_16 = arith.constant true
    %reduce_max3A_17 = vector.broadcast %reduce_max3A_16 : i1 to vector<16xi1>
    %reduce_max3A_18 = tpu.scan <max>, %get3A_15 masked %reduce_max3A_17 : vector<16xf32>, vector<16xi1> -> vector<16xf32>
    %reduce_max3A_19 = vector.extract %reduce_max3A_18[15] : f32 from vector<16xf32>
    %broadcast_in_dim3A_20 = vector.broadcast %reduce_max3A_19 : f32 to vector<16xf32>
    %get3A_21 = arith.constant 0 : index
    %get3A_22 = tpu.vector_load %arg7[%get3A_21] {strides = array<i32>} : memref<80xf32, #tpu.memory_space<vmem>>, vector<16xf32>,
    %reduce_max3A_23 = arith.constant true
    %reduce_max3A_24 = vector.broadcast %reduce_max3A_23 : i1 to vector<16xi1>
    %reduce_max3A_25 = tpu.scan <max>, %get3A_22 masked %reduce_max3A_24 : vector<16xf32>, vector<16xi1> -> vector<16xf32>
    %reduce_max3A_26 = vector.extract %reduce_max3A_25[15] : f32 from vector<16xf32>
    %broadcast_in_dim3A_27 = vector.broadcast %reduce_max3A_26 : f32 to vector<16xf32>
    %get3A_28 = arith.constant 32 : index
    %get3A_29 = tpu.vector_load %arg7[%get3A_28] {strides = array<i32>} : memref<80xf32, #tpu.memory_space<vmem>>, vector<16xf32>,
    %reduce_max3A_30 = arith.constant true
    %reduce_max3A_31 = vector.broadcast %reduce_max3A_30 : i1 to vector<16xi1>
    %reduce_max3A_32 = tpu.scan <max>, %get3A_29 masked %reduce_max3A_31 : vector<16xf32>, vector<16xi1> -> vector<16xf32>
    %reduce_max3A_33 = vector.extract %reduce_max3A_32[15] : f32 from vector<16xf32>
    %broadcast_in_dim3A_34 = vector.broadcast %reduce_max3A_33 : f32 to vector<16xf32>
    %get3A_35 = arith.constant 0 : index
    %get3A_36 = tpu.vector_load %arg7[%get3A_35] {strides = array<i32>} : memref<80xf32, #tpu.memory_space<vmem>>, vector<16xf32>,
    %get3A_37 = arith.constant 1 : index
    %get3A_38 = tpu.vector_load %arg7[%get3A_37] {strides = array<i32>} : memref<80xf32, #tpu.memory_space<vmem>>, vector<16xf32>,
    %sub3A = arith.subf %get3A_38, %get3A_36 : vector<16xf32>
    %div3A = arith.constant 1.000000e+00 : f32
    %div3A_39 = vector.broadcast %div3A : f32 to vector<16xf32>
    %div3A_40 = arith.divf %div3A_39, %sub3A : vector<16xf32>
    %swap3A_41 = arith.constant 0 : index
    %swap3A_42 = tpu.vector_load %arg8[%swap3A_41] {strides = array<i32>} : memref<64xf32, #tpu.memory_space<vmem>>, vector<16xf32>,
    tpu.vector_store %arg8[%swap3A_41], %div3A_40 {strides = array<i32>} : memref<64xf32, #tpu.memory_space<vmem>>, vector<16xf32>,
    %get3A_43 = arith.constant 16 : index
    %get3A_44 = tpu.vector_load %arg7[%get3A_43] {strides = array<i32>} : memref<80xf32, #tpu.memory_space<vmem>>, vector<16xf32>,
    %get3A_45 = arith.constant 17 : index
    %get3A_46 = tpu.vector_load %arg7[%get3A_45] {strides = array<i32>} : memref<80xf32, #tpu.memory_space<vmem>>, vector<16xf32>,
    %sub3A_47 = arith.subf %get3A_46, %get3A_44 : vector<16xf32>
    %div3A_48 = arith.constant 1.000000e+00 : f32
    %div3A_49 = vector.broadcast %div3A_48 : f32 to vector<16xf32>
    %div3A_50 = arith.divf %div3A_49, %sub3A_47 : vector<16xf32>
    %swap3A_51 = arith.constant 16 : index
    %swap3A_52 = tpu.vector_load %arg8[%swap3A_51] {strides = array<i32>} : memref<64xf32, #tpu.memory_space<vmem>>, vector<16xf32>,
    tpu.vector_store %arg8[%swap3A_51], %div3A_50 {strides = array<i32>} : memref<64xf32, #tpu.memory_space<vmem>>, vector<16xf32>,
    %get3A_53 = arith.constant 32 : index
    %get3A_54 = tpu.vector_load %arg7[%get3A_53] {strides = array<i32>} : memref<80xf32, #tpu.memory_space<vmem>>, vector<16xf32>,
    %get3A_55 = arith.constant 33 : index
    %get3A_56 = tpu.vector_load %arg7[%get3A_55] {strides = array<i32>} : memref<80xf32, #tpu.memory_space<vmem>>, vector<16xf32>,
    %sub3A_57 = arith.subf %get3A_56, %get3A_54 : vector<16xf32>
    %div3A_58 = arith.constant 1.000000e+00 : f32
    %div3A_59 = vector.broadcast %div3A_58 : f32 to vector<16xf32>
    %div3A_60 = arith.divf %div3A_59, %sub3A_57 : vector<16xf32>
    %swap3A_61 = arith.constant 32 : index
    %swap3A_62 = tpu.vector_load %arg8[%swap3A_61] {strides = array<i32>} : memref<64xf32, #tpu.memory_space<vmem>>, vector<16xf32>,
    tpu.vector_store %arg8[%swap3A_61], %div3A_60 {strides = array<i32>} : memref<64xf32, #tpu.memory_space<vmem>>, vector<16xf32>,
    %get3A_63 = arith.constant 48 : index
    %get3A_64 = tpu.vector_load %arg7[%get3A_63] {strides = array<i32>} : memref<80xf32, #tpu.memory_space<vmem>>, vector<16xf32>,
    %get3A_65 = arith.constant 49 : index
    %get3A_66 = tpu.vector_load %arg7[%get3A_65] {strides = array<i32>} : memref<80xf32, #tpu.memory_space<vmem>>, vector<16xf32>,
    %sub3A_67 = arith.subf %get3A_66, %get3A_64 : vector<16xf32>
    %div3A_68 = arith.constant 1.000000e+00 : f32
    %div3A_69 = vector.broadcast %div3A_68 : f32 to vector<16xf32>
    %div3A_70 = arith.divf %div3A_69, %sub3A_67 : vector<16xf32>
    %swap3A_71 = arith.constant 48 : index
    %swap3A_72 = tpu.vector_load %arg8[%swap3A_71] {strides = array<i32>} : memref<64xf32, #tpu.memory_space<vmem>>, vector<16xf32>,
    tpu.vector_store %arg8[%swap3A_71], %div3A_70 {strides = array<i32>} : memref<64xf32, #tpu.memory_space<vmem>>, vector<16xf32>,
    %iota3A = tpu.iota {dimensions = array<i32: 0>} : vector<16xi32>
    %eq3A = arith.constant 15 : i32
    %eq3A_73 = vector.broadcast %eq3A : i32 to vector<16xi32>
    %eq3A_74 = arith.cmpi eq, %iota3A, %eq3A_73 : vector<16xi32>
    %broadcast_in_dim3A_75 = arith.constant 0.000000e+00 : f32
    %broadcast_in_dim3A_76 = vector.broadcast %broadcast_in_dim3A_75 : f32 to vector<16xf32>
    %get3A_77 = arith.constant 48 : index
    %get3A_78 = tpu.vector_load %arg8[%get3A_77] {strides = array<i32>} : memref<64xf32, #tpu.memory_space<vmem>>, vector<16xf32>,
    %select_n3A = arith.select %eq3A_74, %broadcast_in_dim3A_76, %get3A_78 : vector<16xi1>, vector<16xf32>
    %swap3A_79 = arith.constant 48 : index
    %swap3A_80 = tpu.vector_load %arg8[%swap3A_79] {strides = array<i32>} : memref<64xf32, #tpu.memory_space<vmem>>, vector<16xf32>,
    tpu.vector_store %arg8[%swap3A_79], %select_n3A {strides = array<i32>} : memref<64xf32, #tpu.memory_space<vmem>>, vector<16xf32>,
    %sub3A_81 = arith.subf %broadcast_in_dim3A, %broadcast_in_dim3A_13 : vector<16xf32>
    %broadcast_in_dim3A_82 = arith.constant 0.000000e+00 : f32
    %broadcast_in_dim3A_83 = vector.broadcast %broadcast_in_dim3A_82 : f32 to vector<16xf32>
    %gt3A = arith.cmpf ogt, %sub3A_81, %broadcast_in_dim3A_83 : vector<16xf32>
    %mul3A_84 = arith.constant 9.765625E-4 : f32
    %mul3A_85 = vector.broadcast %mul3A_84 : f32 to vector<16xf32>
    %mul3A_86 = arith.mulf %sub3A_81, %mul3A_85 : vector<16xf32>
    %broadcast_in_dim3A_87 = arith.constant 1.000000e+00 : f32
    %broadcast_in_dim3A_88 = vector.broadcast %broadcast_in_dim3A_87 : f32 to vector<16xf32>
    %select_n3A_89 = arith.select %gt3A, %mul3A_86, %broadcast_in_dim3A_88 : vector<16xi1>, vector<16xf32>
    %div3A_90 = arith.constant 1.000000e+00 : f32
    %div3A_91 = vector.broadcast %div3A_90 : f32 to vector<16xf32>
    %div3A_92 = arith.divf %div3A_91, %select_n3A_89 : vector<16xf32>
    %mul3A_93 = arith.constant 3.906250e-03 : f32
    %mul3A_94 = vector.broadcast %mul3A_93 : f32 to vector<16xf32>
    %mul3A_95 = arith.mulf %select_n3A_89, %mul3A_94 : vector<16xf32>
    %scan3A = arith.constant 0 : i32
    %scan3A_96 = arith.constant 0 : i32
    %scan3A_97 = arith.constant 64 : i32
    %scan3A_98 = arith.addi %scan3A_96, %scan3A_97 : i32
    %scan3A_99 = arith.constant 1 : i32
    %scan3A_100 = scf.for %scan3A_175 = %scan3A_96 to %scan3A_98 step %scan3A_99 iter_args(%scan3A_176 = %scan3A) -> (i32)  : i32 {
      %mul3A_177 = arith.constant 16 : i32
      %mul3A_178 = arith.muli %scan3A_175, %mul3A_177 : i32
      %add3A_179 = vector.broadcast %mul3A_178 : i32 to vector<16xi32>
      %add3A_180 = arith.addi %add3A_179, %iota3A : vector<16xi32>
      %convert_element_type3A = arith.sitofp %add3A_180 : vector<16xi32> to vector<16xf32>
      %mul3A_181 = arith.mulf %convert_element_type3A, %select_n3A_89 : vector<16xf32>
      %add3A_182 = arith.addf %broadcast_in_dim3A_13, %mul3A_181 : vector<16xf32>
      %lt3A = arith.cmpf olt, %broadcast_in_dim3A_20, %add3A_182 : vector<16xf32>
      %broadcast_in_dim3A_183 = arith.constant 31 : i32
      %broadcast_in_dim3A_184 = vector.broadcast %broadcast_in_dim3A_183 : i32 to vector<16xi32>
      %broadcast_in_dim3A_185 = arith.constant -1 : i32
      %broadcast_in_dim3A_186 = vector.broadcast %broadcast_in_dim3A_185 : i32 to vector<16xi32>
      %select_n3A_187 = arith.select %lt3A, %broadcast_in_dim3A_184, %broadcast_in_dim3A_186 : vector<16xi1>, vector<16xi32>
      %lt3A_188 = arith.cmpf olt, %broadcast_in_dim3A_20, %add3A_182 : vector<16xf32>
      %select_n3A_189 = arith.select %lt3A_188, %broadcast_in_dim3A_34, %broadcast_in_dim3A_27 : vector<16xi1>, vector<16xf32>
      %lt3A_190 = arith.cmpf olt, %select_n3A_189, %add3A_182 : vector<16xf32>
      %add3A_191 = arith.constant 16 : i32
      %add3A_192 = vector.broadcast %add3A_191 : i32 to vector<16xi32>
      %add3A_193 = arith.addi %select_n3A_187, %add3A_192 : vector<16xi32>
      %select_n3A_194 = arith.select %lt3A_190, %add3A_193, %select_n3A_187 : vector<16xi1>, vector<16xi32>
      %add3A_195 = arith.constant 8 : i32
      %add3A_196 = vector.broadcast %add3A_195 : i32 to vector<16xi32>
      %add3A_197 = arith.addi %select_n3A_194, %add3A_196 : vector<16xi32>
      %gather3A = tpu.vector_load_idx %arg7[%add3A_197] : memref<80xf32, #tpu.memory_space<vmem>>[vector<16xi32>], vector<16xf32>,
      %lt3A_198 = arith.cmpf olt, %gather3A, %add3A_182 : vector<16xf32>
      %select_n3A_199 = arith.select %lt3A_198, %add3A_197, %select_n3A_194 : vector<16xi1>, vector<16xi32>
      %add3A_200 = arith.constant 4 : i32
      %add3A_201 = vector.broadcast %add3A_200 : i32 to vector<16xi32>
      %add3A_202 = arith.addi %select_n3A_199, %add3A_201 : vector<16xi32>
      %gather3A_203 = tpu.vector_load_idx %arg7[%add3A_202] : memref<80xf32, #tpu.memory_space<vmem>>[vector<16xi32>], vector<16xf32>,
      %lt3A_204 = arith.cmpf olt, %gather3A_203, %add3A_182 : vector<16xf32>
      %select_n3A_205 = arith.select %lt3A_204, %add3A_202, %select_n3A_199 : vector<16xi1>, vector<16xi32>
      %add3A_206 = arith.constant 2 : i32
      %add3A_207 = vector.broadcast %add3A_206 : i32 to vector<16xi32>
      %add3A_208 = arith.addi %select_n3A_205, %add3A_207 : vector<16xi32>
      %gather3A_209 = tpu.vector_load_idx %arg7[%add3A_208] : memref<80xf32, #tpu.memory_space<vmem>>[vector<16xi32>], vector<16xf32>,
      %lt3A_210 = arith.cmpf olt, %gather3A_209, %add3A_182 : vector<16xf32>
      %select_n3A_211 = arith.select %lt3A_210, %add3A_208, %select_n3A_205 : vector<16xi1>, vector<16xi32>
      %add3A_212 = arith.constant 1 : i32
      %add3A_213 = vector.broadcast %add3A_212 : i32 to vector<16xi32>
      %add3A_214 = arith.addi %select_n3A_211, %add3A_213 : vector<16xi32>
      %gather3A_215 = tpu.vector_load_idx %arg7[%add3A_214] : memref<80xf32, #tpu.memory_space<vmem>>[vector<16xi32>], vector<16xf32>,
      %lt3A_216 = arith.cmpf olt, %gather3A_215, %add3A_182 : vector<16xf32>
      %select_n3A_217 = arith.select %lt3A_216, %add3A_214, %select_n3A_211 : vector<16xi1>, vector<16xi32>
      %add3A_218 = arith.constant 1 : i32
      %add3A_219 = vector.broadcast %add3A_218 : i32 to vector<16xi32>
      %add3A_220 = arith.addi %select_n3A_217, %add3A_219 : vector<16xi32>
      %mul3A_221 = arith.constant 16 : i32
      %mul3A_222 = arith.muli %scan3A_175, %mul3A_221 : i32
      %swap3A_223 = arith.index_cast %mul3A_222 : i32 to index
      %swap3A_224 = tpu.vector_load %arg9[%swap3A_223] {strides = array<i32>} : memref<1040xi32, #tpu.memory_space<vmem>>, vector<16xi32>,
      tpu.vector_store %arg9[%swap3A_223], %add3A_220 {strides = array<i32>} : memref<1040xi32, #tpu.memory_space<vmem>>, vector<16xi32>,
      %add3A_225 = arith.addf %add3A_182, %mul3A_95 : vector<16xf32>
      %lt3A_226 = arith.cmpf olt, %broadcast_in_dim3A_20, %add3A_225 : vector<16xf32>
      %broadcast_in_dim3A_227 = arith.constant 31 : i32
      %broadcast_in_dim3A_228 = vector.broadcast %broadcast_in_dim3A_227 : i32 to vector<16xi32>
      %broadcast_in_dim3A_229 = arith.constant -1 : i32
      %broadcast_in_dim3A_230 = vector.broadcast %broadcast_in_dim3A_229 : i32 to vector<16xi32>
      %select_n3A_231 = arith.select %lt3A_226, %broadcast_in_dim3A_228, %broadcast_in_dim3A_230 : vector<16xi1>, vector<16xi32>
      %lt3A_232 = arith.cmpf olt, %broadcast_in_dim3A_20, %add3A_225 : vector<16xf32>
      %select_n3A_233 = arith.select %lt3A_232, %broadcast_in_dim3A_34, %broadcast_in_dim3A_27 : vector<16xi1>, vector<16xf32>
      %lt3A_234 = arith.cmpf olt, %select_n3A_233, %add3A_225 : vector<16xf32>
      %add3A_235 = arith.constant 16 : i32
      %add3A_236 = vector.broadcast %add3A_235 : i32 to vector<16xi32>
      %add3A_237 = arith.addi %select_n3A_231, %add3A_236 : vector<16xi32>
      %select_n3A_238 = arith.select %lt3A_234, %add3A_237, %select_n3A_231 : vector<16xi1>, vector<16xi32>
      %add3A_239 = arith.constant 8 : i32
      %add3A_240 = vector.broadcast %add3A_239 : i32 to vector<16xi32>
      %add3A_241 = arith.addi %select_n3A_238, %add3A_240 : vector<16xi32>
      %gather3A_242 = tpu.vector_load_idx %arg7[%add3A_241] : memref<80xf32, #tpu.memory_space<vmem>>[vector<16xi32>], vector<16xf32>,
      %lt3A_243 = arith.cmpf olt, %gather3A_242, %add3A_225 : vector<16xf32>
      %select_n3A_244 = arith.select %lt3A_243, %add3A_241, %select_n3A_238 : vector<16xi1>, vector<16xi32>
      %add3A_245 = arith.constant 4 : i32
      %add3A_246 = vector.broadcast %add3A_245 : i32 to vector<16xi32>
      %add3A_247 = arith.addi %select_n3A_244, %add3A_246 : vector<16xi32>
      %gather3A_248 = tpu.vector_load_idx %arg7[%add3A_247] : memref<80xf32, #tpu.memory_space<vmem>>[vector<16xi32>], vector<16xf32>,
      %lt3A_249 = arith.cmpf olt, %gather3A_248, %add3A_225 : vector<16xf32>
      %select_n3A_250 = arith.select %lt3A_249, %add3A_247, %select_n3A_244 : vector<16xi1>, vector<16xi32>
      %add3A_251 = arith.constant 2 : i32
      %add3A_252 = vector.broadcast %add3A_251 : i32 to vector<16xi32>
      %add3A_253 = arith.addi %select_n3A_250, %add3A_252 : vector<16xi32>
      %gather3A_254 = tpu.vector_load_idx %arg7[%add3A_253] : memref<80xf32, #tpu.memory_space<vmem>>[vector<16xi32>], vector<16xf32>,
      %lt3A_255 = arith.cmpf olt, %gather3A_254, %add3A_225 : vector<16xf32>
      %select_n3A_256 = arith.select %lt3A_255, %add3A_253, %select_n3A_250 : vector<16xi1>, vector<16xi32>
      %add3A_257 = arith.constant 1 : i32
      %add3A_258 = vector.broadcast %add3A_257 : i32 to vector<16xi32>
      %add3A_259 = arith.addi %select_n3A_256, %add3A_258 : vector<16xi32>
      %gather3A_260 = tpu.vector_load_idx %arg7[%add3A_259] : memref<80xf32, #tpu.memory_space<vmem>>[vector<16xi32>], vector<16xf32>,
      %lt3A_261 = arith.cmpf olt, %gather3A_260, %add3A_225 : vector<16xf32>
      %select_n3A_262 = arith.select %lt3A_261, %add3A_259, %select_n3A_256 : vector<16xi1>, vector<16xi32>
      %add3A_263 = arith.constant 1 : i32
      %add3A_264 = vector.broadcast %add3A_263 : i32 to vector<16xi32>
      %add3A_265 = arith.addi %select_n3A_262, %add3A_264 : vector<16xi32>
      %mul3A_266 = arith.constant 16 : i32
      %mul3A_267 = arith.muli %scan3A_175, %mul3A_266 : i32
      %swap3A_268 = arith.index_cast %mul3A_267 : i32 to index
      %swap3A_269 = tpu.vector_load %arg10[%swap3A_268] {strides = array<i32>} : memref<1040xi32, #tpu.memory_space<vmem>>, vector<16xi32>,
      tpu.vector_store %arg10[%swap3A_268], %add3A_265 {strides = array<i32>} : memref<1040xi32, #tpu.memory_space<vmem>>, vector<16xi32>,
      %scan3A_270 = arith.constant 0 : i32
      scf.yield %scan3A_270 : i32
    }
    %scan3A_101 = arith.constant 64 : i32
    %broadcast_in_dim3A_102 = arith.constant 64 : i32
    %broadcast_in_dim3A_103 = vector.broadcast %broadcast_in_dim3A_102 : i32 to vector<16xi32>
    %swap3A_104 = arith.constant 1024 : index
    %swap3A_105 = tpu.vector_load %arg9[%swap3A_104] {strides = array<i32>} : memref<1040xi32, #tpu.memory_space<vmem>>, vector<16xi32>,
    tpu.vector_store %arg9[%swap3A_104], %broadcast_in_dim3A_103 {strides = array<i32>} : memref<1040xi32, #tpu.memory_space<vmem>>, vector<16xi32>,
    %broadcast_in_dim3A_106 = arith.constant 64 : i32
    %broadcast_in_dim3A_107 = vector.broadcast %broadcast_in_dim3A_106 : i32 to vector<16xi32>
    %swap3A_108 = arith.constant 1024 : index
    %swap3A_109 = tpu.vector_load %arg10[%swap3A_108] {strides = array<i32>} : memref<1040xi32, #tpu.memory_space<vmem>>, vector<16xi32>,
    tpu.vector_store %arg10[%swap3A_108], %broadcast_in_dim3A_107 {strides = array<i32>} : memref<1040xi32, #tpu.memory_space<vmem>>, vector<16xi32>,
    %broadcast_in_dim3A_110 = arith.constant 0 : i32
    %broadcast_in_dim3A_111 = vector.broadcast %broadcast_in_dim3A_110 : i32 to vector<16xi32>
    %broadcast_in_dim3A_112 = arith.constant 0 : i32
    %broadcast_in_dim3A_113 = vector.broadcast %broadcast_in_dim3A_112 : i32 to vector<16xi32>
    %scan3A_114 = arith.constant 0 : i32
    %scan3A_115 = arith.constant 64 : i32
    %scan3A_116 = arith.addi %scan3A_114, %scan3A_115 : i32
    %scan3A_117 = arith.constant 1 : i32
    %scan3A_118:2 = scf.for %scan3A_175 = %scan3A_114 to %scan3A_116 step %scan3A_117 iter_args(%scan3A_176 = %broadcast_in_dim3A_111, %scan3A_177 = %broadcast_in_dim3A_113) -> (vector<16xi32>, vector<16xi32>)  : i32 {
      %mul3A_178 = arith.constant 16 : i32
      %mul3A_179 = arith.muli %scan3A_175, %mul3A_178 : i32
      %add3A_180 = vector.broadcast %mul3A_179 : i32 to vector<16xi32>
      %add3A_181 = arith.addi %add3A_180, %iota3A : vector<16xi32>
      %convert_element_type3A = arith.sitofp %add3A_181 : vector<16xi32> to vector<16xf32>
      %mul3A_182 = arith.mulf %convert_element_type3A, %select_n3A_89 : vector<16xf32>
      %add3A_183 = arith.addf %broadcast_in_dim3A_13, %mul3A_182 : vector<16xf32>
      %sub3A_184 = arith.subf %add3A_183, %mul3A_95 : vector<16xf32>
      %lt3A = arith.cmpf olt, %broadcast_in_dim3A_20, %sub3A_184 : vector<16xf32>
      %broadcast_in_dim3A_185 = arith.constant 31 : i32
      %broadcast_in_dim3A_186 = vector.broadcast %broadcast_in_dim3A_185 : i32 to vector<16xi32>
      %broadcast_in_dim3A_187 = arith.constant -1 : i32
      %broadcast_in_dim3A_188 = vector.broadcast %broadcast_in_dim3A_187 : i32 to vector<16xi32>
      %select_n3A_189 = arith.select %lt3A, %broadcast_in_dim3A_186, %broadcast_in_dim3A_188 : vector<16xi1>, vector<16xi32>
      %lt3A_190 = arith.cmpf olt, %broadcast_in_dim3A_20, %sub3A_184 : vector<16xf32>
      %select_n3A_191 = arith.select %lt3A_190, %broadcast_in_dim3A_34, %broadcast_in_dim3A_27 : vector<16xi1>, vector<16xf32>
      %lt3A_192 = arith.cmpf olt, %select_n3A_191, %sub3A_184 : vector<16xf32>
      %add3A_193 = arith.constant 16 : i32
      %add3A_194 = vector.broadcast %add3A_193 : i32 to vector<16xi32>
      %add3A_195 = arith.addi %select_n3A_189, %add3A_194 : vector<16xi32>
      %select_n3A_196 = arith.select %lt3A_192, %add3A_195, %select_n3A_189 : vector<16xi1>, vector<16xi32>
      %add3A_197 = arith.constant 8 : i32
      %add3A_198 = vector.broadcast %add3A_197 : i32 to vector<16xi32>
      %add3A_199 = arith.addi %select_n3A_196, %add3A_198 : vector<16xi32>
      %gather3A = tpu.vector_load_idx %arg7[%add3A_199] : memref<80xf32, #tpu.memory_space<vmem>>[vector<16xi32>], vector<16xf32>,
      %lt3A_200 = arith.cmpf olt, %gather3A, %sub3A_184 : vector<16xf32>
      %select_n3A_201 = arith.select %lt3A_200, %add3A_199, %select_n3A_196 : vector<16xi1>, vector<16xi32>
      %add3A_202 = arith.constant 4 : i32
      %add3A_203 = vector.broadcast %add3A_202 : i32 to vector<16xi32>
      %add3A_204 = arith.addi %select_n3A_201, %add3A_203 : vector<16xi32>
      %gather3A_205 = tpu.vector_load_idx %arg7[%add3A_204] : memref<80xf32, #tpu.memory_space<vmem>>[vector<16xi32>], vector<16xf32>,
      %lt3A_206 = arith.cmpf olt, %gather3A_205, %sub3A_184 : vector<16xf32>
      %select_n3A_207 = arith.select %lt3A_206, %add3A_204, %select_n3A_201 : vector<16xi1>, vector<16xi32>
      %add3A_208 = arith.constant 2 : i32
      %add3A_209 = vector.broadcast %add3A_208 : i32 to vector<16xi32>
      %add3A_210 = arith.addi %select_n3A_207, %add3A_209 : vector<16xi32>
      %gather3A_211 = tpu.vector_load_idx %arg7[%add3A_210] : memref<80xf32, #tpu.memory_space<vmem>>[vector<16xi32>], vector<16xf32>,
      %lt3A_212 = arith.cmpf olt, %gather3A_211, %sub3A_184 : vector<16xf32>
      %select_n3A_213 = arith.select %lt3A_212, %add3A_210, %select_n3A_207 : vector<16xi1>, vector<16xi32>
      %add3A_214 = arith.constant 1 : i32
      %add3A_215 = vector.broadcast %add3A_214 : i32 to vector<16xi32>
      %add3A_216 = arith.addi %select_n3A_213, %add3A_215 : vector<16xi32>
      %gather3A_217 = tpu.vector_load_idx %arg7[%add3A_216] : memref<80xf32, #tpu.memory_space<vmem>>[vector<16xi32>], vector<16xf32>,
      %lt3A_218 = arith.cmpf olt, %gather3A_217, %sub3A_184 : vector<16xf32>
      %select_n3A_219 = arith.select %lt3A_218, %add3A_216, %select_n3A_213 : vector<16xi1>, vector<16xi32>
      %add3A_220 = arith.constant 1 : i32
      %add3A_221 = vector.broadcast %add3A_220 : i32 to vector<16xi32>
      %add3A_222 = arith.addi %select_n3A_219, %add3A_221 : vector<16xi32>
      %mul3A_223 = arith.constant 16 : i32
      %mul3A_224 = arith.muli %scan3A_175, %mul3A_223 : i32
      %get3A_225 = arith.index_cast %mul3A_224 : i32 to index
      %get3A_226 = tpu.vector_load %arg9[%get3A_225] {strides = array<i32>} : memref<1040xi32, #tpu.memory_space<vmem>>, vector<16xi32>,
      %mul3A_227 = arith.constant 16 : i32
      %mul3A_228 = arith.muli %scan3A_175, %mul3A_227 : i32
      %add3A_229 = arith.constant 1 : i32
      %add3A_230 = arith.addi %mul3A_228, %add3A_229 : i32
      %get3A_231 = arith.index_cast %add3A_230 : i32 to index
      %get3A_232 = tpu.vector_load %arg10[%get3A_231] {strides = array<i32>} : memref<1040xi32, #tpu.memory_space<vmem>>, vector<16xi32>,
      %sub3A_233 = arith.subi %get3A_226, %add3A_222 : vector<16xi32>
      %max3A = arith.maxsi %scan3A_176, %sub3A_233 : vector<16xi32>
      %sub3A_234 = arith.subi %get3A_232, %get3A_226 : vector<16xi32>
      %max3A_235 = arith.maxsi %scan3A_177, %sub3A_234 : vector<16xi32>
      scf.yield %max3A, %max3A_235 : vector<16xi32>, vector<16xi32>
    }
    %scan3A_119 = arith.constant 64 : i32
    %reduce_max3A_120 = arith.constant true
    %reduce_max3A_121 = vector.broadcast %reduce_max3A_120 : i1 to vector<16xi1>
    %reduce_max3A_122 = arith.constant -2147483648 : i32
    %reduce_max3A_123 = vector.broadcast %reduce_max3A_122 : i32 to vector<16xi32>
    %reduce_max3A_124 = arith.xori %scan3A_118#0, %reduce_max3A_123 : vector<16xi32>
    %reduce_max3A_125 = tpu.scan <max>, %reduce_max3A_124 masked %reduce_max3A_121 : vector<16xi32>, vector<16xi1> -> vector<16xi32>
    %reduce_max3A_126 = arith.xori %reduce_max3A_125, %reduce_max3A_123 : vector<16xi32>
    %reduce_max3A_127 = vector.extract %reduce_max3A_126[15] : i32 from vector<16xi32>
    %eq3A_128 = arith.constant 0 : i32
    %eq3A_129 = arith.cmpi eq, %reduce_max3A_127, %eq3A_128 : i32
    %reduce_max3A_130 = arith.constant true
    %reduce_max3A_131 = vector.broadcast %reduce_max3A_130 : i1 to vector<16xi1>
    %reduce_max3A_132 = arith.constant -2147483648 : i32
    %reduce_max3A_133 = vector.broadcast %reduce_max3A_132 : i32 to vector<16xi32>
    %reduce_max3A_134 = arith.xori %scan3A_118#1, %reduce_max3A_133 : vector<16xi32>
    %reduce_max3A_135 = tpu.scan <max>, %reduce_max3A_134 masked %reduce_max3A_131 : vector<16xi32>, vector<16xi1> -> vector<16xi32>
    %reduce_max3A_136 = arith.xori %reduce_max3A_135, %reduce_max3A_133 : vector<16xi32>
    %reduce_max3A_137 = vector.extract %reduce_max3A_136[15] : i32 from vector<16xi32>
    %le3A = arith.constant 1 : i32
    %le3A_138 = arith.cmpi sle, %reduce_max3A_137, %le3A : i32
    %and3A = arith.andi %eq3A_129, %le3A_138 : i1
    %reduce_max3A_139 = arith.constant true
    %reduce_max3A_140 = vector.broadcast %reduce_max3A_139 : i1 to vector<16xi1>
    %reduce_max3A_141 = tpu.scan <max>, %sub3A_81 masked %reduce_max3A_140 : vector<16xf32>, vector<16xi1> -> vector<16xf32>
    %reduce_max3A_142 = vector.extract %reduce_max3A_141[15] : f32 from vector<16xf32>
    %gt3A_143 = arith.constant 0.000000e+00 : f32
    %gt3A_144 = arith.cmpf ogt, %reduce_max3A_142, %gt3A_143 : f32
    %and3A_145 = arith.andi %and3A, %gt3A_144 : i1
    %add3A_146 = arith.constant 0 : i32
    %add3A_147 = arith.addi %mul3A_2, %add3A_146 : i32
    %dma_start3A = tpu.memref_slice %arg2[%add3A_147] : memref<16777216xf32, #tpu.memory_space<hbm>> -> memref<8192xf32, #tpu.memory_space<hbm>>
    %dma_start3A_148 = tpu.memref_slice %arg2[%add3A_147] : memref<16777216xf32, #tpu.memory_space<hbm>> -> memref<8192xf32, #tpu.memory_space<hbm>>
    tpu.enqueue_dma source(%dma_start3A_148 : memref<8192xf32, #tpu.memory_space<hbm>>) target(%arg11 : memref<8192xf32, #tpu.memory_space<vmem>>) target_semaphore(%arg19 : memref<!tpu.dma_semaphore, #tpu.memory_space<semaphore_mem>>)
    %add3A_149 = arith.constant 8192 : i32
    %add3A_150 = arith.addi %mul3A_2, %add3A_149 : i32
    %dma_start3A_151 = tpu.memref_slice %arg2[%add3A_150] : memref<16777216xf32, #tpu.memory_space<hbm>> -> memref<8192xf32, #tpu.memory_space<hbm>>
    %dma_start3A_152 = tpu.memref_slice %arg2[%add3A_150] : memref<16777216xf32, #tpu.memory_space<hbm>> -> memref<8192xf32, #tpu.memory_space<hbm>>
    tpu.enqueue_dma source(%dma_start3A_152 : memref<8192xf32, #tpu.memory_space<hbm>>) target(%arg12 : memref<8192xf32, #tpu.memory_space<vmem>>) target_semaphore(%arg20 : memref<!tpu.dma_semaphore, #tpu.memory_space<semaphore_mem>>)
    %scan3A_153 = arith.constant 0 : i32
    %scan3A_154 = arith.constant 0 : i32
    %scan3A_155 = arith.constant 32 : i32
    %scan3A_156 = arith.addi %scan3A_154, %scan3A_155 : i32
    %scan3A_157 = arith.constant 1 : i32
    %scan3A_158 = scf.for %scan3A_175 = %scan3A_154 to %scan3A_156 step %scan3A_157 iter_args(%scan3A_176 = %scan3A_153) -> (i32)  : i32 {
      %mul3A_177 = arith.constant 2 : i32
      %mul3A_178 = arith.muli %scan3A_175, %mul3A_177 : i32
      %add3A_179 = arith.constant 0 : i32
      %add3A_180 = arith.addi %mul3A_178, %add3A_179 : i32
      %mul3A_181 = arith.constant 8192 : i32
      %mul3A_182 = arith.muli %add3A_180, %mul3A_181 : i32
      %add3A_183 = arith.addi %mul3A_2, %mul3A_182 : i32
      %dma_wait3A_184 = tpu.memref_slice %arg2[%add3A_183] : memref<16777216xf32, #tpu.memory_space<hbm>> -> memref<8192xf32, #tpu.memory_space<hbm>>
      %dma_wait3A_185 = tpu.memref_slice %arg2[%add3A_183] : memref<16777216xf32, #tpu.memory_space<hbm>> -> memref<8192xf32, #tpu.memory_space<hbm>>
      tpu.wait_dma2 semaphore(%arg19 : memref<!tpu.dma_semaphore, #tpu.memory_space<semaphore_mem>>) src(%dma_wait3A_185 : memref<8192xf32, #tpu.memory_space<hbm>>) dst(%arg11 : memref<8192xf32, #tpu.memory_space<vmem>>)
      %gt3A_186 = arith.constant 0 : i32
      %gt3A_187 = arith.cmpi sgt, %scan3A_175, %gt3A_186 : i32
      %convert_element_type3A = arith.extui %gt3A_187 : i1 to i32
      %cond3A = arith.constant 0 : i32
      %cond3A_188 = arith.cmpi ne, %convert_element_type3A, %cond3A : i32
      scf.if %cond3A_188 {
        %sub3A_246 = arith.constant 2 : i32
        %sub3A_247 = arith.subi %add3A_180, %sub3A_246 : i32
        %mul3A_248 = arith.constant 8192 : i32
        %mul3A_249 = arith.muli %sub3A_247, %mul3A_248 : i32
        %add3A_250 = arith.addi %mul3A_2, %mul3A_249 : i32
        %dma_wait3A_251 = tpu.memref_slice %arg4[%add3A_250] : memref<16777216xi32, #tpu.memory_space<hbm>> -> memref<8192xi32, #tpu.memory_space<hbm>>
        %dma_wait3A_252 = tpu.memref_slice %arg4[%add3A_250] : memref<16777216xi32, #tpu.memory_space<hbm>> -> memref<8192xi32, #tpu.memory_space<hbm>>
        tpu.wait_dma2 semaphore(%arg21 : memref<!tpu.dma_semaphore, #tpu.memory_space<semaphore_mem>>) src(%arg13 : memref<8192xi32, #tpu.memory_space<vmem>>) dst(%dma_wait3A_252 : memref<8192xi32, #tpu.memory_space<hbm>>)
        %dma_wait3A_253 = tpu.memref_slice %arg5[%add3A_250] : memref<16777216xi32, #tpu.memory_space<hbm>> -> memref<8192xi32, #tpu.memory_space<hbm>>
        %dma_wait3A_254 = tpu.memref_slice %arg5[%add3A_250] : memref<16777216xi32, #tpu.memory_space<hbm>> -> memref<8192xi32, #tpu.memory_space<hbm>>
        tpu.wait_dma2 semaphore(%arg21 : memref<!tpu.dma_semaphore, #tpu.memory_space<semaphore_mem>>) src(%arg15 : memref<8192xi32, #tpu.memory_space<vmem>>) dst(%dma_wait3A_254 : memref<8192xi32, #tpu.memory_space<hbm>>)
        %dma_wait3A_255 = tpu.memref_slice %arg6[%add3A_250] : memref<16777216xf32, #tpu.memory_space<hbm>> -> memref<8192xf32, #tpu.memory_space<hbm>>
        %dma_wait3A_256 = tpu.memref_slice %arg6[%add3A_250] : memref<16777216xf32, #tpu.memory_space<hbm>> -> memref<8192xf32, #tpu.memory_space<hbm>>
        tpu.wait_dma2 semaphore(%arg21 : memref<!tpu.dma_semaphore, #tpu.memory_space<semaphore_mem>>) src(%arg17 : memref<8192xf32, #tpu.memory_space<vmem>>) dst(%dma_wait3A_256 : memref<8192xf32, #tpu.memory_space<hbm>>)
      } else {
      }
      %convert_element_type3A_189 = arith.extui %and3A_145 : i1 to i32
      %cond3A_190 = arith.constant 0 : i32
      %cond3A_191 = arith.cmpi ne, %convert_element_type3A_189, %cond3A_190 : i32
      scf.if %cond3A_191 {
        %parallel_loop3A = arith.constant 0 : i32
        %parallel_loop3A_246 = arith.constant 512 : i32
        %parallel_loop3A_247 = arith.constant 1 : i32
        scf.for %parallel_loop3A_248 = %parallel_loop3A to %parallel_loop3A_246 step %parallel_loop3A_247  : i32 {
          %parallel_loop3A_249 = arith.constant 16 : i32
          %parallel_loop3A_250 = arith.muli %parallel_loop3A_248, %parallel_loop3A_249 : i32
          %parallel_loop3A_251 = arith.index_cast %parallel_loop3A_250 : i32 to index
          %parallel_loop3A_252 = tpu.vector_load %arg11[%parallel_loop3A_251] {strides = array<i32>} : memref<8192xf32, #tpu.memory_space<vmem>>, vector<16xf32>,
          %parallel_loop3A_253 = arith.subf %parallel_loop3A_252, %broadcast_in_dim3A_13 : vector<16xf32>
          %parallel_loop3A_254 = arith.mulf %parallel_loop3A_253, %div3A_92 : vector<16xf32>
          %parallel_loop3A_255 = arith.constant 1.023000e+03 : f32
          %parallel_loop3A_256 = vector.broadcast %parallel_loop3A_255 : f32 to vector<16xf32>
          %parallel_loop3A_257 = arith.minimumf %parallel_loop3A_254, %parallel_loop3A_256 : vector<16xf32>
          %parallel_loop3A_258 = arith.constant 0.000000e+00 : f32
          %parallel_loop3A_259 = vector.broadcast %parallel_loop3A_258 : f32 to vector<16xf32>
          %parallel_loop3A_260 = arith.maximumf %parallel_loop3A_257, %parallel_loop3A_259 : vector<16xf32>
          %parallel_loop3A_261 = arith.fptosi %parallel_loop3A_260 : vector<16xf32> to vector<16xi32>
          %parallel_loop3A_262 = tpu.vector_load_idx %arg9[%parallel_loop3A_261] : memref<1040xi32, #tpu.memory_space<vmem>>[vector<16xi32>], vector<16xi32>,
          %parallel_loop3A_263 = tpu.vector_load_idx %arg7[%parallel_loop3A_262] : memref<80xf32, #tpu.memory_space<vmem>>[vector<16xi32>], vector<16xf32>,
          %parallel_loop3A_264 = arith.cmpf olt, %parallel_loop3A_263, %parallel_loop3A_252 : vector<16xf32>
          %parallel_loop3A_265 = arith.constant 1 : i32
          %parallel_loop3A_266 = vector.broadcast %parallel_loop3A_265 : i32 to vector<16xi32>
          %parallel_loop3A_267 = arith.addi %parallel_loop3A_262, %parallel_loop3A_266 : vector<16xi32>
          %parallel_loop3A_268 = arith.select %parallel_loop3A_264, %parallel_loop3A_267, %parallel_loop3A_262 : vector<16xi1>, vector<16xi32>
          %parallel_loop3A_269 = arith.constant 63 : i32
          %parallel_loop3A_270 = vector.broadcast %parallel_loop3A_269 : i32 to vector<16xi32>
          %parallel_loop3A_271 = arith.minsi %parallel_loop3A_268, %parallel_loop3A_270 : vector<16xi32>
          %parallel_loop3A_272 = arith.cmpf olt, %parallel_loop3A_252, %broadcast_in_dim3A : vector<16xf32>
          %parallel_loop3A_273 = arith.constant 1 : i32
          %parallel_loop3A_274 = vector.broadcast %parallel_loop3A_273 : i32 to vector<16xi32>
          %parallel_loop3A_275 = arith.subi %parallel_loop3A_268, %parallel_loop3A_274 : vector<16xi32>
          %parallel_loop3A_276 = arith.constant 0 : i32
          %parallel_loop3A_277 = vector.broadcast %parallel_loop3A_276 : i32 to vector<16xi32>
          %parallel_loop3A_278 = arith.maxsi %parallel_loop3A_275, %parallel_loop3A_277 : vector<16xi32>
          %parallel_loop3A_279 = arith.constant 63 : i32
          %parallel_loop3A_280 = vector.broadcast %parallel_loop3A_279 : i32 to vector<16xi32>
          %parallel_loop3A_281 = arith.select %parallel_loop3A_272, %parallel_loop3A_278, %parallel_loop3A_280 : vector<16xi1>, vector<16xi32>
          %parallel_loop3A_282 = tpu.vector_load_idx %arg7[%parallel_loop3A_281] : memref<80xf32, #tpu.memory_space<vmem>>[vector<16xi32>], vector<16xf32>,
          %parallel_loop3A_283 = tpu.vector_load_idx %arg8[%parallel_loop3A_281] : memref<64xf32, #tpu.memory_space<vmem>>[vector<16xi32>], vector<16xf32>,
          %parallel_loop3A_284 = arith.subf %parallel_loop3A_252, %parallel_loop3A_282 : vector<16xf32>
          %parallel_loop3A_285 = arith.mulf %parallel_loop3A_284, %parallel_loop3A_283 : vector<16xf32>
          %parallel_loop3A_286 = arith.constant 0.000000e+00 : f32
          %parallel_loop3A_287 = vector.broadcast %parallel_loop3A_286 : f32 to vector<16xf32>
          %parallel_loop3A_288 = arith.maximumf %parallel_loop3A_285, %parallel_loop3A_287 : vector<16xf32>
          %parallel_loop3A_289 = arith.index_cast %parallel_loop3A_250 : i32 to index
          %parallel_loop3A_290 = tpu.vector_load %arg13[%parallel_loop3A_289] {strides = array<i32>} : memref<8192xi32, #tpu.memory_space<vmem>>, vector<16xi32>,
          tpu.vector_store %arg13[%parallel_loop3A_289], %parallel_loop3A_281 {strides = array<i32>} : memref<8192xi32, #tpu.memory_space<vmem>>, vector<16xi32>,
          %parallel_loop3A_291 = arith.index_cast %parallel_loop3A_250 : i32 to index
          %parallel_loop3A_292 = tpu.vector_load %arg15[%parallel_loop3A_291] {strides = array<i32>} : memref<8192xi32, #tpu.memory_space<vmem>>, vector<16xi32>,
          tpu.vector_store %arg15[%parallel_loop3A_291], %parallel_loop3A_271 {strides = array<i32>} : memref<8192xi32, #tpu.memory_space<vmem>>, vector<16xi32>,
          %parallel_loop3A_293 = arith.index_cast %parallel_loop3A_250 : i32 to index
          %parallel_loop3A_294 = tpu.vector_load %arg17[%parallel_loop3A_293] {strides = array<i32>} : memref<8192xf32, #tpu.memory_space<vmem>>, vector<16xf32>,
          tpu.vector_store %arg17[%parallel_loop3A_293], %parallel_loop3A_288 {strides = array<i32>} : memref<8192xf32, #tpu.memory_space<vmem>>, vector<16xf32>,
        } {sc.loop_unroll_factor = 8 : i64, sc.parallel_access}
      } else {
      }
      %not3A = arith.constant true
      %not3A_192 = arith.xori %and3A_145, %not3A : i1
      %convert_element_type3A_193 = arith.extui %not3A_192 : i1 to i32
      %cond3A_194 = arith.constant 0 : i32
      %cond3A_195 = arith.cmpi ne, %convert_element_type3A_193, %cond3A_194 : i32
      scf.if %cond3A_195 {
        %parallel_loop3A = arith.constant 0 : i32
        %parallel_loop3A_246 = arith.constant 512 : i32
        %parallel_loop3A_247 = arith.constant 1 : i32
        scf.for %parallel_loop3A_248 = %parallel_loop3A to %parallel_loop3A_246 step %parallel_loop3A_247  : i32 {
          %parallel_loop3A_249 = arith.constant 16 : i32
          %parallel_loop3A_250 = arith.muli %parallel_loop3A_248, %parallel_loop3A_249 : i32
          %parallel_loop3A_251 = arith.index_cast %parallel_loop3A_250 : i32 to index
          %parallel_loop3A_252 = tpu.vector_load %arg11[%parallel_loop3A_251] {strides = array<i32>} : memref<8192xf32, #tpu.memory_space<vmem>>, vector<16xf32>,
          %parallel_loop3A_253 = arith.cmpf olt, %broadcast_in_dim3A_20, %parallel_loop3A_252 : vector<16xf32>
          %parallel_loop3A_254 = arith.constant 31 : i32
          %parallel_loop3A_255 = vector.broadcast %parallel_loop3A_254 : i32 to vector<16xi32>
          %parallel_loop3A_256 = arith.constant -1 : i32
          %parallel_loop3A_257 = vector.broadcast %parallel_loop3A_256 : i32 to vector<16xi32>
          %parallel_loop3A_258 = arith.select %parallel_loop3A_253, %parallel_loop3A_255, %parallel_loop3A_257 : vector<16xi1>, vector<16xi32>
          %parallel_loop3A_259 = arith.cmpf olt, %broadcast_in_dim3A_20, %parallel_loop3A_252 : vector<16xf32>
          %parallel_loop3A_260 = arith.select %parallel_loop3A_259, %broadcast_in_dim3A_34, %broadcast_in_dim3A_27 : vector<16xi1>, vector<16xf32>
          %parallel_loop3A_261 = arith.cmpf olt, %parallel_loop3A_260, %parallel_loop3A_252 : vector<16xf32>
          %parallel_loop3A_262 = arith.constant 16 : i32
          %parallel_loop3A_263 = vector.broadcast %parallel_loop3A_262 : i32 to vector<16xi32>
          %parallel_loop3A_264 = arith.addi %parallel_loop3A_258, %parallel_loop3A_263 : vector<16xi32>
          %parallel_loop3A_265 = arith.select %parallel_loop3A_261, %parallel_loop3A_264, %parallel_loop3A_258 : vector<16xi1>, vector<16xi32>
          %parallel_loop3A_266 = arith.constant 8 : i32
          %parallel_loop3A_267 = vector.broadcast %parallel_loop3A_266 : i32 to vector<16xi32>
          %parallel_loop3A_268 = arith.addi %parallel_loop3A_265, %parallel_loop3A_267 : vector<16xi32>
          %parallel_loop3A_269 = tpu.vector_load_idx %arg7[%parallel_loop3A_268] : memref<80xf32, #tpu.memory_space<vmem>>[vector<16xi32>], vector<16xf32>,
          %parallel_loop3A_270 = arith.cmpf olt, %parallel_loop3A_269, %parallel_loop3A_252 : vector<16xf32>
          %parallel_loop3A_271 = arith.select %parallel_loop3A_270, %parallel_loop3A_268, %parallel_loop3A_265 : vector<16xi1>, vector<16xi32>
          %parallel_loop3A_272 = arith.constant 4 : i32
          %parallel_loop3A_273 = vector.broadcast %parallel_loop3A_272 : i32 to vector<16xi32>
          %parallel_loop3A_274 = arith.addi %parallel_loop3A_271, %parallel_loop3A_273 : vector<16xi32>
          %parallel_loop3A_275 = tpu.vector_load_idx %arg7[%parallel_loop3A_274] : memref<80xf32, #tpu.memory_space<vmem>>[vector<16xi32>], vector<16xf32>,
          %parallel_loop3A_276 = arith.cmpf olt, %parallel_loop3A_275, %parallel_loop3A_252 : vector<16xf32>
          %parallel_loop3A_277 = arith.select %parallel_loop3A_276, %parallel_loop3A_274, %parallel_loop3A_271 : vector<16xi1>, vector<16xi32>
          %parallel_loop3A_278 = arith.constant 2 : i32
          %parallel_loop3A_279 = vector.broadcast %parallel_loop3A_278 : i32 to vector<16xi32>
          %parallel_loop3A_280 = arith.addi %parallel_loop3A_277, %parallel_loop3A_279 : vector<16xi32>
          %parallel_loop3A_281 = tpu.vector_load_idx %arg7[%parallel_loop3A_280] : memref<80xf32, #tpu.memory_space<vmem>>[vector<16xi32>], vector<16xf32>,
          %parallel_loop3A_282 = arith.cmpf olt, %parallel_loop3A_281, %parallel_loop3A_252 : vector<16xf32>
          %parallel_loop3A_283 = arith.select %parallel_loop3A_282, %parallel_loop3A_280, %parallel_loop3A_277 : vector<16xi1>, vector<16xi32>
          %parallel_loop3A_284 = arith.constant 1 : i32
          %parallel_loop3A_285 = vector.broadcast %parallel_loop3A_284 : i32 to vector<16xi32>
          %parallel_loop3A_286 = arith.addi %parallel_loop3A_283, %parallel_loop3A_285 : vector<16xi32>
          %parallel_loop3A_287 = tpu.vector_load_idx %arg7[%parallel_loop3A_286] : memref<80xf32, #tpu.memory_space<vmem>>[vector<16xi32>], vector<16xf32>,
          %parallel_loop3A_288 = arith.cmpf olt, %parallel_loop3A_287, %parallel_loop3A_252 : vector<16xf32>
          %parallel_loop3A_289 = arith.select %parallel_loop3A_288, %parallel_loop3A_286, %parallel_loop3A_283 : vector<16xi1>, vector<16xi32>
          %parallel_loop3A_290 = arith.constant 1 : i32
          %parallel_loop3A_291 = vector.broadcast %parallel_loop3A_290 : i32 to vector<16xi32>
          %parallel_loop3A_292 = arith.addi %parallel_loop3A_289, %parallel_loop3A_291 : vector<16xi32>
          %parallel_loop3A_293 = arith.constant 63 : i32
          %parallel_loop3A_294 = vector.broadcast %parallel_loop3A_293 : i32 to vector<16xi32>
          %parallel_loop3A_295 = arith.minsi %parallel_loop3A_292, %parallel_loop3A_294 : vector<16xi32>
          %parallel_loop3A_296 = arith.cmpf olt, %parallel_loop3A_252, %broadcast_in_dim3A : vector<16xf32>
          %parallel_loop3A_297 = arith.constant 1 : i32
          %parallel_loop3A_298 = vector.broadcast %parallel_loop3A_297 : i32 to vector<16xi32>
          %parallel_loop3A_299 = arith.subi %parallel_loop3A_292, %parallel_loop3A_298 : vector<16xi32>
          %parallel_loop3A_300 = arith.constant 0 : i32
          %parallel_loop3A_301 = vector.broadcast %parallel_loop3A_300 : i32 to vector<16xi32>
          %parallel_loop3A_302 = arith.maxsi %parallel_loop3A_299, %parallel_loop3A_301 : vector<16xi32>
          %parallel_loop3A_303 = arith.constant 63 : i32
          %parallel_loop3A_304 = vector.broadcast %parallel_loop3A_303 : i32 to vector<16xi32>
          %parallel_loop3A_305 = arith.select %parallel_loop3A_296, %parallel_loop3A_302, %parallel_loop3A_304 : vector<16xi1>, vector<16xi32>
          %parallel_loop3A_306 = tpu.vector_load_idx %arg7[%parallel_loop3A_305] : memref<80xf32, #tpu.memory_space<vmem>>[vector<16xi32>], vector<16xf32>,
          %parallel_loop3A_307 = tpu.vector_load_idx %arg8[%parallel_loop3A_305] : memref<64xf32, #tpu.memory_space<vmem>>[vector<16xi32>], vector<16xf32>,
          %parallel_loop3A_308 = arith.subf %parallel_loop3A_252, %parallel_loop3A_306 : vector<16xf32>
          %parallel_loop3A_309 = arith.mulf %parallel_loop3A_308, %parallel_loop3A_307 : vector<16xf32>
          %parallel_loop3A_310 = arith.constant 0.000000e+00 : f32
          %parallel_loop3A_311 = vector.broadcast %parallel_loop3A_310 : f32 to vector<16xf32>
          %parallel_loop3A_312 = arith.maximumf %parallel_loop3A_309, %parallel_loop3A_311 : vector<16xf32>
          %parallel_loop3A_313 = arith.index_cast %parallel_loop3A_250 : i32 to index
          %parallel_loop3A_314 = tpu.vector_load %arg13[%parallel_loop3A_313] {strides = array<i32>} : memref<8192xi32, #tpu.memory_space<vmem>>, vector<16xi32>,
          tpu.vector_store %arg13[%parallel_loop3A_313], %parallel_loop3A_305 {strides = array<i32>} : memref<8192xi32, #tpu.memory_space<vmem>>, vector<16xi32>,
          %parallel_loop3A_315 = arith.index_cast %parallel_loop3A_250 : i32 to index
          %parallel_loop3A_316 = tpu.vector_load %arg15[%parallel_loop3A_315] {strides = array<i32>} : memref<8192xi32, #tpu.memory_space<vmem>>, vector<16xi32>,
          tpu.vector_store %arg15[%parallel_loop3A_315], %parallel_loop3A_295 {strides = array<i32>} : memref<8192xi32, #tpu.memory_space<vmem>>, vector<16xi32>,
          %parallel_loop3A_317 = arith.index_cast %parallel_loop3A_250 : i32 to index
          %parallel_loop3A_318 = tpu.vector_load %arg17[%parallel_loop3A_317] {strides = array<i32>} : memref<8192xf32, #tpu.memory_space<vmem>>, vector<16xf32>,
          tpu.vector_store %arg17[%parallel_loop3A_317], %parallel_loop3A_312 {strides = array<i32>} : memref<8192xf32, #tpu.memory_space<vmem>>, vector<16xf32>,
        } {sc.loop_unroll_factor = 8 : i64, sc.parallel_access}
      } else {
      }
      %mul3A_196 = arith.constant 8192 : i32
      %mul3A_197 = arith.muli %add3A_180, %mul3A_196 : i32
      %add3A_198 = arith.addi %mul3A_2, %mul3A_197 : i32
      %dma_start3A_199 = tpu.memref_slice %arg4[%add3A_198] : memref<16777216xi32, #tpu.memory_space<hbm>> -> memref<8192xi32, #tpu.memory_space<hbm>>
      %dma_start3A_200 = tpu.memref_slice %arg4[%add3A_198] : memref<16777216xi32, #tpu.memory_space<hbm>> -> memref<8192xi32, #tpu.memory_space<hbm>>
      tpu.enqueue_dma source(%arg13 : memref<8192xi32, #tpu.memory_space<vmem>>) target(%dma_start3A_200 : memref<8192xi32, #tpu.memory_space<hbm>>) target_semaphore(%arg21 : memref<!tpu.dma_semaphore, #tpu.memory_space<semaphore_mem>>)
      %dma_start3A_201 = tpu.memref_slice %arg5[%add3A_198] : memref<16777216xi32, #tpu.memory_space<hbm>> -> memref<8192xi32, #tpu.memory_space<hbm>>
      %dma_start3A_202 = tpu.memref_slice %arg5[%add3A_198] : memref<16777216xi32, #tpu.memory_space<hbm>> -> memref<8192xi32, #tpu.memory_space<hbm>>
      tpu.enqueue_dma source(%arg15 : memref<8192xi32, #tpu.memory_space<vmem>>) target(%dma_start3A_202 : memref<8192xi32, #tpu.memory_space<hbm>>) target_semaphore(%arg21 : memref<!tpu.dma_semaphore, #tpu.memory_space<semaphore_mem>>)
      %dma_start3A_203 = tpu.memref_slice %arg6[%add3A_198] : memref<16777216xf32, #tpu.memory_space<hbm>> -> memref<8192xf32, #tpu.memory_space<hbm>>
      %dma_start3A_204 = tpu.memref_slice %arg6[%add3A_198] : memref<16777216xf32, #tpu.memory_space<hbm>> -> memref<8192xf32, #tpu.memory_space<hbm>>
      tpu.enqueue_dma source(%arg17 : memref<8192xf32, #tpu.memory_space<vmem>>) target(%dma_start3A_204 : memref<8192xf32, #tpu.memory_space<hbm>>) target_semaphore(%arg21 : memref<!tpu.dma_semaphore, #tpu.memory_space<semaphore_mem>>)
      %lt3A = arith.constant 31 : i32
      %lt3A_205 = arith.cmpi slt, %scan3A_175, %lt3A : i32
      %convert_element_type3A_206 = arith.extui %lt3A_205 : i1 to i32
      %cond3A_207 = arith.constant 0 : i32
      %cond3A_208 = arith.cmpi ne, %convert_element_type3A_206, %cond3A_207 : i32
      scf.if %cond3A_208 {
        %add3A_246 = arith.constant 2 : i32
        %add3A_247 = arith.addi %add3A_180, %add3A_246 : i32
        %mul3A_248 = arith.constant 8192 : i32
        %mul3A_249 = arith.muli %add3A_247, %mul3A_248 : i32
        %add3A_250 = arith.addi %mul3A_2, %mul3A_249 : i32
        %dma_start3A_251 = tpu.memref_slice %arg2[%add3A_250] : memref<16777216xf32, #tpu.memory_space<hbm>> -> memref<8192xf32, #tpu.memory_space<hbm>>
        %dma_start3A_252 = tpu.memref_slice %arg2[%add3A_250] : memref<16777216xf32, #tpu.memory_space<hbm>> -> memref<8192xf32, #tpu.memory_space<hbm>>
        tpu.enqueue_dma source(%dma_start3A_252 : memref<8192xf32, #tpu.memory_space<hbm>>) target(%arg11 : memref<8192xf32, #tpu.memory_space<vmem>>) target_semaphore(%arg19 : memref<!tpu.dma_semaphore, #tpu.memory_space<semaphore_mem>>)
      } else {
      }
      %mul3A_209 = arith.constant 2 : i32
      %mul3A_210 = arith.muli %scan3A_175, %mul3A_209 : i32
      %add3A_211 = arith.constant 1 : i32
      %add3A_212 = arith.addi %mul3A_210, %add3A_211 : i32
      %mul3A_213 = arith.constant 8192 : i32
      %mul3A_214 = arith.muli %add3A_212, %mul3A_213 : i32
      %add3A_215 = arith.addi %mul3A_2, %mul3A_214 : i32
      %dma_wait3A_216 = tpu.memref_slice %arg2[%add3A_215] : memref<16777216xf32, #tpu.memory_space<hbm>> -> memref<8192xf32, #tpu.memory_space<hbm>>
      %dma_wait3A_217 = tpu.memref_slice %arg2[%add3A_215] : memref<16777216xf32, #tpu.memory_space<hbm>> -> memref<8192xf32, #tpu.memory_space<hbm>>
      tpu.wait_dma2 semaphore(%arg20 : memref<!tpu.dma_semaphore, #tpu.memory_space<semaphore_mem>>) src(%dma_wait3A_217 : memref<8192xf32, #tpu.memory_space<hbm>>) dst(%arg12 : memref<8192xf32, #tpu.memory_space<vmem>>)
      %gt3A_218 = arith.constant 0 : i32
      %gt3A_219 = arith.cmpi sgt, %scan3A_175, %gt3A_218 : i32
      %convert_element_type3A_220 = arith.extui %gt3A_219 : i1 to i32
      %cond3A_221 = arith.constant 0 : i32
      %cond3A_222 = arith.cmpi ne, %convert_element_type3A_220, %cond3A_221 : i32
      scf.if %cond3A_222 {
        %sub3A_246 = arith.constant 2 : i32
        %sub3A_247 = arith.subi %add3A_212, %sub3A_246 : i32
        %mul3A_248 = arith.constant 8192 : i32
        %mul3A_249 = arith.muli %sub3A_247, %mul3A_248 : i32
        %add3A_250 = arith.addi %mul3A_2, %mul3A_249 : i32
        %dma_wait3A_251 = tpu.memref_slice %arg4[%add3A_250] : memref<16777216xi32, #tpu.memory_space<hbm>> -> memref<8192xi32, #tpu.memory_space<hbm>>
        %dma_wait3A_252 = tpu.memref_slice %arg4[%add3A_250] : memref<16777216xi32, #tpu.memory_space<hbm>> -> memref<8192xi32, #tpu.memory_space<hbm>>
        tpu.wait_dma2 semaphore(%arg22 : memref<!tpu.dma_semaphore, #tpu.memory_space<semaphore_mem>>) src(%arg14 : memref<8192xi32, #tpu.memory_space<vmem>>) dst(%dma_wait3A_252 : memref<8192xi32, #tpu.memory_space<hbm>>)
        %dma_wait3A_253 = tpu.memref_slice %arg5[%add3A_250] : memref<16777216xi32, #tpu.memory_space<hbm>> -> memref<8192xi32, #tpu.memory_space<hbm>>
        %dma_wait3A_254 = tpu.memref_slice %arg5[%add3A_250] : memref<16777216xi32, #tpu.memory_space<hbm>> -> memref<8192xi32, #tpu.memory_space<hbm>>
        tpu.wait_dma2 semaphore(%arg22 : memref<!tpu.dma_semaphore, #tpu.memory_space<semaphore_mem>>) src(%arg16 : memref<8192xi32, #tpu.memory_space<vmem>>) dst(%dma_wait3A_254 : memref<8192xi32, #tpu.memory_space<hbm>>)
        %dma_wait3A_255 = tpu.memref_slice %arg6[%add3A_250] : memref<16777216xf32, #tpu.memory_space<hbm>> -> memref<8192xf32, #tpu.memory_space<hbm>>
        %dma_wait3A_256 = tpu.memref_slice %arg6[%add3A_250] : memref<16777216xf32, #tpu.memory_space<hbm>> -> memref<8192xf32, #tpu.memory_space<hbm>>
        tpu.wait_dma2 semaphore(%arg22 : memref<!tpu.dma_semaphore, #tpu.memory_space<semaphore_mem>>) src(%arg18 : memref<8192xf32, #tpu.memory_space<vmem>>) dst(%dma_wait3A_256 : memref<8192xf32, #tpu.memory_space<hbm>>)
      } else {
      }
      %convert_element_type3A_223 = arith.extui %and3A_145 : i1 to i32
      %cond3A_224 = arith.constant 0 : i32
      %cond3A_225 = arith.cmpi ne, %convert_element_type3A_223, %cond3A_224 : i32
      scf.if %cond3A_225 {
        %parallel_loop3A = arith.constant 0 : i32
        %parallel_loop3A_246 = arith.constant 512 : i32
        %parallel_loop3A_247 = arith.constant 1 : i32
        scf.for %parallel_loop3A_248 = %parallel_loop3A to %parallel_loop3A_246 step %parallel_loop3A_247  : i32 {
          %parallel_loop3A_249 = arith.constant 16 : i32
          %parallel_loop3A_250 = arith.muli %parallel_loop3A_248, %parallel_loop3A_249 : i32
          %parallel_loop3A_251 = arith.index_cast %parallel_loop3A_250 : i32 to index
          %parallel_loop3A_252 = tpu.vector_load %arg12[%parallel_loop3A_251] {strides = array<i32>} : memref<8192xf32, #tpu.memory_space<vmem>>, vector<16xf32>,
          %parallel_loop3A_253 = arith.subf %parallel_loop3A_252, %broadcast_in_dim3A_13 : vector<16xf32>
          %parallel_loop3A_254 = arith.mulf %parallel_loop3A_253, %div3A_92 : vector<16xf32>
          %parallel_loop3A_255 = arith.constant 1.023000e+03 : f32
          %parallel_loop3A_256 = vector.broadcast %parallel_loop3A_255 : f32 to vector<16xf32>
          %parallel_loop3A_257 = arith.minimumf %parallel_loop3A_254, %parallel_loop3A_256 : vector<16xf32>
          %parallel_loop3A_258 = arith.constant 0.000000e+00 : f32
          %parallel_loop3A_259 = vector.broadcast %parallel_loop3A_258 : f32 to vector<16xf32>
          %parallel_loop3A_260 = arith.maximumf %parallel_loop3A_257, %parallel_loop3A_259 : vector<16xf32>
          %parallel_loop3A_261 = arith.fptosi %parallel_loop3A_260 : vector<16xf32> to vector<16xi32>
          %parallel_loop3A_262 = tpu.vector_load_idx %arg9[%parallel_loop3A_261] : memref<1040xi32, #tpu.memory_space<vmem>>[vector<16xi32>], vector<16xi32>,
          %parallel_loop3A_263 = tpu.vector_load_idx %arg7[%parallel_loop3A_262] : memref<80xf32, #tpu.memory_space<vmem>>[vector<16xi32>], vector<16xf32>,
          %parallel_loop3A_264 = arith.cmpf olt, %parallel_loop3A_263, %parallel_loop3A_252 : vector<16xf32>
          %parallel_loop3A_265 = arith.constant 1 : i32
          %parallel_loop3A_266 = vector.broadcast %parallel_loop3A_265 : i32 to vector<16xi32>
          %parallel_loop3A_267 = arith.addi %parallel_loop3A_262, %parallel_loop3A_266 : vector<16xi32>
          %parallel_loop3A_268 = arith.select %parallel_loop3A_264, %parallel_loop3A_267, %parallel_loop3A_262 : vector<16xi1>, vector<16xi32>
          %parallel_loop3A_269 = arith.constant 63 : i32
          %parallel_loop3A_270 = vector.broadcast %parallel_loop3A_269 : i32 to vector<16xi32>
          %parallel_loop3A_271 = arith.minsi %parallel_loop3A_268, %parallel_loop3A_270 : vector<16xi32>
          %parallel_loop3A_272 = arith.cmpf olt, %parallel_loop3A_252, %broadcast_in_dim3A : vector<16xf32>
          %parallel_loop3A_273 = arith.constant 1 : i32
          %parallel_loop3A_274 = vector.broadcast %parallel_loop3A_273 : i32 to vector<16xi32>
          %parallel_loop3A_275 = arith.subi %parallel_loop3A_268, %parallel_loop3A_274 : vector<16xi32>
          %parallel_loop3A_276 = arith.constant 0 : i32
          %parallel_loop3A_277 = vector.broadcast %parallel_loop3A_276 : i32 to vector<16xi32>
          %parallel_loop3A_278 = arith.maxsi %parallel_loop3A_275, %parallel_loop3A_277 : vector<16xi32>
          %parallel_loop3A_279 = arith.constant 63 : i32
          %parallel_loop3A_280 = vector.broadcast %parallel_loop3A_279 : i32 to vector<16xi32>
          %parallel_loop3A_281 = arith.select %parallel_loop3A_272, %parallel_loop3A_278, %parallel_loop3A_280 : vector<16xi1>, vector<16xi32>
          %parallel_loop3A_282 = tpu.vector_load_idx %arg7[%parallel_loop3A_281] : memref<80xf32, #tpu.memory_space<vmem>>[vector<16xi32>], vector<16xf32>,
          %parallel_loop3A_283 = tpu.vector_load_idx %arg8[%parallel_loop3A_281] : memref<64xf32, #tpu.memory_space<vmem>>[vector<16xi32>], vector<16xf32>,
          %parallel_loop3A_284 = arith.subf %parallel_loop3A_252, %parallel_loop3A_282 : vector<16xf32>
          %parallel_loop3A_285 = arith.mulf %parallel_loop3A_284, %parallel_loop3A_283 : vector<16xf32>
          %parallel_loop3A_286 = arith.constant 0.000000e+00 : f32
          %parallel_loop3A_287 = vector.broadcast %parallel_loop3A_286 : f32 to vector<16xf32>
          %parallel_loop3A_288 = arith.maximumf %parallel_loop3A_285, %parallel_loop3A_287 : vector<16xf32>
          %parallel_loop3A_289 = arith.index_cast %parallel_loop3A_250 : i32 to index
          %parallel_loop3A_290 = tpu.vector_load %arg14[%parallel_loop3A_289] {strides = array<i32>} : memref<8192xi32, #tpu.memory_space<vmem>>, vector<16xi32>,
          tpu.vector_store %arg14[%parallel_loop3A_289], %parallel_loop3A_281 {strides = array<i32>} : memref<8192xi32, #tpu.memory_space<vmem>>, vector<16xi32>,
          %parallel_loop3A_291 = arith.index_cast %parallel_loop3A_250 : i32 to index
          %parallel_loop3A_292 = tpu.vector_load %arg16[%parallel_loop3A_291] {strides = array<i32>} : memref<8192xi32, #tpu.memory_space<vmem>>, vector<16xi32>,
          tpu.vector_store %arg16[%parallel_loop3A_291], %parallel_loop3A_271 {strides = array<i32>} : memref<8192xi32, #tpu.memory_space<vmem>>, vector<16xi32>,
          %parallel_loop3A_293 = arith.index_cast %parallel_loop3A_250 : i32 to index
          %parallel_loop3A_294 = tpu.vector_load %arg18[%parallel_loop3A_293] {strides = array<i32>} : memref<8192xf32, #tpu.memory_space<vmem>>, vector<16xf32>,
          tpu.vector_store %arg18[%parallel_loop3A_293], %parallel_loop3A_288 {strides = array<i32>} : memref<8192xf32, #tpu.memory_space<vmem>>, vector<16xf32>,
        } {sc.loop_unroll_factor = 8 : i64, sc.parallel_access}
      } else {
      }
      %not3A_226 = arith.constant true
      %not3A_227 = arith.xori %and3A_145, %not3A_226 : i1
      %convert_element_type3A_228 = arith.extui %not3A_227 : i1 to i32
      %cond3A_229 = arith.constant 0 : i32
      %cond3A_230 = arith.cmpi ne, %convert_element_type3A_228, %cond3A_229 : i32
      scf.if %cond3A_230 {
        %parallel_loop3A = arith.constant 0 : i32
        %parallel_loop3A_246 = arith.constant 512 : i32
        %parallel_loop3A_247 = arith.constant 1 : i32
        scf.for %parallel_loop3A_248 = %parallel_loop3A to %parallel_loop3A_246 step %parallel_loop3A_247  : i32 {
          %parallel_loop3A_249 = arith.constant 16 : i32
          %parallel_loop3A_250 = arith.muli %parallel_loop3A_248, %parallel_loop3A_249 : i32
          %parallel_loop3A_251 = arith.index_cast %parallel_loop3A_250 : i32 to index
          %parallel_loop3A_252 = tpu.vector_load %arg12[%parallel_loop3A_251] {strides = array<i32>} : memref<8192xf32, #tpu.memory_space<vmem>>, vector<16xf32>,
          %parallel_loop3A_253 = arith.cmpf olt, %broadcast_in_dim3A_20, %parallel_loop3A_252 : vector<16xf32>
          %parallel_loop3A_254 = arith.constant 31 : i32
          %parallel_loop3A_255 = vector.broadcast %parallel_loop3A_254 : i32 to vector<16xi32>
          %parallel_loop3A_256 = arith.constant -1 : i32
          %parallel_loop3A_257 = vector.broadcast %parallel_loop3A_256 : i32 to vector<16xi32>
          %parallel_loop3A_258 = arith.select %parallel_loop3A_253, %parallel_loop3A_255, %parallel_loop3A_257 : vector<16xi1>, vector<16xi32>
          %parallel_loop3A_259 = arith.cmpf olt, %broadcast_in_dim3A_20, %parallel_loop3A_252 : vector<16xf32>
          %parallel_loop3A_260 = arith.select %parallel_loop3A_259, %broadcast_in_dim3A_34, %broadcast_in_dim3A_27 : vector<16xi1>, vector<16xf32>
          %parallel_loop3A_261 = arith.cmpf olt, %parallel_loop3A_260, %parallel_loop3A_252 : vector<16xf32>
          %parallel_loop3A_262 = arith.constant 16 : i32
          %parallel_loop3A_263 = vector.broadcast %parallel_loop3A_262 : i32 to vector<16xi32>
          %parallel_loop3A_264 = arith.addi %parallel_loop3A_258, %parallel_loop3A_263 : vector<16xi32>
          %parallel_loop3A_265 = arith.select %parallel_loop3A_261, %parallel_loop3A_264, %parallel_loop3A_258 : vector<16xi1>, vector<16xi32>
          %parallel_loop3A_266 = arith.constant 8 : i32
          %parallel_loop3A_267 = vector.broadcast %parallel_loop3A_266 : i32 to vector<16xi32>
          %parallel_loop3A_268 = arith.addi %parallel_loop3A_265, %parallel_loop3A_267 : vector<16xi32>
          %parallel_loop3A_269 = tpu.vector_load_idx %arg7[%parallel_loop3A_268] : memref<80xf32, #tpu.memory_space<vmem>>[vector<16xi32>], vector<16xf32>,
          %parallel_loop3A_270 = arith.cmpf olt, %parallel_loop3A_269, %parallel_loop3A_252 : vector<16xf32>
          %parallel_loop3A_271 = arith.select %parallel_loop3A_270, %parallel_loop3A_268, %parallel_loop3A_265 : vector<16xi1>, vector<16xi32>
          %parallel_loop3A_272 = arith.constant 4 : i32
          %parallel_loop3A_273 = vector.broadcast %parallel_loop3A_272 : i32 to vector<16xi32>
          %parallel_loop3A_274 = arith.addi %parallel_loop3A_271, %parallel_loop3A_273 : vector<16xi32>
          %parallel_loop3A_275 = tpu.vector_load_idx %arg7[%parallel_loop3A_274] : memref<80xf32, #tpu.memory_space<vmem>>[vector<16xi32>], vector<16xf32>,
          %parallel_loop3A_276 = arith.cmpf olt, %parallel_loop3A_275, %parallel_loop3A_252 : vector<16xf32>
          %parallel_loop3A_277 = arith.select %parallel_loop3A_276, %parallel_loop3A_274, %parallel_loop3A_271 : vector<16xi1>, vector<16xi32>
          %parallel_loop3A_278 = arith.constant 2 : i32
          %parallel_loop3A_279 = vector.broadcast %parallel_loop3A_278 : i32 to vector<16xi32>
          %parallel_loop3A_280 = arith.addi %parallel_loop3A_277, %parallel_loop3A_279 : vector<16xi32>
          %parallel_loop3A_281 = tpu.vector_load_idx %arg7[%parallel_loop3A_280] : memref<80xf32, #tpu.memory_space<vmem>>[vector<16xi32>], vector<16xf32>,
          %parallel_loop3A_282 = arith.cmpf olt, %parallel_loop3A_281, %parallel_loop3A_252 : vector<16xf32>
          %parallel_loop3A_283 = arith.select %parallel_loop3A_282, %parallel_loop3A_280, %parallel_loop3A_277 : vector<16xi1>, vector<16xi32>
          %parallel_loop3A_284 = arith.constant 1 : i32
          %parallel_loop3A_285 = vector.broadcast %parallel_loop3A_284 : i32 to vector<16xi32>
          %parallel_loop3A_286 = arith.addi %parallel_loop3A_283, %parallel_loop3A_285 : vector<16xi32>
          %parallel_loop3A_287 = tpu.vector_load_idx %arg7[%parallel_loop3A_286] : memref<80xf32, #tpu.memory_space<vmem>>[vector<16xi32>], vector<16xf32>,
          %parallel_loop3A_288 = arith.cmpf olt, %parallel_loop3A_287, %parallel_loop3A_252 : vector<16xf32>
          %parallel_loop3A_289 = arith.select %parallel_loop3A_288, %parallel_loop3A_286, %parallel_loop3A_283 : vector<16xi1>, vector<16xi32>
          %parallel_loop3A_290 = arith.constant 1 : i32
          %parallel_loop3A_291 = vector.broadcast %parallel_loop3A_290 : i32 to vector<16xi32>
          %parallel_loop3A_292 = arith.addi %parallel_loop3A_289, %parallel_loop3A_291 : vector<16xi32>
          %parallel_loop3A_293 = arith.constant 63 : i32
          %parallel_loop3A_294 = vector.broadcast %parallel_loop3A_293 : i32 to vector<16xi32>
          %parallel_loop3A_295 = arith.minsi %parallel_loop3A_292, %parallel_loop3A_294 : vector<16xi32>
          %parallel_loop3A_296 = arith.cmpf olt, %parallel_loop3A_252, %broadcast_in_dim3A : vector<16xf32>
          %parallel_loop3A_297 = arith.constant 1 : i32
          %parallel_loop3A_298 = vector.broadcast %parallel_loop3A_297 : i32 to vector<16xi32>
          %parallel_loop3A_299 = arith.subi %parallel_loop3A_292, %parallel_loop3A_298 : vector<16xi32>
          %parallel_loop3A_300 = arith.constant 0 : i32
          %parallel_loop3A_301 = vector.broadcast %parallel_loop3A_300 : i32 to vector<16xi32>
          %parallel_loop3A_302 = arith.maxsi %parallel_loop3A_299, %parallel_loop3A_301 : vector<16xi32>
          %parallel_loop3A_303 = arith.constant 63 : i32
          %parallel_loop3A_304 = vector.broadcast %parallel_loop3A_303 : i32 to vector<16xi32>
          %parallel_loop3A_305 = arith.select %parallel_loop3A_296, %parallel_loop3A_302, %parallel_loop3A_304 : vector<16xi1>, vector<16xi32>
          %parallel_loop3A_306 = tpu.vector_load_idx %arg7[%parallel_loop3A_305] : memref<80xf32, #tpu.memory_space<vmem>>[vector<16xi32>], vector<16xf32>,
          %parallel_loop3A_307 = tpu.vector_load_idx %arg8[%parallel_loop3A_305] : memref<64xf32, #tpu.memory_space<vmem>>[vector<16xi32>], vector<16xf32>,
          %parallel_loop3A_308 = arith.subf %parallel_loop3A_252, %parallel_loop3A_306 : vector<16xf32>
          %parallel_loop3A_309 = arith.mulf %parallel_loop3A_308, %parallel_loop3A_307 : vector<16xf32>
          %parallel_loop3A_310 = arith.constant 0.000000e+00 : f32
          %parallel_loop3A_311 = vector.broadcast %parallel_loop3A_310 : f32 to vector<16xf32>
          %parallel_loop3A_312 = arith.maximumf %parallel_loop3A_309, %parallel_loop3A_311 : vector<16xf32>
          %parallel_loop3A_313 = arith.index_cast %parallel_loop3A_250 : i32 to index
          %parallel_loop3A_314 = tpu.vector_load %arg14[%parallel_loop3A_313] {strides = array<i32>} : memref<8192xi32, #tpu.memory_space<vmem>>, vector<16xi32>,
          tpu.vector_store %arg14[%parallel_loop3A_313], %parallel_loop3A_305 {strides = array<i32>} : memref<8192xi32, #tpu.memory_space<vmem>>, vector<16xi32>,
          %parallel_loop3A_315 = arith.index_cast %parallel_loop3A_250 : i32 to index
          %parallel_loop3A_316 = tpu.vector_load %arg16[%parallel_loop3A_315] {strides = array<i32>} : memref<8192xi32, #tpu.memory_space<vmem>>, vector<16xi32>,
          tpu.vector_store %arg16[%parallel_loop3A_315], %parallel_loop3A_295 {strides = array<i32>} : memref<8192xi32, #tpu.memory_space<vmem>>, vector<16xi32>,
          %parallel_loop3A_317 = arith.index_cast %parallel_loop3A_250 : i32 to index
          %parallel_loop3A_318 = tpu.vector_load %arg18[%parallel_loop3A_317] {strides = array<i32>} : memref<8192xf32, #tpu.memory_space<vmem>>, vector<16xf32>,
          tpu.vector_store %arg18[%parallel_loop3A_317], %parallel_loop3A_312 {strides = array<i32>} : memref<8192xf32, #tpu.memory_space<vmem>>, vector<16xf32>,
        } {sc.loop_unroll_factor = 8 : i64, sc.parallel_access}
      } else {
      }
      %mul3A_231 = arith.constant 8192 : i32
      %mul3A_232 = arith.muli %add3A_212, %mul3A_231 : i32
      %add3A_233 = arith.addi %mul3A_2, %mul3A_232 : i32
      %dma_start3A_234 = tpu.memref_slice %arg4[%add3A_233] : memref<16777216xi32, #tpu.memory_space<hbm>> -> memref<8192xi32, #tpu.memory_space<hbm>>
      %dma_start3A_235 = tpu.memref_slice %arg4[%add3A_233] : memref<16777216xi32, #tpu.memory_space<hbm>> -> memref<8192xi32, #tpu.memory_space<hbm>>
      tpu.enqueue_dma source(%arg14 : memref<8192xi32, #tpu.memory_space<vmem>>) target(%dma_start3A_235 : memref<8192xi32, #tpu.memory_space<hbm>>) target_semaphore(%arg22 : memref<!tpu.dma_semaphore, #tpu.memory_space<semaphore_mem>>)
      %dma_start3A_236 = tpu.memref_slice %arg5[%add3A_233] : memref<16777216xi32, #tpu.memory_space<hbm>> -> memref<8192xi32, #tpu.memory_space<hbm>>
      %dma_start3A_237 = tpu.memref_slice %arg5[%add3A_233] : memref<16777216xi32, #tpu.memory_space<hbm>> -> memref<8192xi32, #tpu.memory_space<hbm>>
      tpu.enqueue_dma source(%arg16 : memref<8192xi32, #tpu.memory_space<vmem>>) target(%dma_start3A_237 : memref<8192xi32, #tpu.memory_space<hbm>>) target_semaphore(%arg22 : memref<!tpu.dma_semaphore, #tpu.memory_space<semaphore_mem>>)
      %dma_start3A_238 = tpu.memref_slice %arg6[%add3A_233] : memref<16777216xf32, #tpu.memory_space<hbm>> -> memref<8192xf32, #tpu.memory_space<hbm>>
      %dma_start3A_239 = tpu.memref_slice %arg6[%add3A_233] : memref<16777216xf32, #tpu.memory_space<hbm>> -> memref<8192xf32, #tpu.memory_space<hbm>>
      tpu.enqueue_dma source(%arg18 : memref<8192xf32, #tpu.memory_space<vmem>>) target(%dma_start3A_239 : memref<8192xf32, #tpu.memory_space<hbm>>) target_semaphore(%arg22 : memref<!tpu.dma_semaphore, #tpu.memory_space<semaphore_mem>>)
      %lt3A_240 = arith.constant 31 : i32
      %lt3A_241 = arith.cmpi slt, %scan3A_175, %lt3A_240 : i32
      %convert_element_type3A_242 = arith.extui %lt3A_241 : i1 to i32
      %cond3A_243 = arith.constant 0 : i32
      %cond3A_244 = arith.cmpi ne, %convert_element_type3A_242, %cond3A_243 : i32
      scf.if %cond3A_244 {
        %add3A_246 = arith.constant 2 : i32
        %add3A_247 = arith.addi %add3A_212, %add3A_246 : i32
        %mul3A_248 = arith.constant 8192 : i32
        %mul3A_249 = arith.muli %add3A_247, %mul3A_248 : i32
        %add3A_250 = arith.addi %mul3A_2, %mul3A_249 : i32
        %dma_start3A_251 = tpu.memref_slice %arg2[%add3A_250] : memref<16777216xf32, #tpu.memory_space<hbm>> -> memref<8192xf32, #tpu.memory_space<hbm>>
        %dma_start3A_252 = tpu.memref_slice %arg2[%add3A_250] : memref<16777216xf32, #tpu.memory_space<hbm>> -> memref<8192xf32, #tpu.memory_space<hbm>>
        tpu.enqueue_dma source(%dma_start3A_252 : memref<8192xf32, #tpu.memory_space<hbm>>) target(%arg12 : memref<8192xf32, #tpu.memory_space<vmem>>) target_semaphore(%arg20 : memref<!tpu.dma_semaphore, #tpu.memory_space<semaphore_mem>>)
      } else {
      }
      %scan3A_245 = arith.constant 0 : i32
      scf.yield %scan3A_245 : i32
    }
    %scan3A_159 = arith.constant 32 : i32
    %add3A_160 = arith.constant 507904 : i32
    %add3A_161 = arith.addi %mul3A_2, %add3A_160 : i32
    %dma_wait3A = tpu.memref_slice %arg4[%add3A_161] : memref<16777216xi32, #tpu.memory_space<hbm>> -> memref<8192xi32, #tpu.memory_space<hbm>>
    %dma_wait3A_162 = tpu.memref_slice %arg4[%add3A_161] : memref<16777216xi32, #tpu.memory_space<hbm>> -> memref<8192xi32, #tpu.memory_space<hbm>>
    tpu.wait_dma2 semaphore(%arg21 : memref<!tpu.dma_semaphore, #tpu.memory_space<semaphore_mem>>) src(%arg13 : memref<8192xi32, #tpu.memory_space<vmem>>) dst(%dma_wait3A_162 : memref<8192xi32, #tpu.memory_space<hbm>>)
    %dma_wait3A_163 = tpu.memref_slice %arg5[%add3A_161] : memref<16777216xi32, #tpu.memory_space<hbm>> -> memref<8192xi32, #tpu.memory_space<hbm>>
    %dma_wait3A_164 = tpu.memref_slice %arg5[%add3A_161] : memref<16777216xi32, #tpu.memory_space<hbm>> -> memref<8192xi32, #tpu.memory_space<hbm>>
    tpu.wait_dma2 semaphore(%arg21 : memref<!tpu.dma_semaphore, #tpu.memory_space<semaphore_mem>>) src(%arg15 : memref<8192xi32, #tpu.memory_space<vmem>>) dst(%dma_wait3A_164 : memref<8192xi32, #tpu.memory_space<hbm>>)
    %dma_wait3A_165 = tpu.memref_slice %arg6[%add3A_161] : memref<16777216xf32, #tpu.memory_space<hbm>> -> memref<8192xf32, #tpu.memory_space<hbm>>
    %dma_wait3A_166 = tpu.memref_slice %arg6[%add3A_161] : memref<16777216xf32, #tpu.memory_space<hbm>> -> memref<8192xf32, #tpu.memory_space<hbm>>
    tpu.wait_dma2 semaphore(%arg21 : memref<!tpu.dma_semaphore, #tpu.memory_space<semaphore_mem>>) src(%arg17 : memref<8192xf32, #tpu.memory_space<vmem>>) dst(%dma_wait3A_166 : memref<8192xf32, #tpu.memory_space<hbm>>)
    %add3A_167 = arith.constant 516096 : i32
    %add3A_168 = arith.addi %mul3A_2, %add3A_167 : i32
    %dma_wait3A_169 = tpu.memref_slice %arg4[%add3A_168] : memref<16777216xi32, #tpu.memory_space<hbm>> -> memref<8192xi32, #tpu.memory_space<hbm>>
    %dma_wait3A_170 = tpu.memref_slice %arg4[%add3A_168] : memref<16777216xi32, #tpu.memory_space<hbm>> -> memref<8192xi32, #tpu.memory_space<hbm>>
    tpu.wait_dma2 semaphore(%arg22 : memref<!tpu.dma_semaphore, #tpu.memory_space<semaphore_mem>>) src(%arg14 : memref<8192xi32, #tpu.memory_space<vmem>>) dst(%dma_wait3A_170 : memref<8192xi32, #tpu.memory_space<hbm>>)
    %dma_wait3A_171 = tpu.memref_slice %arg5[%add3A_168] : memref<16777216xi32, #tpu.memory_space<hbm>> -> memref<8192xi32, #tpu.memory_space<hbm>>
    %dma_wait3A_172 = tpu.memref_slice %arg5[%add3A_168] : memref<16777216xi32, #tpu.memory_space<hbm>> -> memref<8192xi32, #tpu.memory_space<hbm>>
    tpu.wait_dma2 semaphore(%arg22 : memref<!tpu.dma_semaphore, #tpu.memory_space<semaphore_mem>>) src(%arg16 : memref<8192xi32, #tpu.memory_space<vmem>>) dst(%dma_wait3A_172 : memref<8192xi32, #tpu.memory_space<hbm>>)
    %dma_wait3A_173 = tpu.memref_slice %arg6[%add3A_168] : memref<16777216xf32, #tpu.memory_space<hbm>> -> memref<8192xf32, #tpu.memory_space<hbm>>
    %dma_wait3A_174 = tpu.memref_slice %arg6[%add3A_168] : memref<16777216xf32, #tpu.memory_space<hbm>> -> memref<8192xf32, #tpu.memory_space<hbm>>
    tpu.wait_dma2 semaphore(%arg22 : memref<!tpu.dma_semaphore, #tpu.memory_space<semaphore_mem>>) src(%arg18 : memref<8192xf32, #tpu.memory_space<vmem>>) dst(%dma_wait3A_174 : memref<8192xf32, #tpu.memory_space<hbm>>)
    return
  }
}

</mosaic_0001>

<sc_bundles>
// kernel: _time_indexer_sc.3.cloned.1.call-start
scs
__scs_entry_jumppad:
0x0: {  	(pc) =	sbr.rel $0x88, $3  }
0x1: {  	(tag) =	ssettag $0x0;
	lr =	simm.s32 $0x1  }
0x2: {  	[smem:$0x3F9F] =	sst lr;
	_ =	strace $0xD0000000  }
0x3: {  	_ = 	snop  }
0x4: {  	_ = 	snop  }
0x5: {  	_ = 	snop  }
0x6: {  	_ = 	snop  }
0x7: {  	_ = 	snop  }
__scs_overlays_trampoline_lowered:
0x8: {  	[smem:$0x3FAE] =	sst s0  }
0x9: {  	[smem:$0x3FAF] =	sst s1  }
0xa: {  	[smem:$0x3FB0] =	sst s2  }
0xb: {  	[smem:$0x3FB1] =	sst s3  }
0xc: {  	[smem:$0x3FB2] =	sst s4  }
0xd: {  	[smem:$0x3FB3] =	sst s5  }
0xe: {  	[smem:$0x3FB4] =	sst s6  }
0xf: {  	[smem:$0x3FB5] =	sst s7  }
0x10: {  	[smem:$0x3FB6] =	sst s8  }
0x11: {  	[smem:$0x3FB7] =	sst s9;
	s0 =	simm.s32 @!p0 $0x0  }
0x12: {  	s1 =	sld [smem:$0x3F9D];
	s0 =	simm.s32 @p0 $0x1  }
0x13: {  	[smem:$0x3FB8] =	sst s0;
	s0 =	simm.s32 @!p1 $0x0  }
0x14: {  	s2 =	sld [smem:$0x3F9C];
	s0 =	simm.s32 @p1 $0x1  }
0x15: {  	[smem:$0x3FB9] =	sst s0;
	s0 =	simm.s32 @!p2 $0x0  }
0x16: {  	s3 =	sld [smem:$0x3FDB];
	s0 =	simm.s32 @p2 $0x1  }
0x17: {  	s4 =	simm.s32 $0x1BF5;
	[smem:$0x3FBB] =	sst s0  }
0x18: {  	s0 =	sld [smem:$0x3F9E];
	_ =	swait.ge [sflag:s4], $0x0  }
0x19: {  	s7 =	sld [smem:$0x3F9F]  }
0x1a: {  	s8 =	sadd.s32 $0xFFFFE003, lr  }
0x1b: {  	s9 =	sadd.s32 $0xFFFFFEF7, lr;
	s5 =	simm.s32 $0xFFFFFFFF;
	p2 =	slt.u32 s8, $0xFFFFF086  }
0x1c: {  	p1 =	slt.u32 s9, $0xF7A;
	s5 =	simm.s32 @!p2 $0x0  }
0x1d: {  	s5 =	simm.s32 @p1 $0x1;
	p0 =	seq.s32 s7, s2  }
0x1e: {  	s7 =	smul.u32 @!p0 $0xF7A, s2;
	p2 =	seq.s32 @!p0 s5, $0x0  }
0x1f: {  	s9 =	smul.u32 $0xF7A, s1;
	s8 =	simm.s32 @!p0 $0x1BF5;
	p2 =	por !p2, p0  }
0x20: {  	[sflag:s8] =	ssyncset.s32 @!p0 $0xFFFFF086;
	s6 =	sadd.s32 @!p0 s3, s7;
	s7 =	simm.s32 @!p0 $0x108  }
0x21: {  	s3 =	sadd.s32 s3, s9;
	s6 =	sadd.s32 @!p0 $0x88, s6;
	s7 =	simm.s32 @p2 $0x1082  }
0x22: {  	[simem:s7], [sflag:s8] =	dma.local @!p0 [hbm:s6], $0xF7A  }
0x23: {  	s9 =	sor.u32 $0xD0000000, s2;
	s6 =	simm.s32 $0x108;
	_ =	swait.ge @!p0 [sflag:s8], $0x0  }
0x24: {  	s3 =	sadd.s32 $0x88, s3;
	s6 =	simm.s32 @!p1 $0x1082;
	[sflag:s4] =	ssyncset.s32 $0xFFFFF086  }
0x25: {  	[simem:s6], [sflag:s4] =	dma.local [hbm:s3], $0xF7A  }
0x26: {  	[smem:$0x3F9F] =	sst s1;
	(tag) =	ssettag s2;
	_ =	strace s9  }
0x27: {  	s1 =	sld [smem:$0x3FAF]  }
0x28: {  	s2 =	sld [smem:$0x3FB0]  }
0x29: {  	s4 =	sld [smem:$0x3FB2]  }
0x2a: {  	p0 =	seq.s32 s5, $0x0;
	s5 =	sld [smem:$0x3FB3]  }
0x2b: {  	s6 =	sld [smem:$0x3FB4]  }
0x2c: {  	s7 =	sld [smem:$0x3FB5]  }
0x2d: {  	s3 =	simm.s32 $0x108;
	s8 =	sld [smem:$0x3FB6]  }
0x2e: {  	s3 =	simm.s32 @!p0 $0x1082;
	s9 =	sld [smem:$0x3FB7]  }
0x2f: {  	lr =	sadd.s32 s0, s3;
	s0 =	sld [smem:$0x3FAE]  }
0x30: {  	s3 =	sld [smem:$0x3FB1]  }
0x31: {  	[smem:$0x3FBA] =	sst s10  }
0x32: {  	s10 =	sld [smem:$0x3FB8];
	_ =	sdelay $0x3  }
0x33: {  	p0 =	seq.s32 s10, $0x1;
	s10 =	sld [smem:$0x3FBA];
	_ =	sdelay $0x3  }
0x34: {  	[smem:$0x3FBA] =	sst s10  }
0x35: {  	s10 =	sld [smem:$0x3FB9];
	_ =	sdelay $0x3  }
0x36: {  	p1 =	seq.s32 s10, $0x1;
	s10 =	sld [smem:$0x3FBA];
	_ =	sdelay $0x3  }
0x37: {  	[smem:$0x3FBA] =	sst s10  }
0x38: {  	s10 =	sld [smem:$0x3FBB]  }
0x39: {  	_ = 	snop;
	(pc) =	sbr.ind lr, $3  }
0x3a: {  	_ = 	snop  }
0x3b: {  	_ = 	snop  }
0x3c: {  	p2 =	seq.s32 s10, $0x1;
	s10 =	sld [smem:$0x3FBA]  }
0x3d: {  	_ =	shalt  }
0x3e: {  	_ =	shalt  }
0x3f: {  	_ =	shalt  }
0x40: {  	_ =	shalt  }
0x41: {  	_ =	shalt  }
0x42: {  	_ =	shalt  }
0x43: {  	_ =	shalt  }
0x44: {  	_ =	shalt  }
0x45: {  	_ =	shalt  }
0x46: {  	_ =	shalt  }
0x47: {  	_ =	shalt  }
0x48: {  	_ =	shalt  }
0x49: {  	_ =	shalt  }
0x4a: {  	_ =	shalt  }
0x4b: {  	_ =	shalt  }
0x4c: {  	_ =	shalt  }
0x4d: {  	_ =	shalt  }
0x4e: {  	_ =	shalt  }
0x4f: {  	_ =	shalt  }
0x50: {  	_ =	shalt  }
0x51: {  	_ =	shalt  }
0x52: {  	_ =	shalt  }
0x53: {  	_ =	shalt  }
0x54: {  	_ =	shalt  }
0x55: {  	_ =	shalt  }
0x56: {  	_ =	shalt  }
0x57: {  	_ =	shalt  }
0x58: {  	_ =	shalt  }
0x59: {  	_ =	shalt  }
0x5a: {  	_ =	shalt  }
0x5b: {  	_ =	shalt  }
0x5c: {  	_ =	shalt  }
0x5d: {  	_ =	shalt  }
0x5e: {  	_ =	shalt  }
0x5f: {  	_ =	shalt  }
0x60: {  	_ =	shalt  }
0x61: {  	_ =	shalt  }
0x62: {  	_ =	shalt  }
0x63: {  	_ =	shalt  }
0x64: {  	_ =	shalt  }
0x65: {  	_ =	shalt  }
0x66: {  	_ =	shalt  }
0x67: {  	_ =	shalt  }
0x68: {  	_ =	shalt  }
0x69: {  	_ =	shalt  }
0x6a: {  	_ =	shalt  }
0x6b: {  	_ =	shalt  }
0x6c: {  	_ =	shalt  }
0x6d: {  	_ =	shalt  }
0x6e: {  	_ =	shalt  }
0x6f: {  	_ =	shalt  }
0x70: {  	_ =	shalt  }
0x71: {  	_ =	shalt  }
0x72: {  	_ =	shalt  }
0x73: {  	_ =	shalt  }
0x74: {  	_ =	shalt  }
0x75: {  	_ =	shalt  }
0x76: {  	_ =	shalt  }
0x77: {  	_ =	shalt  }
0x78: {  	_ =	shalt  }
0x79: {  	_ =	shalt  }
0x7a: {  	_ =	shalt  }
0x7b: {  	_ =	shalt  }
0x7c: {  	_ =	shalt  }
0x7d: {  	_ =	shalt  }
0x7e: {  	_ =	shalt  }
0x7f: {  	_ =	shalt  }
0x80: {  	_ =	shalt  }
0x81: {  	_ =	shalt  }
0x82: {  	_ =	shalt  }
0x83: {  	_ =	shalt  }
0x84: {  	_ =	shalt  }
0x85: {  	_ =	shalt  }
0x86: {  	_ =	shalt  }
0x87: {  	_ =	shalt  }
.Lfunc_end0:
.L_simem_size_0:
called_computation_lowered:
.L_overlay_start_0:
0x88: {  	s2 =	sld [smem:$0x3FD9]  }
0x89: {  	s3 =	sld [smem:$0x3FFE];
	_ =	sdelay $0x1  }
0x8a: {  	s1 =	srdreg.scid  }
0x8b: {  	s0 =	sand.u32 $0x1, s1  }
0x8c: {  	s15 =	sshll.u32 s0, $0xA;
	s2 =	sadd.s32 s3, s2  }
0x8d: {  	s2 =	sadd.s32 s2, s15  }
0x8e: {  	[smem:$0x3FC6] =	sst s2  }
0x8f: {  	_ = 	snop  }
0x90: {  	s2 =	sld [smem:$0x3FD0];
	_ =	sdelay $0x1  }
0x91: {  	s16 =	sld [smem:$0x3FC9]  }
0x92: {  	s5 =	simm.s32 $0xA;
	s6 =	simm.s32 $0x10;
	s4 =	sld [smem:$0x3FC8]  }
0x93: {  	[smem:s6], [sflag:s5] =	dma.local [hbm:s2], $0x1  }
0x94: {  	_ =	swait.eq [sflag:s5], $0x1  }
0x95: {  	s17 =	sld [smem:$0x10];
	[sflag:s5] =	ssyncset.done $0x0  }
0x96: {  	s18 =	sld [smem:$0x11];
	[sflag:s5] =	ssyncadd.s32 $0xFFFFFFFF  }
0x97: {  	s19 =	sld [smem:$0x12];
	(tm) =	ssettm $0x1  }
0x98: {  	s7 =	sld [smem:$0x3FFB];
	_ =	sdelay $0x3  }
0x99: {  	_ =	strace s7  }
0x9a: {  	s7 =	sld [smem:$0x3FFC];
	_ =	sdelay $0x3  }
0x9b: {  	_ =	strace s7  }
0x9c: {  	s7 =	sld [smem:$0x3FFD];
	_ =	sdelay $0x3  }
0x9d: {  	_ =	strace s7  }
0x9e: {  	_ =	strace $0x8FFFFFFF  }
0x9f: {  	s20 =	sld [smem:$0x3FDB];
	_ =	sdelay $0x1  }
0xa0: {  	s8 =	simm.s32 $_scs_section_size  }
0xa1: {  	s9 =	simm.s32 $_size__tile_overlayer_lowered;
	s10 =	simm.s32 $_tile_overlayer_lowered  }
0xa2: {  	s23 =	simm.s32 $0x1BFF;
	s22 =	sshll.u32 s10, $0x1;
	s7 =	sadd.s32 s8, s20  }
0xa3: {  	s11 =	simm.s32 $0x0;
	s21 =	sshll.u32 s9, $0x1;
	s9 =	sadd.s32 s22, s7  }
0xa4: {  	[timem:s11], [sflag:s23] =	dma.local [hbm:s9], s21  }
0xa5: {  	_ =	swait.ge [sflag:s23], s21  }
0xa6: {  	s8 =	ssub.s32 $0x0, s21;
	[sflag:s23] =	ssyncset.done $0x0  }
0xa7: {  	[sflag:s23] =	ssyncadd.s32 s8;
	_ =	sdelay $0x1  }
0xa8: {  	s24 =	simm.s32 $0x1B8B  }
0xa9: {  	_ =	swait.ge [sflag:s24], $0x1  }
0xaa: {  	[sflag:s24] =	ssyncset.done $0x0  }
0xab: {  	s25 =	simm.s32 $0x1B8E;
	[sflag:s24] =	ssyncadd.s32 $0xFFFFFFFF  }
0xac: {  	s26 =	simm.s32 $execute0_lowered;
	[smem:$0x3FD2] =	sst s25  }
0xad: {  	s8 =	sshll.u32 s26, $0x1;
	_ =	strace $0x80000046;
	[dreg:$0x1] =	wrdreg $0xFFFFFFFF  }
0xae: {  	s28 =	simm.s32 $_size_execute0_lowered;
	s7 =	sadd.s32 s7, s8;
	[dreg:$0x0] =	wrdreg $0x0  }
0xaf: {  	s8 =	sshll.u32 s28, $0x1;
	[dreg:$0x2] =	wrdreg s7  }
0xb0: {  	[dreg:$0x3] =	wrdreg s8  }
0xb1: {  	[dreg:$0x4] =	wrdreg $0xC0  }
0xb2: {  	_ =	task [dreg:s11], $0x5FFFF  }
0xb3: {  	[dreg:$0x1] =	wrdreg $0xFFFFFFFF  }
0xb4: {  	[dreg:$0x0] =	wrdreg $0x60  }
0xb5: {  	[dreg:$0x2] =	wrdreg s16  }
0xb6: {  	[dreg:$0x3] =	wrdreg s4  }
0xb7: {  	[dreg:$0x4] =	wrdreg s17  }
0xb8: {  	[dreg:$0x5] =	wrdreg s18  }
0xb9: {  	[dreg:$0x6] =	wrdreg s19  }
0xba: {  	[dreg:$0x7] =	wrdreg $0x9  }
0xbb: {  	_ =	task.clear_ibuf [dreg:s11], $0x8FFFF;
	_ =	strace $0x90000046  }
0xbc: {  	s29 =	simm.s32 $0x9;
	_ =	strace $0x80000048  }
0xbd: {  	_ =	swait.ge [sflag:s29], $0x1  }
0xbe: {  	[sflag:s29] =	ssyncadd.s32 $0xFFFFFFFF  }
0xbf: {  	_ =	strace $0x90000048  }
0xc0: {  	_ =	sfence  }
0xc1: {  	s30 =	sld [smem:$0x0];
	_ =	sdelay $0x2  }
0xc2: {  	s31 =	sshll.u32 s1, $0xD;
	s1 =	sshrl.u32 s1, $0x2  }
0xc3: {  	s3 =	sand.u32 $0x4000, s31;
	s1 =	sadd.s32 s1, s30  }
0xc4: {  	s0 =	sor.u32 s3, s0;
	s1 =	sshll.u32 s1, $0x11  }
0xc5: {  	s0 =	sor.u32 s1, s0  }
0xc6: {  	s0 =	sadd.s32 $0x8F2B, s0  }
0xc7: {  	[sflag:s0] =	ssyncadd.remote.s32 $0x1  }
0xc8: {  	_ =	sfence.sel $0xFFFF  }
0xc9: {  	[dreg:$0x0] =	wrdreg $0xFFFFFFFF;
	(pc) =	sbr.abs _section_cstart, $3  }
0xca: {  	[dreg:$0x1] =	wrdreg $0xFFFFFFFF  }
0xcb: {  	_ =	task.clear_ibuf [dreg:s11], $0x2FFFF;
	_ =	strace $0x9FFFFFFF  }
0xcc: {  	(tm) =	ssettm $0x7FFFFFFF  }
0xcd: {  	_ =	shalt  }
tec
execute0_lowered:
.L_overlay_start_1:
0x0: {  	(tag) =	ssettag $0x1  }
0x1: {  	s0 =	rddreg [dreg:$0x0]  }
0x2: {  	s3 =	rddreg [dreg:$0x2]  }
0x3: {  	s1 =	srdreg.scid;
	s5 =	rddreg [dreg:$0x3]  }
0x4: {  	s2 =	stileid.u32;
	s6 =	rddreg [dreg:$0x4]  }
0x5: {  	s7 =	simm.s32 $0x0;
	s16 =	simm.s32 $0x2A00;
	s17 =	simm.s32 $0x1  }
0x6: {  	s18 =	simm.s32 $0x80;
	s19 =	simm.s32 $0x4A00;
	s20 =	simm.s32 $0x8A00  }
0x7: {  	s21 =	simm.s32 $0xCA00;
	s22 =	simm.s32 $0x2;
	s23 =	simm.s32 $0x4  }
0x8: {  	s24 =	simm.s32 $0x6A00;
	s25 =	simm.s32 $0xAA00;
	s1 =	sand.u32 $0x1, s1  }
0x9: {  	s26 =	simm.s32 $0xEA00;
	s2 =	sshll.u32 s2, $0x14;
	s4 =	sshll.u32 s1, $0x13  }
0xa: {  	s29 =	simm.s32 $0x100;
	s1 =	ssub.s32 $0x2, s1;
	s8 =	sor.u32 s4, s2  }
.Ltmp0:
0xb: {  	s31 =	sshrl.u32 s1, $0x1;
	s2 =	sshrl.u32 s8, $0x3;
	(pc) =	sbr.rel .LBB2_1-.Ltmp0, $4  }
0xc: {  	[smem:$0x7FF] =	sst s7;
	s1 =	ssub.s32 s1, s31;
	s2 =	sadd.s32 s0, s2  }
0xd: {  	_ =	strace $0x80000047;
	s1 =	smax.u32 s1, $0x1;
	[dreg:$0x6] =	wrdreg s2  }
0xe: {  	s11 =	sor.u32 $0x4000, s8;
	s2 =	sadd.s32 $0x400, s2;
	[dreg:$0x8] =	wrdreg s1  }
0xf: {  	v0 =	vlaneseq.u32;
	v1 =	vimm.s32 $0xFFFFFFFF;
	v3 =	vimm.s32 $0x0;
	s12 =	sor.u32 $0x6000, s8;
	[dreg:$0x7] =	wrdreg s2;
	s2 =	simm.s32 $0x0  }
.LBB2_26:
0x10: {  	s1 =	simm.s32 $0x3  }
0x11: {  	_ =	swait.ge [sflag:s1], $0x2000  }
0x12: {  	[sflag:s1] =	ssyncset.done $0x0  }
0x13: {  	[sflag:s1] =	ssyncadd.s32 $0xFFFFE000  }
0x14: {  	_ =	swait.ge [sflag:s1], $0x2000  }
0x15: {  	[sflag:s1] =	ssyncset.done $0x0  }
0x16: {  	[sflag:s1] =	ssyncadd.s32 $0xFFFFE000  }
0x17: {  	_ =	swait.ge [sflag:s1], $0x2000  }
0x18: {  	[sflag:s1] =	ssyncset.done $0x0  }
0x19: {  	[sflag:s1] =	ssyncadd.s32 $0xFFFFE000  }
0x1a: {  	_ =	swait.ge [sflag:s23], $0x2000  }
0x1b: {  	[sflag:s23] =	ssyncset.done $0x0  }
0x1c: {  	[sflag:s23] =	ssyncadd.s32 $0xFFFFE000  }
0x1d: {  	_ =	swait.ge [sflag:s23], $0x2000  }
0x1e: {  	[sflag:s23] =	ssyncset.done $0x0  }
0x1f: {  	[sflag:s23] =	ssyncadd.s32 $0xFFFFE000  }
0x20: {  	_ =	swait.ge [sflag:s23], $0x2000  }
0x21: {  	s2 =	rddreg [dreg:$0x9]  }
0x22: {  	s31 =	rddreg [dreg:$0x8];
	s2 =	sadd.s32 $0x1, s2  }
0x23: {  	p0 =	sne.s32 s2, s31  }
.Ltmp1:
0x24: {  	_ = 	snop;
	(pc) =	sbr.rel @!p0 .LBB2_27-.Ltmp1, $3  }
0x25: {  	_ =	sdelay $0x1  }
0x26: {  	[sflag:s23] =	ssyncset.done $0x0  }
0x27: {  	[sflag:s23] =	ssyncadd.s32 $0xFFFFE000  }
.LBB2_1:
0x28: {  	[dreg:$0x9] =	wrdreg s2  }
0x29: {  	s1 =	rddreg [dreg:$0x1];
	s31 =	simm.s32 $0x5  }
0x2a: {  	[tilespmem:s7], [sflag:$0x5] =	stream.linear.gather [hbm4b:s1+s7], $0x40, $0x38;
	[tilespmem:$0x10A00] =	vst v63  }
0x2b: {  	_ =	swait.ge [sflag:s31], $0x40  }
0x2c: {  	[sflag:s31] =	ssyncset.done $0x0  }
0x2d: {  	[sflag:s31] =	ssyncadd.s32 $0xFFFFFFC0  }
0x2e: {  	v4 =	vld [tilespmem:$0x30];
	_ =	sdelay $0x4  }
0x2f: {  	(xrf0) =	vmax.scan.msk.f32 $0xffff, v4;
	_ =	sdelay $0x1  }
0x30: {  	v5 =	vld [tilespmem:$0x0]  }
0x31: {  	v6 =	vld [tilespmem:$0x1]  }
0x32: {  	v7 =	vld [tilespmem:$0x10]  }
0x33: {  	v8 =	vld [tilespmem:$0x11]  }
0x34: {  	v9 =	vld [tilespmem:$0x20];
	v4, _, _ =	vpop (xrf0)  }
0x35: {  	v10 =	vld [tilespmem:$0x21];
	v4 =	vbroadcast v4, $0xF  }
0x36: {  	v11 =	vld [tilespmem:$0x30]  }
0x37: {  	v13 =	vld [tilespmem:$0x10];
	[tilespmem:$0x40] =	vst v4  }
0x38: {  	v12 =	vld [tilespmem:$0x31]  }
0x39: {  	v6 =	vsub.f32 v6, v5  }
0x3a: {  	v7 =	vsub.f32 v8, v7  }
0x3b: {  	(erf) = vrcp.f32 v6;
	v6 =	vsub.f32 v10, v9;
	(xrf0) =	vmin.scan.msk.f32 $0xffff, v5  }
0x3c: {  	(erf) = vrcp.f32 v7  }
0x3d: {  	(erf) = vrcp.f32 v6;
	(xrf0) =	vmax.scan.msk.f32 $0xffff, v13;
	v7 =	vsub.f32 v12, v11  }
0x3e: {  	v6 =	vld [tilespmem:$0x20]  }
0x3f: {  	(erf) = vrcp.f32 v7;
	_ =	sdelay $0x1  }
0x40: {  	v7, _, _ =	vpop (xrf0);
	(xrf0) =	vmax.scan.msk.f32 $0xffff, v5  }
0x41: {  	v5 =	vbroadcast v7, $0xF  }
0x42: {  	v7, _, _ =	vpop (xrf0);
	(xrf0) =	vmax.scan.msk.f32 $0xffff, v6  }
0x43: {  	v6 =	vpop (erf);
	v9 =	vsub.f32 v4, v5  }
0x44: {  	v8 =	vpop (erf)  }
0x45: {  	v10 =	vpop (erf);
	v11 =	vmul.f32 $9.765625000e-04, v9  }
0x46: {  	[tilespmem:$0x80] =	vst v6;
	vm15 =	vgt.f32 v9, $0.0e+00;
	v62, _, _ =	vpop (xrf0)  }
0x47: {  	vm0 =	veq.s32 v0, $0xF;
	[tilespmem:$0xA0] =	vst v10;
	v6 =	vpop (erf);
	v10 =	vnsel vm15, $0x3F800000, v11  }
0x48: {  	[tilespmem:$0x90] =	vst v8;
	v8, _, _ =	vpop (xrf0);
	v63 =	vsel vm0, $0x0, v6;
	v6 =	vbroadcast v7, $0xF;
	v7 =	vbroadcast v62, $0xF  }
0x49: {  	s2 =	simm.s32 $0x100;
	s4 =	simm.s32 $0x0;
	s1 =	simm.s32 $0x580;
	v8 =	vbroadcast v8, $0xF;
	v11 =	vmul.f32 $3.906250000e-03, v10;
	[tilespmem:$0xB0] =	vst v63  }
.LBB2_2:
0x4a: {  	v12 =	vor.u32 s4, v0  }
0x4b: {  	v12 =	vcvt.s32.f32 v12;
	_ =	sdelay $0x1  }
0x4c: {  	v12 =	vmul.f32 v12, v10;
	_ =	sdelay $0x1  }
0x4d: {  	v12 =	vadd.f32 v12, v5;
	_ =	sdelay $0x1  }
0x4e: {  	vm0 =	vlt.f32 v6, v12  }
0x4f: {  	v13 =	vsel vm0, $0x1F, v1;
	v14 =	vsel vm0, v8, v7  }
0x50: {  	vm0 =	vlt.f32 v14, v12;
	v55 =	vadd.s32 $0x10, v13  }
0x51: {  	v13 =	vsel vm0, v55, v13  }
0x52: {  	v14 =	vadd.s32 $0x8, v13;
	_ =	sdelay $0x4  }
0x53: {  	v15 =	vld.idx.msk [tilespmem:v14+s7+$0x0], $0xffff;
	_ =	sdelay $0x4  }
0x54: {  	vm7 =	vlt.f32 v15, v12  }
0x55: {  	v13 =	vsel vm7, v14, v13  }
0x56: {  	v14 =	vadd.s32 $0x4, v13;
	_ =	sdelay $0x4  }
0x57: {  	v56 =	vld.idx.msk [tilespmem:v14+s7+$0x0], $0xffff;
	_ =	sdelay $0x4  }
0x58: {  	vm8 =	vlt.f32 v56, v12  }
0x59: {  	v13 =	vsel vm8, v14, v13  }
0x5a: {  	v14 =	vadd.s32 $0x2, v13;
	_ =	sdelay $0x4  }
0x5b: {  	v57 =	vld.idx.msk [tilespmem:v14+s7+$0x0], $0xffff;
	_ =	sdelay $0x4  }
0x5c: {  	vm9 =	vlt.f32 v57, v12  }
0x5d: {  	v13 =	vsel vm9, v14, v13  }
0x5e: {  	v14 =	vadd.s32 $0x1, v13;
	_ =	sdelay $0x2  }
0x5f: {  	v58 =	vadd.f32 v12, v11;
	_ =	sdelay $0x1  }
0x60: {  	vm10 =	vlt.f32 v6, v58;
	v16 =	vld.idx.msk [tilespmem:v14+s7+$0x0], $0xffff  }
0x61: {  	v17 =	vsel vm10, $0x1F, v1;
	v18 =	vsel vm10, v8, v7  }
0x62: {  	vm0 =	vlt.f32 v18, v58;
	v59 =	vadd.s32 $0x10, v17  }
0x63: {  	v17 =	vsel vm0, v59, v17  }
0x64: {  	v18 =	vadd.s32 $0x8, v17  }
0x65: {  	vm11 =	vlt.f32 v16, v12  }
0x66: {  	v12 =	vsel vm11, v14, v13  }
0x67: {  	v12 =	vadd.s32 $0x1, v12  }
0x68: {  	[tilespmem:s2+$0x0] =	vst v12  }
0x69: {  	v12 =	vld.idx.msk [tilespmem:v18+s7+$0x0], $0xffff;
	_ =	sdelay $0x4  }
0x6a: {  	vm12 =	vlt.f32 v12, v58  }
0x6b: {  	v12 =	vsel vm12, v18, v17  }
0x6c: {  	v60 =	vadd.s32 $0x4, v12;
	_ =	sdelay $0x4  }
0x6d: {  	v61 =	vld.idx.msk [tilespmem:v60+s7+$0x0], $0xffff;
	_ =	sdelay $0x4  }
0x6e: {  	vm13 =	vlt.f32 v61, v58  }
0x6f: {  	v12 =	vsel vm13, v60, v12  }
0x70: {  	v13 =	vadd.s32 $0x2, v12;
	_ =	sdelay $0x4  }
0x71: {  	v62 =	vld.idx.msk [tilespmem:v13+s7+$0x0], $0xffff;
	_ =	sdelay $0x4  }
0x72: {  	vm14 =	vlt.f32 v62, v58  }
0x73: {  	v12 =	vsel vm14, v13, v12  }
0x74: {  	v13 =	vadd.s32 $0x1, v12;
	_ =	sdelay $0x4  }
0x75: {  	v63 =	vld.idx.msk [tilespmem:v13+s7+$0x0], $0xffff;
	_ =	sdelay $0x2  }
0x76: {  	p0 =	sne.s32 s4, $0x3F0  }
.Ltmp2:
0x77: {  	_ = 	snop;
	(pc) =	sbr.rel @p0 .LBB2_2-.Ltmp2, $4  }
0x78: {  	vm15 =	vlt.f32 v63, v58  }
0x79: {  	v12 =	vsel vm15, v13, v12  }
0x7a: {  	v12 =	vadd.s32 $0x1, v12  }
0x7b: {  	s4 =	sadd.s32 $0x10, s4;
	s2 =	sadd.s32 $0x10, s2;
	[tilespmem:s1+$0x0] =	vst v12;
	s1 =	sadd.s32 $0x10, s1  }
0x7c: {  	s1 =	simm.s32 $0x0  }
0x7d: {  	v12 =	vor.u32 s1, v0  }
0x7e: {  	v12 =	vcvt.s32.f32 v12;
	_ =	sdelay $0x1  }
0x7f: {  	v12 =	vmul.f32 v12, v10;
	_ =	sdelay $0x1  }
0x80: {  	v12 =	vadd.f32 v12, v5;
	_ =	sdelay $0x1  }
0x81: {  	v13 =	vsub.f32 v12, v11  }
0x82: {  	s13 =	simm.s32 $0x10  }
0x83: {  	v12 =	vor.u32 s13, v0;
	vm0 =	vlt.f32 v6, v13  }
0x84: {  	v12 =	vcvt.s32.f32 v12;
	v14 =	vsel vm0, $0x1F, v1;
	v15 =	vsel vm0, v8, v7  }
0x85: {  	vm0 =	vlt.f32 v15, v13;
	v15 =	vadd.s32 $0x10, v14  }
0x86: {  	v12 =	vmul.f32 v12, v10;
	v14 =	vsel vm0, v15, v14  }
0x87: {  	v15 =	vadd.s32 $0x8, v14  }
0x88: {  	v12 =	vadd.f32 v12, v5  }
0x89: {  	v2 =	vimm.s32 $0x40  }
0x8a: {  	[tilespmem:$0x500] =	vst v2;
	v12 =	vsub.f32 v12, v11  }
0x8b: {  	[tilespmem:$0x980] =	vst v2  }
0x8c: {  	s14 =	simm.s32 $0x20;
	vm0 =	vlt.f32 v6, v12;
	v16 =	vld.idx.msk [tilespmem:v15+s7+$0x0], $0xffff  }
0x8d: {  	v17 =	vor.u32 s14, v0;
	v18 =	vsel vm0, $0x1F, v1;
	v19 =	vsel vm0, v8, v7  }
0x8e: {  	v17 =	vcvt.s32.f32 v17;
	vm0 =	vlt.f32 v19, v12;
	v19 =	vadd.s32 $0x10, v18  }
0x8f: {  	v18 =	vsel vm0, v19, v18  }
0x90: {  	v17 =	vmul.f32 v17, v10;
	v19 =	vadd.s32 $0x8, v18  }
0x91: {  	vm0 =	vlt.f32 v16, v13  }
0x92: {  	v16 =	vadd.f32 v17, v5;
	v14 =	vsel vm0, v15, v14  }
0x93: {  	v15 =	vadd.s32 $0x4, v14  }
0x94: {  	v16 =	vsub.f32 v16, v11  }
0x95: {  	v17 =	vld.idx.msk [tilespmem:v19+s7+$0x0], $0xffff  }
0x96: {  	s15 =	simm.s32 $0x30;
	vm0 =	vlt.f32 v6, v16  }
0x97: {  	v22 =	vor.u32 s15, v0;
	v20 =	vsel vm0, $0x1F, v1;
	v21 =	vsel vm0, v8, v7  }
0x98: {  	v22 =	vcvt.s32.f32 v22;
	vm0 =	vlt.f32 v21, v16;
	v21 =	vadd.s32 $0x10, v20;
	v23 =	vld.idx.msk [tilespmem:v15+s7+$0x0], $0xffff  }
0x99: {  	v20 =	vsel vm0, v21, v20  }
0x9a: {  	vm0 =	vlt.f32 v17, v12;
	v17 =	vmul.f32 v22, v10;
	v21 =	vadd.s32 $0x8, v20  }
0x9b: {  	v18 =	vsel vm0, v19, v18  }
0x9c: {  	v19 =	vadd.s32 $0x4, v18;
	v17 =	vadd.f32 v17, v5  }
0x9d: {  	vm0 =	vlt.f32 v23, v13  }
0x9e: {  	s28 =	simm.s32 $0x40;
	v22 =	vsel vm0, v15, v14;
	v14 =	vsub.f32 v17, v11  }
0x9f: {  	v15 =	vor.u32 s28, v0;
	v17 =	vld.idx.msk [tilespmem:v21+s7+$0x0], $0xffff;
	v24 =	vadd.s32 $0x2, v22  }
0xa0: {  	v15 =	vcvt.s32.f32 v15;
	vm0 =	vlt.f32 v6, v14  }
0xa1: {  	v23 =	vld.idx.msk [tilespmem:v19+s7+$0x0], $0xffff;
	v25 =	vsel vm0, $0x1F, v1;
	v26 =	vsel vm0, v8, v7  }
0xa2: {  	v15 =	vmul.f32 v15, v10;
	vm0 =	vlt.f32 v26, v14;
	v26 =	vadd.s32 $0x10, v25  }
0xa3: {  	v25 =	vsel vm0, v26, v25  }
0xa4: {  	v15 =	vadd.f32 v15, v5;
	vm0 =	vlt.f32 v17, v16;
	v17 =	vld.idx.msk [tilespmem:v24+s7+$0x0], $0xffff;
	v27 =	vadd.s32 $0x8, v25  }
0xa5: {  	v20 =	vsel vm0, v21, v20  }
0xa6: {  	s30 =	simm.s32 $0x50;
	vm0 =	vlt.f32 v23, v12;
	v15 =	vsub.f32 v15, v11;
	v29 =	vadd.s32 $0x4, v20  }
0xa7: {  	v23 =	vor.u32 s30, v0;
	v21 =	vsel vm0, v19, v18  }
0xa8: {  	v18 =	vcvt.s32.f32 v23;
	v23 =	vadd.s32 $0x2, v21;
	vm0 =	vlt.f32 v6, v15  }
0xa9: {  	v26 =	vsel vm0, $0x1F, v1;
	v19 =	vsel vm0, v8, v7;
	vm0 =	vlt.f32 v17, v13;
	v17 =	vld.idx.msk [tilespmem:v27+s7+$0x0], $0xffff  }
0xaa: {  	v18 =	vmul.f32 v18, v10  }
0xab: {  	vm1 =	vlt.f32 v19, v15;
	v28 =	vadd.s32 $0x10, v26;
	v19 =	vsel vm0, v24, v22;
	v24 =	vld.idx.msk [tilespmem:v29+s7+$0x0], $0xffff  }
0xac: {  	v26 =	vsel vm1, v28, v26;
	v22 =	vadd.s32 $0x1, v19  }
0xad: {  	v30 =	vadd.f32 v18, v5;
	v28 =	vadd.s32 $0x8, v26  }
0xae: {  	v37 =	vld.idx.msk [tilespmem:v23+s7+$0x0], $0xffff;
	vm0 =	vlt.f32 v17, v14  }
0xaf: {  	s31 =	simm.s32 $0x60;
	s2 =	simm.s32 $0x100;
	v17 =	vsub.f32 v30, v11;
	v27 =	vsel vm0, v27, v25  }
0xb0: {  	v30 =	vor.u32 s31, v0;
	vm0 =	vlt.f32 v24, v16;
	v24 =	vld [tilespmem:s2+$0x0];
	v32 =	vadd.s32 $0x4, v27  }
0xb1: {  	v18 =	vimm.s32 $0x0;
	v34 =	vcvt.s32.f32 v30;
	v25 =	vld.idx.msk [tilespmem:v22+s7+$0x0], $0xffff;
	v31 =	vsel vm0, v29, v20  }
0xb2: {  	s1 =	simm.s32 $0x581;
	v33 =	vld.idx.msk [tilespmem:v28+s7+$0x0], $0xffff;
	vm0 =	vlt.f32 v6, v17;
	v20 =	vimm.s32 $0x0;
	v30 =	vadd.s32 $0x2, v31  }
0xb3: {  	s4 =	simm.s32 $0x70;
	v29 =	vld [tilespmem:s1+$0x0];
	v35 =	vsel vm0, $0x1F, v1;
	v36 =	vsel vm0, v8, v7;
	vm0 =	vlt.f32 v37, v12  }
.LBB2_4:
0xb4: {  	vm1 =	vlt.f32 v36, v17;
	v36 =	vadd.s32 $0x10, v35  }
0xb5: {  	p0 =	sne.s32 s4, $0x3F0;
	v37 =	vld.idx.msk [tilespmem:v32+s7+$0x0], $0xffff;
	v38 =	vsel vm0, v23, v21;
	v39 =	vmovc v17;
	v40 =	vmovc v32;
	v21 =	vmov v31;
	v23 =	vmov v30  }
0xb6: {  	v17 =	vmul.f32 v34, v10;
	v31 =	vsel vm1, v36, v35;
	v34 =	vadd.s32 $0x1, v38  }
0xb7: {  	v35 =	vor.u32 s4, v0;
	vm0 =	vlt.f32 v25, v13;
	v13 =	vmovc v12;
	v12 =	vmovc v16;
	v36 =	vadd.s32 $0x8, v31  }
0xb8: {  	v16 =	vadd.f32 v17, v5;
	vm1 =	vlt.f32 v33, v15;
	v17 =	vsel vm0, v22, v19;
	v41 =	vld.idx.msk [tilespmem:v30+s7+$0x0], $0xffff  }
0xb9: {  	v19 =	vmovc v38;
	v42 =	vsel vm1, v28, v26;
	v2 =	vxor.u32 $0xFFFFFFFF, v17;
	v26 =	vmovc v31;
	v29 =	vsub.s32 v29, v24  }
.Ltmp3:
0xba: {  	v22 =	vmovc v34;
	v28 =	vmovc v36;
	v17 =	vsub.f32 v16, v11;
	v32 =	vadd.s32 $0x4, v42;
	v16 =	vadd.s32 v2, v24;
	(pc) =	sbr.rel @p0 .LBB2_4-.Ltmp3, $4  }
0xbb: {  	vm0 =	vlt.f32 v37, v14;
	vm1 =	vgt.s32 v18, v16;
	vm2 =	vgt.s32 v20, v29;
	v25 =	vld.idx.msk [tilespmem:v34+s7+$0x0], $0xffff  }
0xbc: {  	s2 =	sadd.s32 $0x10, s2;
	v31 =	vsel vm0, v40, v27;
	v18 =	vsel vm1, v18, v16;
	v20 =	vsel vm2, v20, v29;
	v33 =	vld.idx.msk [tilespmem:v36+s7+$0x0], $0xffff  }
0xbd: {  	s1 =	sadd.s32 $0x10, s1;
	v34 =	vcvt.s32.f32 v35;
	vm0 =	vlt.f32 v6, v17;
	v27 =	vmovc v42;
	v30 =	vadd.s32 $0x2, v31;
	v16 =	vmovc v14;
	v24 =	vld [tilespmem:s2+$0x0]  }
0xbe: {  	s4 =	sadd.s32 $0x10, s4;
	v35 =	vsel vm0, $0x1F, v1;
	v36 =	vsel vm0, v8, v7;
	v14 =	vmovc v15;
	v15 =	vmovc v39;
	vm0 =	vlt.f32 v41, v12;
	v29 =	vld [tilespmem:s1+$0x0]  }
0xbf: {  	v34 =	vmul.f32 v34, v10;
	_ =	sdelay $0x1  }
0xc0: {  	v34 =	vadd.f32 v34, v5;
	_ =	sdelay $0x1  }
0xc1: {  	v11 =	vsub.f32 v34, v11;
	_ =	sdelay $0x1  }
0xc2: {  	vm1 =	vlt.f32 v36, v17;
	v56 =	vadd.s32 $0x10, v35;
	vm2 =	vlt.f32 v6, v11  }
0xc3: {  	v34 =	vsel vm1, v56, v35;
	v57 =	vsel vm2, $0x1F, v1;
	v58 =	vsel vm2, v8, v7  }
0xc4: {  	v37 =	vadd.s32 $0x8, v34;
	vm13 =	vlt.f32 v58, v11;
	v59 =	vadd.s32 $0x10, v57  }
0xc5: {  	v35 =	vsel vm13, v59, v57  }
0xc6: {  	v36 =	vadd.s32 $0x8, v35;
	_ =	sdelay $0x2  }
0xc7: {  	v38 =	vld.idx.msk [tilespmem:v37+s7+$0x0], $0xffff;
	_ =	sdelay $0x1  }
0xc8: {  	vm14 =	vlt.f32 v33, v15;
	v60 =	vld.idx.msk [tilespmem:v36+s7+$0x0], $0xffff  }
0xc9: {  	v26 =	vsel vm14, v28, v26  }
0xca: {  	v28 =	vadd.s32 $0x4, v26  }
0xcb: {  	vm15 =	vlt.f32 v38, v17  }
0xcc: {  	v34 =	vsel vm15, v37, v34  }
0xcd: {  	v61 =	vld.idx.msk [tilespmem:v32+s7+$0x0], $0xffff;
	v37 =	vadd.s32 $0x4, v34;
	vm4 =	vlt.f32 v60, v11  }
0xce: {  	v33 =	vsel vm4, v36, v35  }
0xcf: {  	v62 =	vld.idx.msk [tilespmem:v28+s7+$0x0], $0xffff;
	v36 =	vadd.s32 $0x4, v33;
	_ =	sdelay $0x2  }
0xd0: {  	vm5 =	vlt.f32 v61, v14;
	v63 =	vld.idx.msk [tilespmem:v37+s7+$0x0], $0xffff  }
0xd1: {  	v27 =	vsel vm5, v32, v27  }
0xd2: {  	v42 =	vadd.s32 $0x2, v27;
	vm6 =	vlt.f32 v62, v15;
	v43 =	vld.idx.msk [tilespmem:v36+s7+$0x0], $0xffff  }
0xd3: {  	v44 =	vld.idx.msk [tilespmem:v30+s7+$0x0], $0xffff;
	v26 =	vsel vm6, v28, v26  }
0xd4: {  	v45 =	vadd.s32 $0x2, v26  }
0xd5: {  	v21 =	vsel vm0, v23, v21;
	s2 =	sadd.s32 $0x10, s2;
	vm7 =	vlt.f32 v63, v17  }
0xd6: {  	v39 =	vadd.s32 $0x1, v21;
	v52 =	vld [tilespmem:s2+$0x0];
	v32 =	vsel vm7, v37, v34  }
0xd7: {  	s1 =	sadd.s32 $0x10, s1;
	v46 =	vld.idx.msk [tilespmem:v42+s7+$0x0], $0xffff;
	v37 =	vadd.s32 $0x2, v32;
	vm8 =	vlt.f32 v43, v11  }
0xd8: {  	v55 =	vld [tilespmem:s1+$0x0];
	vm9 =	vlt.f32 v44, v16;
	v47 =	vsel vm8, v36, v33  }
0xd9: {  	s1 =	sadd.s32 $0x10, s1;
	v48 =	vsel vm9, v30, v31;
	v49 =	vld.idx.msk [tilespmem:v45+s7+$0x0], $0xffff;
	v33 =	vadd.s32 $0x2, v47  }
0xda: {  	v61 =	vld [tilespmem:s1+$0x0];
	v51 =	vadd.s32 $0x1, v48  }
0xdb: {  	vm10 =	vlt.f32 v25, v13;
	v50 =	vld.idx.msk [tilespmem:v39+s7+$0x0], $0xffff  }
0xdc: {  	s2 =	sadd.s32 $0x10, s2;
	v19 =	vsel vm10, v22, v19;
	vm11 =	vlt.f32 v46, v14;
	v54 =	vld.idx.msk [tilespmem:v37+s7+$0x0], $0xffff  }
0xdd: {  	v19 =	vxor.u32 $0xFFFFFFFF, v19;
	v29 =	vsub.s32 v29, v24;
	v59 =	vld [tilespmem:s2+$0x0];
	v53 =	vsel vm11, v42, v27  }
0xde: {  	vm14 =	vgt.s32 v20, v29;
	v56 =	vadd.s32 $0x1, v53;
	vm12 =	vlt.f32 v49, v15;
	v57 =	vld.idx.msk [tilespmem:v33+s7+$0x0], $0xffff  }
0xdf: {  	v19 =	vadd.s32 v19, v24;
	v20 =	vsel vm14, v20, v29;
	s2 =	sadd.s32 $0x10, s2;
	v58 =	vld.idx.msk [tilespmem:v51+s7+$0x0], $0xffff;
	v23 =	vsel vm12, v45, v26  }
0xe0: {  	vm13 =	vgt.s32 v18, v19;
	v38 =	vld [tilespmem:s2+$0x0];
	s2 =	sadd.s32 $0x10, s2;
	vm15 =	vlt.f32 v50, v12;
	v60 =	vadd.s32 $0x1, v23  }
0xe1: {  	s1 =	sadd.s32 $0x10, s1;
	v18 =	vsel vm13, v18, v19;
	v44 =	vld [tilespmem:s2+$0x0];
	v21 =	vsel vm15, v39, v21;
	vm4 =	vlt.f32 v54, v17  }
0xe2: {  	v62 =	vsub.s32 v55, v52;
	v39 =	vld [tilespmem:s1+$0x0];
	v21 =	vxor.u32 $0xFFFFFFFF, v21;
	v37 =	vsel vm4, v37, v32  }
0xe3: {  	s1 =	sadd.s32 $0x10, s1;
	v13 =	vadd.s32 v21, v52;
	v63 =	vld.idx.msk [tilespmem:v56+s7+$0x0], $0xffff;
	v32 =	vadd.s32 $0x1, v37;
	vm5 =	vlt.f32 v57, v11  }
0xe4: {  	v46 =	vld [tilespmem:s1+$0x0];
	vm6 =	vgt.s32 v18, v13;
	vm7 =	vlt.f32 v58, v16;
	v24 =	vsel vm5, v33, v47  }
0xe5: {  	s2 =	sadd.s32 $0x10, s2;
	v13 =	vsel vm6, v18, v13;
	v26 =	vsel vm7, v51, v48;
	v40 =	vld.idx.msk [tilespmem:v60+s7+$0x0], $0xffff;
	v41 =	vadd.s32 $0x1, v24  }
0xe6: {  	s1 =	sadd.s32 $0x10, s1;
	v52 =	vld [tilespmem:s2+$0x0];
	v45 =	vsub.s32 v61, v59;
	v43 =	vxor.u32 $0xFFFFFFFF, v26;
	vm8 =	vgt.s32 v20, v62  }
0xe7: {  	v16 =	vsub.s32 v39, v38;
	v12 =	vadd.s32 v43, v59;
	v42 =	vsel vm8, v20, v62;
	v54 =	vld [tilespmem:s1+$0x0]  }
0xe8: {  	vm9 =	vlt.f32 v63, v14;
	vm1 =	vgt.s32 v13, v12;
	vm10 =	vgt.s32 v42, v45;
	v48 =	vld.idx.msk [tilespmem:v32+s7+$0x0], $0xffff  }
0xe9: {  	v14 =	vsub.s32 v46, v44;
	v12 =	vsel vm1, v13, v12;
	v49 =	vsel vm10, v42, v45  }
0xea: {  	vm2 =	vgt.s32 v49, v16;
	vm11 =	vlt.f32 v40, v15;
	v47 =	vsel vm9, v56, v53;
	v51 =	vld.idx.msk [tilespmem:v41+s7+$0x0], $0xffff  }
0xeb: {  	v13 =	vsel vm2, v49, v16;
	v19 =	vsel vm11, v60, v23;
	v50 =	vxor.u32 $0xFFFFFFFF, v47  }
0xec: {  	s2 =	sadd.s32 $0x10, s2;
	vm2 =	vgt.s32 v13, v14;
	v61 =	vsub.s32 v54, v52;
	v18 =	vadd.s32 v50, v38  }
0xed: {  	v55 =	vld [tilespmem:s2+$0x0];
	s1 =	sadd.s32 $0x10, s1;
	v53 =	vxor.u32 $0xFFFFFFFF, v19;
	vm1 =	vgt.s32 v12, v18;
	vm12 =	vlt.f32 v48, v17  }
0xee: {  	v57 =	vld [tilespmem:s1+$0x0];
	v16 =	vadd.s32 v53, v44;
	v12 =	vsel vm1, v12, v18;
	v56 =	vsel vm12, v32, v37  }
0xef: {  	vm1 =	vgt.s32 v12, v16;
	v58 =	vxor.u32 $0xFFFFFFFF, v56;
	vm13 =	vlt.f32 v51, v11  }
0xf0: {  	v12 =	vsel vm1, v12, v16;
	v59 =	vadd.s32 v58, v52;
	v60 =	vsel vm13, v41, v24  }
0xf1: {  	vm14 =	vgt.s32 v12, v59;
	v11 =	vsel vm2, v13, v14;
	v14 =	vxor.u32 $0xFFFFFFFF, v60  }
0xf2: {  	v12 =	vsel vm14, v12, v59;
	vm15 =	vgt.s32 v11, v61;
	v62 =	vadd.s32 v14, v55  }
0xf3: {  	v63 =	vsub.s32 v57, v55;
	v11 =	vsel vm15, v11, v61;
	vm0 =	vgt.s32 v12, v62  }
0xf4: {  	vm1 =	vgt.s32 v11, v63;
	v12 =	vsel vm0, v12, v62  }
0xf5: {  	v11 =	vsel vm1, v11, v63;
	v12 =	vxor.u32 $0x80000000, v12  }
0xf6: {  	v11 =	vxor.u32 $0x80000000, v11;
	(xrf0) =	vmax.scan.msk.u32 $0xffff, v12  }
0xf7: {  	(xrf0) =	vmax.scan.msk.u32 $0xffff, v11  }
0xf8: {  	(xrf0) =	vmax.scan.msk.f32 $0xffff, v9;
	_ =	sdelay $0x3  }
0xf9: {  	v9, _, _ =	vpop (xrf0)  }
0xfa: {  	v11, _, _ =	vpop (xrf0);
	(v2sf) =	vpush v9, $0xF  }
0xfb: {  	(v2sf) =	vpush v11, $0xF;
	v9, _, _ =	vpop (xrf0)  }
0xfc: {  	(v2sf) =	vpush v9, $0xF;
	_ =	sdelay $0x8  }
0xfd: {  	s31 =	simm.s32 $0x0;
	s9 =	rddreg [dreg:$0x6];
	s10 =	simm.s32 $0xA00  }
0xfe: {  	(erf) = vrcp.f32 v10;
	[tilespmem:s10], [sflag:$0x1] =	stream.linear.gather [hbm4b:s9+s31], $0x2000, $0x38;
	[tilespmem:$0x10A00] =	vst v63  }
0xff: {  	s30 =	rddreg [dreg:$0x7]  }
0x100: {  	[tilespmem:s16], [sflag:$0x2] =	stream.linear.gather [hbm4b:s30+s31], $0x2000, $0x38;
	[tilespmem:$0x10A00] =	vst v63  }
0x101: {  	s15 =	spop (v2sf)  }
0x102: {  	s28 =	spop (v2sf)  }
0x103: {  	s4 =	spop (v2sf)  }
0x104: {  	p2 =	sgt.f32 s4, $0.0e+00  }
0x105: {  	p0 =	sne.s32 s15, $0x80000000;
	p1 =	sgt.u32 s28, $0x80000001  }
0x106: {  	p0 =	por p0, p1;
	p6 =	por !p2, !p2  }
0x107: {  	v9 =	vpop (erf);
	p0 =	por p6, p0  }
.LBB2_6:
0x108: {  	_ =	swait.ge [sflag:s17], $0x2000  }
0x109: {  	p1 =	seq.s32 s31, $0x0;
	[sflag:s17] =	ssyncset.done $0x0  }
0x10a: {  	s1 =	simm.s32 @!p1 $0x3;
	[sflag:s17] =	ssyncadd.s32 $0xFFFFE000  }
0x10b: {  	_ =	swait.ge @!p1 [sflag:s1], $0x2000  }
0x10c: {  	[sflag:s1] =	ssyncset.done @!p1 $0x0  }
0x10d: {  	[sflag:s1] =	ssyncadd.s32 @!p1 $0xFFFFE000  }
0x10e: {  	_ =	swait.ge @!p1 [sflag:s1], $0x2000  }
.Ltmp4:
0x10f: {  	[sflag:s1] =	ssyncset.done @!p1 $0x0;
	(pc) =	sbr.rel @!p0 .LBB2_7-.Ltmp4, $4  }
0x110: {  	[sflag:s1] =	ssyncadd.s32 @!p1 $0xFFFFE000  }
0x111: {  	_ =	swait.ge @!p1 [sflag:s1], $0x2000  }
0x112: {  	s9 =	simm.s32 $0xA40;
	s2 =	simm.s32 $0x4A40;
	[sflag:s1] =	ssyncset.done @!p1 $0x0  }
0x113: {  	s4 =	simm.s32 $0x8A40;
	[sflag:s1] =	ssyncadd.s32 @!p1 $0xFFFFE000;
	s1 =	simm.s32 $0xCA40  }
0x114: {  	v20 =	vld [tilespmem:s9+$0x0];
	_ =	sdelay $0x4  }
0x115: {  	vm0 =	vlt.f32 v6, v20  }
0x116: {  	v11 =	vsel vm0, $0x1F, v1;
	v12 =	vsel vm0, v8, v7  }
0x117: {  	v25 =	vld [tilespmem:s9+$0xFFFFFFC0];
	vm0 =	vlt.f32 v12, v20;
	v12 =	vadd.s32 $0x10, v11  }
0x118: {  	v0 =	vld [tilespmem:s9+$0xFFFFFFE0];
	v11 =	vsel vm0, v12, v11  }
0x119: {  	v24 =	vld [tilespmem:s9+$0x10];
	v12 =	vadd.s32 $0x8, v11;
	_ =	sdelay $0x2  }
0x11a: {  	v10 =	vld [tilespmem:s9+$0xFFFFFFF0]  }
0x11b: {  	vm1 =	vlt.f32 v6, v25;
	vm2 =	vlt.f32 v6, v0  }
0x11c: {  	vm3 =	vlt.f32 v6, v24;
	v13 =	vsel vm1, $0x1F, v1;
	v15 =	vsel vm2, $0x1F, v1;
	v14 =	vld.idx.msk [tilespmem:v12+s7+$0x0], $0xffff  }
0x11d: {  	v16 =	vsel vm3, $0x1F, v1;
	v17 =	vsel vm3, v8, v7;
	v18 =	vsel vm1, v8, v7  }
0x11e: {  	vm1 =	vlt.f32 v17, v24;
	v17 =	vadd.s32 $0x10, v16;
	v19 =	vadd.s32 $0x10, v13  }
0x11f: {  	v22 =	vld [tilespmem:s9+$0xFFFFFFD0];
	vm0 =	vlt.f32 v6, v10;
	v16 =	vsel vm1, v17, v16;
	vm1 =	vlt.f32 v18, v25  }
0x120: {  	v17 =	vsel vm2, v8, v7;
	v18 =	vadd.s32 $0x8, v16;
	v13 =	vsel vm1, v19, v13  }
0x121: {  	v19 =	vsel vm0, $0x1F, v1;
	v21 =	vadd.s32 $0x8, v13;
	vm1 =	vlt.f32 v14, v20  }
0x122: {  	vm2 =	vlt.f32 v17, v0;
	v14 =	vadd.s32 $0x10, v15;
	v11 =	vsel vm1, v12, v11  }
0x123: {  	v12 =	vsel vm0, v8, v7;
	v17 =	vsel vm2, v14, v15;
	v15 =	vadd.s32 $0x10, v19  }
0x124: {  	v14 =	vld [tilespmem:s9+$0x30];
	vm0 =	vlt.f32 v6, v22;
	v26 =	vadd.s32 $0x4, v11;
	v27 =	vadd.s32 $0x8, v17  }
0x125: {  	v29 =	vld.idx.msk [tilespmem:v18+s7+$0x0], $0xffff;
	vm1 =	vlt.f32 v12, v10;
	v12 =	vsel vm0, $0x1F, v1;
	v28 =	vsel vm0, v8, v7  }
0x126: {  	v19 =	vsel vm1, v15, v19;
	vm0 =	vlt.f32 v28, v22;
	v15 =	vadd.s32 $0x10, v12;
	v28 =	vld.idx.msk [tilespmem:v21+s7+$0x0], $0xffff  }
0x127: {  	v12 =	vsel vm0, v15, v12;
	v30 =	vadd.s32 $0x8, v19  }
0x128: {  	v31 =	vadd.s32 $0x8, v12  }
0x129: {  	vm0 =	vlt.f32 v6, v14;
	v15 =	vld.idx.msk [tilespmem:v26+s7+$0x0], $0xffff  }
0x12a: {  	v32 =	vld.idx.msk [tilespmem:v27+s7+$0x0], $0xffff;
	v33 =	vsel vm0, $0x1F, v1;
	v34 =	vsel vm0, v8, v7;
	vm0 =	vlt.f32 v29, v24  }
0x12b: {  	v16 =	vsel vm0, v18, v16;
	vm0 =	vlt.f32 v34, v14;
	vm1 =	vlt.f32 v28, v25  }
0x12c: {  	v18 =	vadd.s32 $0x10, v33;
	v28 =	vld.idx.msk [tilespmem:v30+s7+$0x0], $0xffff;
	v29 =	vadd.s32 $0x4, v16;
	v13 =	vsel vm1, v21, v13  }
0x12d: {  	v18 =	vsel vm0, v18, v33;
	v21 =	vld.idx.msk [tilespmem:v31+s7+$0x0], $0xffff;
	v54 =	vadd.s32 $0x4, v13  }
0x12e: {  	v33 =	vadd.s32 $0x8, v18;
	vm0 =	vlt.f32 v15, v20;
	v15 =	vld [tilespmem:s9+$0x20]  }
0x12f: {  	vm1 =	vlt.f32 v32, v0;
	v11 =	vsel vm0, v26, v11  }
0x130: {  	v17 =	vsel vm1, v27, v17;
	v26 =	vadd.s32 $0x2, v11  }
0x131: {  	v27 =	vadd.s32 $0x4, v17;
	v55 =	vld.idx.msk [tilespmem:v29+s7+$0x0], $0xffff;
	vm0 =	vlt.f32 v28, v10  }
0x132: {  	vm1 =	vlt.f32 v21, v22;
	v19 =	vsel vm0, v30, v19;
	v28 =	vld.idx.msk [tilespmem:v54+s7+$0x0], $0xffff  }
0x133: {  	v21 =	vld.idx.msk [tilespmem:v33+s7+$0x0], $0xffff;
	v30 =	vadd.s32 $0x4, v19;
	v12 =	vsel vm1, v31, v12;
	vm0 =	vlt.f32 v6, v15  }
0x134: {  	v37 =	vadd.s32 $0x4, v12;
	v31 =	vsel vm0, v8, v7;
	v35 =	vsel vm0, $0x1F, v1  }
0x135: {  	v36 =	vld.idx.msk [tilespmem:v26+s7+$0x0], $0xffff;
	vm0 =	vlt.f32 v31, v15;
	v31 =	vadd.s32 $0x10, v35  }
0x136: {  	v38 =	vld.idx.msk [tilespmem:v27+s7+$0x0], $0xffff;
	v31 =	vsel vm0, v31, v35;
	vm0 =	vlt.f32 v55, v24  }
0x137: {  	vm1 =	vlt.f32 v28, v25;
	v56 =	vadd.s32 $0x8, v31;
	v16 =	vsel vm0, v29, v16  }
0x138: {  	vm0 =	vlt.f32 v21, v14;
	v28 =	vld.idx.msk [tilespmem:v30+s7+$0x0], $0xffff;
	v29 =	vsel vm1, v54, v13;
	v21 =	vadd.s32 $0x2, v16  }
0x139: {  	v18 =	vsel vm0, v33, v18;
	v13 =	vld.idx.msk [tilespmem:v37+s7+$0x0], $0xffff;
	v34 =	vadd.s32 $0x2, v29  }
0x13a: {  	v33 =	vadd.s32 $0x4, v18;
	vm0 =	vlt.f32 v36, v20  }
0x13b: {  	v11 =	vsel vm0, v26, v11;
	vm0 =	vlt.f32 v38, v0  }
0x13c: {  	v57 =	vadd.s32 $0x1, v11;
	v17 =	vsel vm0, v27, v17;
	v26 =	vld.idx.msk [tilespmem:v56+s7+$0x0], $0xffff  }
0x13d: {  	vm0 =	vlt.f32 v28, v10;
	v27 =	vadd.s32 $0x2, v17;
	v58 =	vld.idx.msk [tilespmem:v21+s7+$0x0], $0xffff  }
0x13e: {  	v19 =	vsel vm0, v30, v19;
	vm0 =	vlt.f32 v13, v22;
	v59 =	vld.idx.msk [tilespmem:v34+s7+$0x0], $0xffff  }
0x13f: {  	v13 =	vld.idx.msk [tilespmem:v33+s7+$0x0], $0xffff;
	v28 =	vadd.s32 $0x2, v19;
	v12 =	vsel vm0, v37, v12  }
0x140: {  	v37 =	vadd.s32 $0x2, v12  }
0x141: {  	v39 =	vld.idx.msk [tilespmem:v57+s7+$0x0], $0xffff  }
0x142: {  	vm6 =	vlt.f32 v20, v4;
	vm3 =	vlt.f32 v26, v15;
	v40 =	vld.idx.msk [tilespmem:v27+s7+$0x0], $0xffff  }
0x143: {  	vm2 =	vlt.f32 v58, v24;
	v26 =	vsel vm3, v56, v31;
	vm4 =	vlt.f32 v59, v25  }
0x144: {  	v21 =	vsel vm2, v21, v16;
	vm2 =	vlt.f32 v25, v4;
	vm3 =	vlt.f32 v13, v14;
	v16 =	vld.idx.msk [tilespmem:v28+s7+$0x0], $0xffff  }
0x145: {  	s30 =	simm.s32 $0xAC0;
	v34 =	vsel vm4, v34, v29;
	vm4 =	vlt.f32 v0, v4;
	v30 =	vadd.s32 $0x1, v21;
	v60 =	vld.idx.msk [tilespmem:v37+s7+$0x0], $0xffff  }
0x146: {  	v31 =	vsel vm3, v33, v18;
	v36 =	vadd.s32 $0x1, v34;
	v18 =	vld [tilespmem:s30+$0x0];
	vm3 =	vlt.f32 v39, v20  }
0x147: {  	v13 =	vld [tilespmem:s30+$0xFFFFFFF0];
	v29 =	vadd.s32 $0x2, v31;
	vm5 =	vlt.f32 v40, v0;
	v61 =	vsel vm3, v57, v11  }
0x148: {  	v39 =	vadd.s32 $0x4, v26;
	v35 =	vsel vm5, v27, v17;
	vm3 =	vgt.s32 v61, $0x0  }
0x149: {  	v11 =	vld [tilespmem:s30+$0xFFFFFFC0];
	vm5 =	vlt.f32 v16, v10;
	v2 =	vadd.s32 $0x1, v61;
	v27 =	vnsel vm3, $0x0, v61  }
0x14a: {  	v17 =	vld [tilespmem:s30+$0xFFFFFFE0];
	[tilespmem:$0x1FFF0] =	vst v0;
	vm3 =	vlt.f32 v22, v4;
	v38 =	vsel vm5, v28, v19;
	vm5 =	vlt.f32 v60, v22  }
0x14b: {  	v32 =	vadd.s32 $0x1, v35;
	[tilespmem:$0x1FFE0] =	vst v2;
	vm7 =	vlt.f32 v6, v18;
	v27 =	vnsel vm6, $0x3F, v27  }
0x14c: {  	v62 =	vsel vm5, v37, v12;
	v12 =	vld [tilespmem:s30+$0x10];
	v37 =	vadd.s32 $0x1, v38;
	vm5 =	vlt.f32 v6, v13  }
0x14d: {  	v19 =	vld.idx.msk [tilespmem:v29+s7+$0x0], $0xffff;
	v16 =	vsel vm7, $0x1F, v1;
	v41 =	vsel vm7, v8, v7;
	v63 =	vadd.s32 $0x1, v62  }
0x14e: {  	vm7 =	vlt.f32 v41, v18;
	v55 =	vadd.s32 $0x10, v16;
	v57 =	vsel vm5, v8, v7  }
0x14f: {  	vm15 =	vlt.f32 v6, v11;
	v41 =	vsel vm7, v55, v16;
	vm8 =	vlt.f32 v6, v17  }
0x150: {  	v42 =	vsel vm15, $0x1F, v1;
	v46 =	vadd.s32 $0x8, v41;
	v47 =	vsel vm15, v8, v7  }
0x151: {  	v16 =	vld [tilespmem:s30+$0x30];
	v43 =	vsel vm8, $0x1F, v1;
	v44 =	vadd.s32 $0x10, v42;
	v45 =	vsel vm8, v8, v7  }
0x152: {  	v51 =	vld.idx.msk [tilespmem:v30+s7+$0x0], $0xffff;
	vm13 =	vlt.f32 v47, v11;
	vm10 =	vlt.f32 v6, v12;
	vm12 =	vlt.f32 v19, v14  }
0x153: {  	v52 =	vld.idx.msk [tilespmem:v32+s7+$0x0], $0xffff;
	v42 =	vsel vm13, v44, v42;
	vm13 =	vlt.f32 v45, v17;
	v48 =	vsel vm10, $0x1F, v1  }
0x154: {  	v19 =	vld [tilespmem:s30+$0xFFFFFFD0];
	v49 =	vsel vm10, v8, v7;
	v29 =	vsel vm12, v29, v31;
	v31 =	vsel vm5, $0x1F, v1  }
0x155: {  	v45 =	vld.idx.msk [tilespmem:v36+s7+$0x0], $0xffff;
	vm5 =	vlt.f32 v57, v13;
	vm11 =	vlt.f32 v49, v12;
	v56 =	vadd.s32 $0x10, v48  }
0x156: {  	v50 =	vld.idx.msk [tilespmem:v63+s7+$0x0], $0xffff;
	v53 =	vadd.s32 $0x10, v31;
	vm14 =	vlt.f32 v6, v16;
	v48 =	vsel vm11, v56, v48  }
0x157: {  	v58 =	vld.idx.msk [tilespmem:v27+s7+$0x0], $0xffff;
	v47 =	vsel vm14, $0x1F, v1;
	v31 =	vsel vm5, v53, v31;
	vm5 =	vlt.f32 v51, v24  }
0x158: {  	v44 =	vsel vm14, v8, v7;
	v51 =	vadd.s32 $0x8, v42;
	v49 =	vadd.s32 $0x8, v48  }
0x159: {  	v54 =	vld.idx.msk [tilespmem:v46+s7+$0x0], $0xffff;
	vm14 =	vlt.f32 v52, v0;
	v56 =	vadd.s32 $0x8, v31;
	v30 =	vsel vm5, v30, v21  }
0x15a: {  	vm12 =	vlt.f32 v6, v19;
	v32 =	vsel vm14, v32, v35;
	vm11 =	vlt.f32 v45, v25  }
0x15b: {  	vm14 =	vlt.f32 v44, v16;
	vm15 =	vlt.f32 v50, v22;
	v59 =	vsel vm12, $0x1F, v1  }
0x15c: {  	v60 =	vld.idx.msk [tilespmem:v27+s18+$0x0], $0xffff;
	v61 =	vsel vm12, v8, v7;
	v50 =	vsub.f32 v20, v58;
	v35 =	vadd.s32 $0x1, v32  }
0x15d: {  	vm10 =	vgt.s32 v32, $0x0;
	v40 =	vsel vm15, v63, v62;
	v62 =	vadd.s32 $0x10, v43  }
0x15e: {  	vm9 =	vlt.f32 v61, v19;
	vm15 =	vlt.f32 v54, v18;
	v43 =	vsel vm13, v62, v43;
	v61 =	vld.idx.msk [tilespmem:v51+s7+$0x0], $0xffff  }
0x15f: {  	v57 =	vsel vm11, v36, v34;
	v41 =	vsel vm15, v46, v41;
	v63 =	vld.idx.msk [tilespmem:v49+s7+$0x0], $0xffff;
	v55 =	vadd.s32 $0x8, v43  }
0x160: {  	v20 =	vadd.s32 $0x10, v59;
	vm12 =	vgt.s32 v57, $0x0;
	v53 =	vadd.s32 $0x4, v41  }
0x161: {  	v34 =	vld.idx.msk [tilespmem:v37+s7+$0x0], $0xffff;
	v33 =	vsel vm9, v20, v59;
	v20 =	vnsel vm10, $0x0, v32;
	v62 =	vmul.f32 v60, v50  }
0x162: {  	v32 =	vld.idx.msk [tilespmem:v39+s7+$0x0], $0xffff;
	v54 =	vadd.s32 $0x1, v29;
	v45 =	vadd.s32 $0x8, v33;
	v58 =	vnsel vm4, $0x3F, v20  }
0x163: {  	v20 =	vld [tilespmem:s30+$0x20];
	v52 =	vmax.f32 v62, $0.0e+00;
	vm13 =	vlt.f32 v61, v11;
	v61 =	vadd.s32 $0x10, v47  }
0x164: {  	vm4 =	vlt.f32 v63, v12;
	v63 =	vld.idx.msk [tilespmem:v55+s7+$0x0], $0xffff;
	v42 =	vsel vm13, v51, v42;
	v47 =	vsel vm14, v61, v47  }
0x165: {  	v46 =	vsel vm4, v49, v48;
	v49 =	vnsel vm12, $0x0, v57;
	vm4 =	vgt.s32 v40, $0x0;
	v59 =	vld.idx.msk [tilespmem:v53+s7+$0x0], $0xffff  }
0x166: {  	v44 =	vadd.s32 $0x4, v42;
	v60 =	vnsel vm4, $0x0, v40;
	v36 =	vadd.s32 $0x4, v46  }
0x167: {  	vm4 =	vlt.f32 v34, v10;
	v51 =	vnsel vm3, $0x3F, v60;
	vm3 =	vlt.f32 v32, v15;
	v32 =	vld.idx.msk [tilespmem:v56+s7+$0x0], $0xffff  }
0x168: {  	v48 =	vadd.s32 $0x8, v47;
	v39 =	vsel vm3, v39, v26;
	v26 =	vsel vm4, v37, v38  }
0x169: {  	vm4 =	vlt.f32 v6, v20;
	v37 =	vadd.s32 $0x2, v39;
	vm3 =	vlt.f32 v63, v17  }
0x16a: {  	v0 =	vld.idx.msk [tilespmem:v54+s7+$0x0], $0xffff;
	v62 =	vsel vm4, v8, v7;
	vm15 =	vlt.f32 v59, v18;
	v59 =	vsel vm4, $0x1F, v1  }
0x16b: {  	v34 =	vld.idx.msk [tilespmem:v45+s7+$0x0], $0xffff;
	v43 =	vsel vm3, v55, v43;
	vm3 =	vlt.f32 v62, v20;
	v21 =	vadd.s32 $0x10, v59  }
0x16c: {  	v55 =	vld.idx.msk [tilespmem:v36+s7+$0x0], $0xffff;
	v59 =	vsel vm3, v21, v59;
	v21 =	vnsel vm2, $0x3F, v49;
	vm2 =	vlt.f32 v32, v13  }
0x16d: {  	v41 =	vsel vm15, v53, v41;
	v56 =	vsel vm2, v56, v31;
	v31 =	vld.idx.msk [tilespmem:v48+s7+$0x0], $0xffff  }
0x16e: {  	vm1 =	vlt.f32 v24, v4;
	v50 =	vld.idx.msk [tilespmem:v51+s7+$0x0], $0xffff;
	v53 =	vadd.s32 $0x2, v41;
	vm3 =	vgt.s32 v30, $0x0  }
0x16f: {  	v28 =	vadd.s32 $0x1, v30;
	v60 =	vadd.s32 $0x4, v43;
	v38 =	vld.idx.msk [tilespmem:v51+s18+$0x0], $0xffff;
	v63 =	vnsel vm3, $0x0, v30  }
0x170: {  	v49 =	vld.idx.msk [tilespmem:v44+s7+$0x0], $0xffff;
	vm3 =	vlt.f32 v34, v19;
	v62 =	vnsel vm1, $0x3F, v63;
	vm1 =	vgt.s32 v26, $0x0  }
0x171: {  	[tilespmem:s2+$0x0] =	vst v27;
	v61 =	vld.idx.msk [tilespmem:v37+s7+$0x0], $0xffff;
	v63 =	vadd.s32 $0x4, v56;
	v30 =	vnsel vm1, $0x0, v26;
	vm1 =	vlt.f32 v55, v12  }
0x172: {  	v23 =	vsel vm3, v45, v33;
	v33 =	vsel vm1, v36, v46;
	vm1 =	vlt.f32 v31, v16;
	v31 =	vld [tilespmem:$0x1FFE0]  }
0x173: {  	v45 =	vld.idx.msk [tilespmem:v53+s7+$0x0], $0xffff  }
0x174: {  	vm0 =	vlt.f32 v10, v4;
	v55 =	vadd.s32 $0x8, v59;
	v22 =	vsub.f32 v22, v50;
	v46 =	vld.idx.msk [tilespmem:v60+s7+$0x0], $0xffff  }
0x175: {  	v32 =	vnsel vm0, $0x3F, v30;
	v30 =	vld.idx.msk [tilespmem:v21+s7+$0x0], $0xffff  }
0x176: {  	v50 =	vadd.s32 $0x4, v23;
	[tilespmem:s2+$0xFFFFFFD0] =	vst v51;
	vm0 =	vlt.f32 v61, v15;
	v22 =	vmul.f32 v38, v22;
	v27 =	vld.idx.msk [tilespmem:v63+s7+$0x0], $0xffff  }
0x177: {  	v34 =	vadd.s32 $0x2, v33;
	v61 =	vsel vm0, v37, v39;
	v37 =	vld.idx.msk [tilespmem:v62+s7+$0x0], $0xffff;
	vm0 =	vlt.f32 v49, v11;
	[tilespmem:s4+$0x0] =	vst v31  }
0x178: {  	v36 =	vsel vm0, v44, v42;
	v44 =	vld.idx.msk [tilespmem:v58+s18+$0x0], $0xffff;
	vm0 =	vlt.f32 v45, v18;
	v31 =	vadd.s32 $0x1, v40;
	[tilespmem:s1+$0x0] =	vst v52  }
0x179: {  	v2 =	vadd.s32 $0x1, v61;
	v38 =	vsel vm0, v53, v41;
	vm0 =	vlt.f32 v0, v14;
	v0 =	vld.idx.msk [tilespmem:v55+s7+$0x0], $0xffff;
	[tilespmem:s4+$0xFFFFFFD0] =	vst v31  }
0x17a: {  	v49 =	vmax.f32 v22, $0.0e+00;
	v31 =	vsub.f32 v25, v30;
	v30 =	vld.idx.msk [tilespmem:v62+s18+$0x0], $0xffff;
	[tilespmem:s2+$0x10] =	vst v62  }
0x17b: {  	v22 =	vadd.s32 $0x1, v57;
	v42 =	vsel vm1, v48, v47;
	v45 =	vld.idx.msk [tilespmem:v50+s7+$0x0], $0xffff;
	[tilespmem:s1+$0xFFFFFFD0] =	vst v49  }
0x17c: {  	v47 =	vadd.s32 $0x4, v42;
	vm1 =	vlt.f32 v46, v17;
	v25 =	vsub.f32 v24, v37;
	v24 =	vld.idx.msk [tilespmem:v58+s7+$0x0], $0xffff;
	[tilespmem:s2+$0xFFFFFFE0] =	vst v58  }
0x17d: {  	v39 =	vadd.s32 $0x2, v36;
	v57 =	vld.idx.msk [tilespmem:v34+s7+$0x0], $0xffff;
	v43 =	vsel vm1, v60, v43;
	v40 =	vadd.s32 $0x1, v38;
	[tilespmem:s4+$0x10] =	vst v28  }
0x17e: {  	v48 =	vsel vm0, v54, v29;
	v46 =	vadd.s32 $0x2, v43;
	vm0 =	vlt.f32 v27, v13;
	v60 =	vld.idx.msk [tilespmem:v2+s7+$0x0], $0xffff;
	[tilespmem:s4+$0xFFFFFFE0] =	vst v35  }
0x17f: {  	vm1 =	vgt.s32 v48, $0x0;
	v29 =	vadd.s32 $0x1, v48;
	vm2 =	vlt.f32 v0, v20;
	v0 =	vld [tilespmem:$0x1FFF0]  }
0x180: {  	v41 =	vsel vm0, v63, v56;
	vm0 =	vlt.f32 v14, v4;
	v37 =	vld.idx.msk [tilespmem:v21+s18+$0x0], $0xffff;
	v27 =	vnsel vm1, $0x0, v48  }
0x181: {  	vm1 =	vlt.f32 v45, v19;
	v51 =	vld.idx.msk [tilespmem:v47+s7+$0x0], $0xffff;
	v45 =	vadd.s32 $0x2, v41;
	v35 =	vnsel vm0, $0x3F, v27  }
0x182: {  	v52 =	vld.idx.msk [tilespmem:v39+s7+$0x0], $0xffff;
	vm0 =	vlt.f32 v13, v4;
	v48 =	vsel vm1, v50, v23;
	vm1 =	vlt.f32 v12, v4  }
0x183: {  	s14 =	simm.s32 $0x8;
	s28 =	simm.s32 $0xB40;
	vm3 =	vlt.f32 v57, v12;
	v49 =	vadd.s32 $0x2, v48;
	v53 =	vld.idx.msk [tilespmem:v40+s7+$0x0], $0xffff;
	vm4 =	vlt.f32 v60, v15  }
0x184: {  	s10 =	simm.s32 $0xCAC0;
	s13 =	simm.s32 $0x4A40;
	s9 =	simm.s32 $0x8A40;
	v27 =	vld.idx.msk [tilespmem:v46+s7+$0x0], $0xffff;
	v28 =	vsel vm2, v55, v59;
	v50 =	vsel vm4, v2, v61;
	v23 =	vsub.f32 v0, v24  }
.LBB2_11:
0x185: {  	s14 =	sadd.s32 $0x8, s14;
	vm2 =	vlt.f32 v11, v4;
	v33 =	vsel vm3, v34, v33;
	v0 =	vld.idx.msk [tilespmem:v32+s18+$0x0], $0xffff;
	vm3 =	vlt.f32 v15, v4;
	s2 =	sadd.s32 $0x80, s2;
	s4 =	sadd.s32 $0x80, s4  }
0x186: {  	vm4 =	vlt.f32 v51, v16;
	v24 =	vld [tilespmem:s28+$0x10];
	p2 =	slt.u32 s14, $0x1F8;
	v34 =	vadd.s32 $0x1, v33;
	v2 =	vmul.f32 v44, v23;
	v23 =	vmovc v17  }
0x187: {  	v26 =	vadd.s32 $0x1, v26;
	vm5 =	vlt.f32 v52, v11;
	v47 =	vsel vm4, v47, v42;
	v44 =	vld.idx.msk [tilespmem:v45+s7+$0x0], $0xffff  }
0x188: {  	vm6 =	vgt.s32 v50, $0x0;
	vm4 =	vlt.f32 v53, v18;
	v2 =	vmax.f32 v2, $0.0e+00;
	v51 =	vld.idx.msk [tilespmem:v32+s7+$0x0], $0xffff  }
0x189: {  	vm8 =	vlt.f32 v18, v4;
	vm7 =	vlt.f32 v27, v23;
	v52 =	vld.idx.msk [tilespmem:v49+s7+$0x0], $0xffff;
	[tilespmem:s1+$0xFFFFFFE0] =	vst v2;
	v2 =	vnsel vm6, $0x0, v50  }
0x18a: {  	v42 =	vsel vm7, v46, v43;
	v43 =	vsel vm4, v40, v38;
	v17 =	vld [tilespmem:s28+$0xFFFFFFE0];
	[tilespmem:s13+$0xFFFFFFF0] =	vst v32;
	v2 =	vnsel vm3, $0x3F, v2  }
0x18b: {  	v38 =	vsel vm5, v39, v36;
	v46 =	vadd.s32 $0x2, v47;
	vm3 =	vgt.s32 v43, $0x0;
	[tilespmem:s9+$0xFFFFFFF0] =	vst v26;
	v53 =	vld.idx.msk [tilespmem:v35+s7+$0x0], $0xffff  }
0x18c: {  	vm4 =	vlt.f32 v23, v4;
	v39 =	vadd.s32 $0x1, v38;
	v26 =	vnsel vm3, $0x0, v43;
	v54 =	vld [tilespmem:s28+$0xFFFFFFF0]  }
0x18d: {  	v50 =	vadd.s32 $0x1, v50;
	vm5 =	vlt.f32 v44, v13;
	v44 =	vnsel vm8, $0x3F, v26;
	v27 =	vld [tilespmem:s28+$0xFFFFFFC0]  }
0x18e: {  	vm3 =	vlt.f32 v19, v4;
	v26 =	vsel vm5, v45, v41;
	v41 =	vsub.f32 v10, v51;
	v10 =	vmovc v13;
	v40 =	vld [tilespmem:s28+$0x0]  }
0x18f: {  	v43 =	vadd.s32 $0x1, v43;
	v45 =	vadd.s32 $0x1, v42;
	vm5 =	vlt.f32 v52, v19;
	v51 =	vld.idx.msk [tilespmem:v2+s7+$0x0], $0xffff  }
0x190: {  	v36 =	vadd.s32 $0x4, v28;
	v32 =	vadd.s32 $0x1, v26;
	v48 =	vsel vm5, v49, v48;
	v52 =	vld [tilespmem:s28+$0x30]  }
0x191: {  	v49 =	vadd.s32 $0x1, v48;
	v53 =	vsub.f32 v14, v53;
	vm5 =	vlt.f32 v6, v54;
	v55 =	vld.idx.msk [tilespmem:v2+s18+$0x0], $0xffff;
	v13 =	vmovc v54  }
0x192: {  	vm7 =	vlt.f32 v6, v17;
	v0 =	vmul.f32 v0, v41;
	vm6 =	vlt.f32 v6, v27;
	[tilespmem:s13+$0x20] =	vst v2  }
0x193: {  	v41 =	vsel vm7, $0x1F, v1;
	v14 =	vmovc v16;
	v2 =	vsel vm6, $0x1F, v1;
	vm8 =	vlt.f32 v6, v40;
	v54 =	vld.idx.msk [tilespmem:v46+s7+$0x0], $0xffff;
	[tilespmem:s9+$0x20] =	vst v50  }
0x194: {  	v56 =	vsel vm7, v8, v7;
	vm7 =	vlt.f32 v6, v24;
	v50 =	vadd.s32 $0x10, v2  }
0x195: {  	v0 =	vmax.f32 v0, $0.0e+00;
	v57 =	vsel vm8, $0x1F, v1;
	v58 =	vsel vm8, v8, v7;
	v59 =	vld.idx.msk [tilespmem:v35+s18+$0x0], $0xffff;
	v16 =	vmovc v52  }
0x196: {  	v51 =	vsub.f32 v15, v51;
	v15 =	vmovc v20;
	vm8 =	vlt.f32 v58, v40;
	v52 =	vadd.s32 $0x10, v57;
	[tilespmem:s13+$0x30] =	vst v35  }
0x197: {  	v20 =	vsel vm6, v8, v7;
	v35 =	vsel vm8, v52, v57;
	v52 =	vsel vm7, $0x1F, v1;
	v57 =	vld.idx.msk [tilespmem:v34+s7+$0x0], $0xffff;
	[tilespmem:s1+$0xFFFFFFF0] =	vst v0  }
0x198: {  	v37 =	vmul.f32 v37, v31;
	v58 =	vsel vm7, v8, v7;
	v0 =	vadd.s32 $0x8, v35;
	v60 =	vld.idx.msk [tilespmem:v49+s7+$0x0], $0xffff;
	[tilespmem:s9+$0x30] =	vst v29  }
0x199: {  	vm6 =	vlt.f32 v58, v24;
	v29 =	vadd.s32 $0x10, v52;
	vm7 =	vlt.f32 v54, v14;
	v58 =	vld.idx.msk [tilespmem:v44+s7+$0x0], $0xffff  }
0x19a: {  	v52 =	vsel vm6, v29, v52;
	v29 =	vsel vm7, v46, v47;
	v46 =	vmul.f32 v55, v51  }
0x19b: {  	v47 =	vsel vm5, $0x1F, v1;
	v51 =	vadd.s32 $0x8, v52;
	v53 =	vmul.f32 v59, v53;
	v31 =	vld [tilespmem:s28+$0xFFFFFFD0]  }
0x19c: {  	vm6 =	vlt.f32 v20, v27;
	v20 =	vsel vm5, v8, v7;
	v54 =	vadd.s32 $0x10, v47;
	v55 =	vld.idx.msk [tilespmem:v45+s7+$0x0], $0xffff  }
0x19d: {  	vm7 =	vlt.f32 v6, v16;
	v59 =	vld.idx.msk [tilespmem:v0+s7+$0x0], $0xffff;
	[tilespmem:s13+$0xFFFFFFC0] =	vst v21;
	v21 =	vmul.f32 v30, v25;
	v25 =	vmax.f32 v53, $0.0e+00;
	s13 =	smov.u32 s2  }
0x19e: {  	vm5 =	vlt.f32 v20, v13;
	v20 =	vmax.f32 v46, $0.0e+00;
	v53 =	vsel vm7, $0x1F, v1;
	[tilespmem:s1+$0x30] =	vst v25  }
0x19f: {  	vm8 =	vlt.f32 v60, v19;
	v25 =	vsel vm5, v54, v47;
	vm5 =	vlt.f32 v57, v12;
	[tilespmem:s1+$0x20] =	vst v20  }
0x1a0: {  	v2 =	vsel vm6, v50, v2;
	v46 =	vsel vm7, v8, v7;
	v20 =	vmax.f32 v37, $0.0e+00;
	[tilespmem:s9+$0xFFFFFFC0] =	vst v22;
	s9 =	smov.u32 s4  }
0x1a1: {  	v37 =	vsel vm8, v49, v48;
	v22 =	vadd.s32 $0x8, v2;
	vm6 =	vlt.f32 v6, v31;
	[tilespmem:s1+$0xFFFFFFC0] =	vst v20  }
0x1a2: {  	vm7 =	vlt.f32 v56, v17;
	v20 =	vsel vm6, $0x1F, v1;
	vm8 =	vlt.f32 v55, v23;
	v30 =	vld.idx.msk [tilespmem:v39+s7+$0x0], $0xffff  }
0x1a3: {  	v21 =	vmax.f32 v21, $0.0e+00;
	v47 =	vsel vm6, v8, v7;
	vm6 =	vlt.f32 v59, v40;
	v48 =	vld.idx.msk [tilespmem:v44+s18+$0x0], $0xffff  }
0x1a4: {  	vm9 =	vlt.f32 v47, v31;
	v47 =	vadd.s32 $0x10, v41;
	v0 =	vsel vm6, v0, v35;
	v49 =	vld.idx.msk [tilespmem:v51+s7+$0x0], $0xffff;
	[tilespmem:s2+$0x0] =	vst v44  }
0x1a5: {  	v41 =	vsel vm7, v47, v41;
	v47 =	vsub.f32 v18, v58;
	v18 =	vmovc v40;
	v44 =	vadd.s32 $0x4, v0;
	[tilespmem:s1+$0x10] =	vst v21;
	s1 =	smov.u32 s10  }
0x1a6: {  	v42 =	vsel vm8, v45, v42;
	v35 =	vadd.s32 $0x10, v20;
	v40 =	vadd.s32 $0x8, v41;
	v21 =	vld.idx.msk [tilespmem:v22+s7+$0x0], $0xffff;
	[tilespmem:s4+$0x0] =	vst v43  }
0x1a7: {  	vm6 =	vgt.s32 v42, $0x0;
	v43 =	vsel vm9, v35, v20;
	v35 =	vadd.s32 $0x1, v42  }
0x1a8: {  	v45 =	vadd.s32 $0x8, v25;
	v20 =	vnsel vm6, $0x0, v42;
	vm7 =	vlt.f32 v30, v11;
	v42 =	vld.idx.msk [tilespmem:v36+s7+$0x0], $0xffff  }
0x1a9: {  	v50 =	vadd.s32 $0x8, v43;
	v30 =	vnsel vm4, $0x3F, v20;
	v38 =	vsel vm7, v39, v38;
	v39 =	vld.idx.msk [tilespmem:v32+s7+$0x0], $0xffff  }
0x1aa: {  	v47 =	vmul.f32 v48, v47;
	vm4 =	vlt.f32 v49, v24;
	vm6 =	vgt.s32 v38, $0x0;
	v20 =	vld [tilespmem:s28+$0x20]  }
0x1ab: {  	v49 =	vsel vm4, v51, v52;
	v51 =	vnsel vm6, $0x0, v38;
	vm4 =	vgt.s32 v37, $0x0;
	v48 =	vld.idx.msk [tilespmem:v40+s7+$0x0], $0xffff  }
0x1ac: {  	vm7 =	vlt.f32 v46, v16;
	v46 =	vmax.f32 v47, $0.0e+00;
	vm6 =	vlt.f32 v21, v27;
	v21 =	vld.idx.msk [tilespmem:v44+s7+$0x0], $0xffff  }
0x1ad: {  	v47 =	vnsel vm4, $0x0, v37;
	v2 =	vsel vm6, v22, v2;
	v22 =	vadd.s32 $0x10, v53;
	[tilespmem:s10+$0x0] =	vst v46  }
0x1ae: {  	v52 =	vadd.s32 $0x4, v49;
	v53 =	vsel vm7, v22, v53;
	v22 =	vnsel vm3, $0x3F, v47;
	v46 =	vld.idx.msk [tilespmem:v45+s7+$0x0], $0xffff  }
0x1af: {  	v54 =	vadd.s32 $0x1, v29;
	vm4 =	vlt.f32 v42, v15;
	vm3 =	vlt.f32 v39, v10;
	v47 =	vld.idx.msk [tilespmem:v50+s7+$0x0], $0xffff  }
0x1b0: {  	v39 =	vadd.s32 $0x4, v2;
	v28 =	vsel vm4, v36, v28;
	v26 =	vsel vm3, v32, v26  }
0x1b1: {  	vm4 =	vlt.f32 v6, v20;
	v36 =	vadd.s32 $0x2, v28;
	vm3 =	vlt.f32 v48, v17  }
0x1b2: {  	v32 =	vsel vm4, v8, v7;
	vm6 =	vlt.f32 v21, v18;
	v21 =	vnsel vm2, $0x3F, v51  }
0x1b3: {  	v41 =	vsel vm3, v40, v41;
	v40 =	vadd.s32 $0x8, v53;
	v0 =	vsel vm6, v44, v0;
	v42 =	vld.idx.msk [tilespmem:v22+s7+$0x0], $0xffff  }
0x1b4: {  	v33 =	vsel vm5, v34, v33;
	v51 =	vsel vm4, $0x1F, v1;
	v48 =	vadd.s32 $0x2, v0;
	v44 =	vld.idx.msk [tilespmem:v52+s7+$0x0], $0xffff  }
0x1b5: {  	vm3 =	vlt.f32 v32, v20;
	v32 =	vadd.s32 $0x10, v51;
	vm2 =	vlt.f32 v47, v31;
	v34 =	vld.idx.msk [tilespmem:v22+s18+$0x0], $0xffff  }
0x1b6: {  	v55 =	vadd.s32 $0x4, v41;
	v56 =	vsel vm3, v32, v51;
	vm3 =	vgt.s32 v33, $0x0;
	v47 =	vld.idx.msk [tilespmem:v36+s7+$0x0], $0xffff  }
0x1b7: {  	vm5 =	vgt.s32 v26, $0x0;
	vm4 =	vlt.f32 v46, v13;
	v32 =	vnsel vm3, $0x0, v33;
	v51 =	vld.idx.msk [tilespmem:v39+s7+$0x0], $0xffff  }
0x1b8: {  	v57 =	vadd.s32 $0x1, v33;
	v45 =	vsel vm4, v45, v25;
	v58 =	vnsel vm1, $0x3F, v32;
	v25 =	vld.idx.msk [tilespmem:v40+s7+$0x0], $0xffff;
	[tilespmem:s2+$0xFFFFFFD0] =	vst v22  }
0x1b9: {  	v33 =	vnsel vm5, $0x0, v26;
	v59 =	vadd.s32 $0x4, v45;
	v32 =	vadd.s32 $0x1, v37;
	v22 =	vld.idx.msk [tilespmem:v48+s7+$0x0], $0xffff  }
0x1ba: {  	v37 =	vsel vm2, v50, v43;
	v50 =	vadd.s32 $0x8, v56;
	v42 =	vsub.f32 v19, v42;
	v19 =	vmovc v31;
	v43 =	vld.idx.msk [tilespmem:v54+s7+$0x0], $0xffff  }
0x1bb: {  	v60 =	vadd.s32 $0x4, v37;
	vm1 =	vlt.f32 v44, v24;
	v31 =	vld.idx.msk [tilespmem:v55+s7+$0x0], $0xffff;
	[tilespmem:s4+$0xFFFFFFD0] =	vst v32;
	v32 =	vnsel vm0, $0x3F, v33  }
0x1bc: {  	v42 =	vmul.f32 v34, v42;
	v33 =	vsel vm1, v52, v49;
	vm0 =	vlt.f32 v47, v15;
	v46 =	vld.idx.msk [tilespmem:v21+s7+$0x0], $0xffff  }
0x1bd: {  	vm1 =	vlt.f32 v51, v27;
	v34 =	vadd.s32 $0x2, v33;
	v61 =	vsel vm0, v36, v28;
	v49 =	vld.idx.msk [tilespmem:v58+s7+$0x0], $0xffff  }
0x1be: {  	vm0 =	vlt.f32 v25, v16;
	v25 =	vmax.f32 v42, $0.0e+00;
	v62 =	vadd.s32 $0x1, v61;
	v28 =	vld.idx.msk [tilespmem:v59+s7+$0x0], $0xffff  }
0x1bf: {  	v36 =	vsel vm1, v39, v2;
	vm1 =	vlt.f32 v22, v18;
	v22 =	vadd.s32 $0x1, v38;
	[tilespmem:s10+$0xFFFFFFD0] =	vst v25;
	v44 =	vld.idx.msk [tilespmem:v30+s18+$0x0], $0xffff  }
0x1c0: {  	v42 =	vsel vm0, v40, v53;
	v38 =	vsel vm1, v48, v0;
	vm0 =	vlt.f32 v43, v14;
	v2 =	vld.idx.msk [tilespmem:v60+s7+$0x0], $0xffff  }
0x1c1: {  	v39 =	vadd.s32 $0x2, v36;
	v47 =	vadd.s32 $0x4, v42;
	v40 =	vadd.s32 $0x1, v38;
	v0 =	vld.idx.msk [tilespmem:v50+s7+$0x0], $0xffff  }
0x1c2: {  	vm1 =	vlt.f32 v31, v17;
	v48 =	vsel vm0, v54, v29;
	v31 =	vsub.f32 v11, v46;
	v63 =	vld.idx.msk [tilespmem:v34+s7+$0x0], $0xffff  }
0x1c3: {  	v43 =	vsel vm1, v55, v41;
	vm0 =	vgt.s32 v48, $0x0;
	v25 =	vsub.f32 v12, v49;
	v12 =	vmovc v24;
	v54 =	vld.idx.msk [tilespmem:v62+s7+$0x0], $0xffff  }
0x1c4: {  	v29 =	vadd.s32 $0x1, v48;
	v11 =	vmovc v27;
	v46 =	vadd.s32 $0x2, v43;
	vm1 =	vlt.f32 v28, v13;
	v24 =	vld.idx.msk [tilespmem:v30+s7+$0x0], $0xffff  }
0x1c5: {  	v27 =	vnsel vm0, $0x0, v48;
	v41 =	vsel vm1, v59, v45;
	vm1 =	vlt.f32 v14, v4;
	[tilespmem:s2+$0xFFFFFFE0] =	vst v30;
	v30 =	vld.idx.msk [tilespmem:v58+s18+$0x0], $0xffff  }
.Ltmp5:
0x1c6: {  	vm0 =	vlt.f32 v2, v19;
	v45 =	vadd.s32 $0x2, v41;
	v51 =	vld.idx.msk [tilespmem:v47+s7+$0x0], $0xffff;
	[tilespmem:s4+$0xFFFFFFE0] =	vst v35;
	v35 =	vnsel vm1, $0x3F, v27;
	(pc) =	sbr.rel @p2 .LBB2_11-.Ltmp5, $4  }
0x1c7: {  	v48 =	vsel vm0, v60, v37;
	v52 =	vld.idx.msk [tilespmem:v39+s7+$0x0], $0xffff;
	[tilespmem:s2+$0x10] =	vst v58  }
0x1c8: {  	vm0 =	vlt.f32 v13, v4;
	vm1 =	vlt.f32 v12, v4;
	v49 =	vadd.s32 $0x2, v48;
	v53 =	vld.idx.msk [tilespmem:v40+s7+$0x0], $0xffff;
	[tilespmem:s4+$0x10] =	vst v57  }
0x1c9: {  	vm2 =	vlt.f32 v0, v20;
	vm3 =	vlt.f32 v63, v12;
	vm4 =	vlt.f32 v54, v15;
	v27 =	vld.idx.msk [tilespmem:v46+s7+$0x0], $0xffff  }
0x1ca: {  	s28 =	sadd.s32 $0x80, s28;
	s10 =	sadd.s32 $0x80, s10;
	v28 =	vsel vm2, v50, v56;
	v23 =	vsub.f32 v23, v24;
	v50 =	vsel vm4, v62, v61;
	v37 =	vld.idx.msk [tilespmem:v21+s18+$0x0], $0xffff  }
0x1cb: {  	_ = 	snop  }
0x1cc: {  	v2 =	vadd.s32 $0x4, v28;
	_ =	sdelay $0x2  }
0x1cd: {  	v0 =	vld.idx.msk [tilespmem:v49+s7+$0x0], $0xffff;
	_ =	sdelay $0x1  }
0x1ce: {  	vm2 =	vlt.f32 v11, v4;
	vm10 =	vlt.f32 v15, v4;
	vm11 =	vgt.s32 v50, $0x0;
	v56 =	vld.idx.msk [tilespmem:v2+s7+$0x0], $0xffff  }
0x1cf: {  	vm5 =	vlt.f32 v51, v16;
	v26 =	vadd.s32 $0x1, v26;
	vm15 =	vlt.f32 v18, v4  }
0x1d0: {  	v58 =	vld.idx.msk [tilespmem:v45+s7+$0x0], $0xffff;
	v25 =	vmul.f32 v30, v25;
	v57 =	vnsel vm11, $0x0, v50;
	v42 =	vsel vm5, v47, v42  }
0x1d1: {  	v59 =	vld.idx.msk [tilespmem:v32+s7+$0x0], $0xffff;
	vm12 =	vlt.f32 v52, v11;
	v52 =	vadd.s32 $0x2, v42;
	vm4 =	vlt.f32 v0, v19  }
0x1d2: {  	v23 =	vmul.f32 v44, v23;
	v24 =	vsel vm4, v49, v48;
	v49 =	vnsel vm10, $0x3F, v57  }
0x1d3: {  	v51 =	vld.idx.msk [tilespmem:v32+s18+$0x0], $0xffff;
	v0 =	vsel vm3, v34, v33;
	v34 =	vadd.s32 $0x1, v24;
	vm14 =	vlt.f32 v56, v20  }
0x1d4: {  	v62 =	vld.idx.msk [tilespmem:v35+s7+$0x0], $0xffff;
	vm13 =	vlt.f32 v53, v18;
	vm6 =	vlt.f32 v27, v17;
	v2 =	vsel vm14, v2, v28  }
0x1d5: {  	v61 =	vsel vm13, v40, v38;
	vm8 =	vlt.f32 v58, v13;
	v58 =	vld.idx.msk [tilespmem:v35+s18+$0x0], $0xffff;
	v40 =	vadd.s32 $0x2, v2  }
0x1d6: {  	v36 =	vsel vm12, v39, v36;
	v10 =	vsub.f32 v10, v59;
	v56 =	vld.idx.msk [tilespmem:v52+s7+$0x0], $0xffff;
	v28 =	vsel vm6, v46, v43  }
0x1d7: {  	vm3 =	vgt.s32 v61, $0x0;
	v41 =	vsel vm8, v45, v41;
	v63 =	vld.idx.msk [tilespmem:v49+s7+$0x0], $0xffff;
	v44 =	vadd.s32 $0x1, v28  }
0x1d8: {  	v54 =	vnsel vm3, $0x0, v61;
	v10 =	vmul.f32 v51, v10;
	v51 =	vadd.s32 $0x1, v41;
	v60 =	vld.idx.msk [tilespmem:v34+s7+$0x0], $0xffff  }
0x1d9: {  	v23 =	vmax.f32 v23, $0.0e+00;
	v31 =	vmul.f32 v37, v31;
	v55 =	vld.idx.msk [tilespmem:v49+s18+$0x0], $0xffff;
	v43 =	vnsel vm15, $0x3F, v54  }
0x1da: {  	[tilespmem:s13+$0xFFFFFFF0] =	vst v32;
	v33 =	vadd.s32 $0x1, v61;
	v14 =	vsub.f32 v14, v62;
	v46 =	vadd.s32 $0x1, v36;
	v59 =	vld.idx.msk [tilespmem:v40+s7+$0x0], $0xffff  }
0x1db: {  	[tilespmem:s13+$0xFFFFFFC0] =	vst v21;
	v48 =	vadd.s32 $0x1, v0;
	vm3 =	vlt.f32 v17, v4;
	v57 =	vadd.s32 $0x1, v50  }
0x1dc: {  	[tilespmem:s9+$0xFFFFFFF0] =	vst v26;
	vm10 =	vlt.f32 v19, v4;
	v10 =	vmax.f32 v10, $0.0e+00;
	v14 =	vmul.f32 v58, v14;
	v62 =	vld.idx.msk [tilespmem:v44+s7+$0x0], $0xffff  }
0x1dd: {  	vm11 =	vlt.f32 v56, v16;
	v56 =	vld.idx.msk [tilespmem:v51+s7+$0x0], $0xffff;
	v61 =	vsub.f32 v15, v63;
	vm9 =	vlt.f32 v60, v19  }
0x1de: {  	[tilespmem:s1+$0xFFFFFFF0] =	vst v10;
	v10 =	vmax.f32 v31, $0.0e+00;
	v63 =	vld.idx.msk [tilespmem:v43+s7+$0x0], $0xffff;
	v52 =	vsel vm11, v52, v42;
	v24 =	vsel vm9, v34, v24  }
0x1df: {  	[tilespmem:s9+$0xFFFFFFC0] =	vst v22;
	v53 =	vld.idx.msk [tilespmem:v46+s7+$0x0], $0xffff;
	v15 =	vmul.f32 v55, v61;
	v55 =	vadd.s32 $0x1, v52;
	vm12 =	vlt.f32 v59, v20  }
0x1e0: {  	[tilespmem:s13+$0x20] =	vst v49;
	v14 =	vmax.f32 v14, $0.0e+00;
	v60 =	vld.idx.msk [tilespmem:v48+s7+$0x0], $0xffff;
	vm4 =	vgt.s32 v24, $0x0;
	v2 =	vsel vm12, v40, v2  }
0x1e1: {  	[tilespmem:s9+$0x20] =	vst v57;
	v47 =	vnsel vm4, $0x0, v24;
	vm13 =	vlt.f32 v62, v17;
	v57 =	vadd.s32 $0x1, v2  }
0x1e2: {  	[tilespmem:s1+$0xFFFFFFE0] =	vst v23;
	v54 =	vld.idx.msk [tilespmem:v43+s18+$0x0], $0xffff;
	v15 =	vmax.f32 v15, $0.0e+00;
	vm8 =	vlt.f32 v56, v13;
	v28 =	vsel vm13, v44, v28  }
0x1e3: {  	[tilespmem:s13+$0x30] =	vst v35;
	v24 =	vadd.s32 $0x1, v24;
	v37 =	vnsel vm10, $0x3F, v47;
	vm4 =	vgt.s32 v28, $0x0  }
0x1e4: {  	[tilespmem:s9+$0x30] =	vst v29;
	v58 =	vsub.f32 v18, v63;
	vm15 =	vlt.f32 v53, v11;
	v30 =	vld.idx.msk [tilespmem:v55+s7+$0x0], $0xffff;
	v61 =	vnsel vm4, $0x0, v28  }
0x1e5: {  	[tilespmem:s1+$0xFFFFFFC0] =	vst v10;
	v38 =	vsel vm8, v51, v41;
	vm14 =	vlt.f32 v60, v12;
	v63 =	vnsel vm3, $0x3F, v61  }
0x1e6: {  	s2 =	sadd.s32 $0x80, s2;
	[tilespmem:s1+$0x30] =	vst v14;
	v60 =	vmax.f32 v25, $0.0e+00;
	v29 =	vsel vm15, v46, v36;
	vm10 =	vgt.s32 v38, $0x0;
	v36 =	vld.idx.msk [tilespmem:v57+s7+$0x0], $0xffff  }
0x1e7: {  	s4 =	sadd.s32 $0x80, s4;
	[tilespmem:s2+$0x0] =	vst v43;
	vm7 =	vgt.s32 v29, $0x0;
	v18 =	vmul.f32 v54, v58;
	v41 =	vnsel vm10, $0x0, v38  }
0x1e8: {  	[tilespmem:s4+$0x0] =	vst v33;
	v0 =	vsel vm14, v48, v0;
	v32 =	vnsel vm7, $0x0, v29;
	v21 =	vnsel vm0, $0x3F, v41  }
0x1e9: {  	[tilespmem:s1+$0x20] =	vst v15;
	vm9 =	vgt.s32 v0, $0x0;
	v18 =	vmax.f32 v18, $0.0e+00;
	v59 =	vld.idx.msk [tilespmem:v37+s7+$0x0], $0xffff;
	vm11 =	vlt.f32 v30, v16  }
0x1ea: {  	[tilespmem:s1+$0x10] =	vst v60;
	v10 =	vnsel vm2, $0x3F, v32;
	v39 =	vnsel vm9, $0x0, v0;
	v26 =	vsel vm11, v55, v52;
	v42 =	vld.idx.msk [tilespmem:v63+s7+$0x0], $0xffff  }
0x1eb: {  	v62 =	vld.idx.msk [tilespmem:v37+s18+$0x0], $0xffff;
	v15 =	vnsel vm1, $0x3F, v39;
	[tilespmem:s10+$0x0] =	vst v18;
	vm1 =	vgt.s32 v26, $0x0;
	vm12 =	vlt.f32 v36, v20  }
0x1ec: {  	vm13 =	vlt.f32 v16, v4;
	[tilespmem:s2+$0xFFFFFFD0] =	vst v37;
	v44 =	vld.idx.msk [tilespmem:v63+s18+$0x0], $0xffff;
	v45 =	vnsel vm1, $0x0, v26;
	v2 =	vsel vm12, v57, v2  }
0x1ed: {  	[tilespmem:s4+$0xFFFFFFD0] =	vst v24;
	v52 =	vld.idx.msk [tilespmem:v21+s7+$0x0], $0xffff;
	v23 =	vnsel vm13, $0x3F, v45;
	vm14 =	vgt.s32 v2, $0x0  }
0x1ee: {  	vm15 =	vlt.f32 v20, v4;
	v56 =	vadd.s32 $0x1, v38;
	v54 =	vld.idx.msk [tilespmem:v21+s18+$0x0], $0xffff;
	[tilespmem:s2+$0xFFFFFFF0] =	vst v21;
	v47 =	vnsel vm14, $0x0, v2  }
0x1ef: {  	v46 =	vld.idx.msk [tilespmem:v10+s7+$0x0], $0xffff;
	[tilespmem:s4+$0xFFFFFFF0] =	vst v56;
	v49 =	vsub.f32 v17, v42;
	v50 =	vnsel vm15, $0x3F, v47  }
0x1f0: {  	v48 =	vld.idx.msk [tilespmem:v15+s7+$0x0], $0xffff;
	[tilespmem:s2+$0xFFFFFFE0] =	vst v63  }
0x1f1: {  	v51 =	vadd.s32 $0x1, v28;
	v40 =	vsub.f32 v19, v59;
	v53 =	vld.idx.msk [tilespmem:v15+s18+$0x0], $0xffff;
	[tilespmem:s2+$0x10] =	vst v15;
	v17 =	vmul.f32 v44, v49  }
0x1f2: {  	v0 =	vadd.s32 $0x1, v0;
	[tilespmem:s4+$0xFFFFFFE0] =	vst v51;
	v55 =	vld.idx.msk [tilespmem:v23+s7+$0x0], $0xffff  }
0x1f3: {  	[tilespmem:s4+$0x10] =	vst v0;
	v19 =	vmul.f32 v62, v40;
	v58 =	vld.idx.msk [tilespmem:v23+s18+$0x0], $0xffff;
	v0 =	vmax.f32 v17, $0.0e+00  }
0x1f4: {  	v57 =	vsub.f32 v13, v52;
	[tilespmem:s10+$0xFFFFFFE0] =	vst v0;
	v0 =	vld.idx.msk [tilespmem:v50+s7+$0x0], $0xffff  }
0x1f5: {  	v60 =	vld.idx.msk [tilespmem:v10+s18+$0x0], $0xffff;
	[tilespmem:s2+$0xFFFFFFC0] =	vst v10;
	v43 =	vmax.f32 v19, $0.0e+00  }
0x1f6: {  	[tilespmem:s10+$0xFFFFFFD0] =	vst v43;
	v13 =	vmul.f32 v54, v57;
	v59 =	vld.idx.msk [tilespmem:v50+s18+$0x0], $0xffff  }
0x1f7: {  	v2 =	vadd.s32 $0x1, v2;
	v61 =	vsub.f32 v16, v55;
	[tilespmem:s2+$0x20] =	vst v50  }
0x1f8: {  	[tilespmem:s4+$0x20] =	vst v2;
	v2 =	vmax.f32 v13, $0.0e+00  }
0x1f9: {  	[tilespmem:s10+$0xFFFFFFF0] =	vst v2;
	v2 =	vmul.f32 v58, v61;
	v0 =	vsub.f32 v20, v0  }
0x1fa: {  	v62 =	vadd.s32 $0x1, v26;
	v11 =	vsub.f32 v11, v46;
	[tilespmem:s2+$0x30] =	vst v23  }
0x1fb: {  	v63 =	vsub.f32 v12, v48;
	[tilespmem:s4+$0x30] =	vst v62;
	v2 =	vmax.f32 v2, $0.0e+00;
	v0 =	vmul.f32 v59, v0  }
.Ltmp6:
0x1fc: {  	v10 =	vmul.f32 v60, v11;
	[tilespmem:s10+$0x30] =	vst v2;
	v2 =	vadd.s32 $0x1, v29;
	(pc) =	sbr.rel .LBB2_13-.Ltmp6, $4  }
0x1fd: {  	v11 =	vmul.f32 v53, v63;
	[tilespmem:s4+$0xFFFFFFC0] =	vst v2;
	v0 =	vmax.f32 v0, $0.0e+00  }
0x1fe: {  	[tilespmem:s10+$0x20] =	vst v0;
	v0 =	vmax.f32 v10, $0.0e+00  }
0x1ff: {  	[tilespmem:s10+$0xFFFFFFC0] =	vst v0;
	v0 =	vmax.f32 v11, $0.0e+00  }
0x200: {  	[tilespmem:s10+$0x10] =	vst v0  }
.LBB2_7:
0x201: {  	v20 =	vld [tilespmem:s9+$0x30]  }
0x202: {  	v21 =	vld [tilespmem:s9+$0xFFFFFFD0]  }
0x203: {  	v15 =	vld [tilespmem:s9+$0xFFFFFFE0];
	_ =	sdelay $0x3  }
0x204: {  	v10 =	vsub.f32 v20, v5;
	v11 =	vsub.f32 v21, v5  }
0x205: {  	v12 =	vsub.f32 v15, v5  }
0x206: {  	v22 =	vld [tilespmem:s9+$0x10];
	v10 =	vmul.f32 v10, v9;
	v11 =	vmul.f32 v11, v9  }
0x207: {  	v12 =	vmul.f32 v12, v9  }
0x208: {  	v29 =	vld [tilespmem:s9+$0xFFFFFFF0];
	v10 =	vclamp.gez.f32 v10, $1.023000000e+03;
	v11 =	vclamp.gez.f32 v11, $1.023000000e+03  }
0x209: {  	v12 =	vclamp.gez.f32 v12, $1.023000000e+03;
	v10 =	vtrunc.f32 v10  }
0x20a: {  	v11 =	vtrunc.f32 v11;
	v10 =	vcvt.f32.s32 v10  }
0x20b: {  	v13 =	vsub.f32 v22, v5;
	v12 =	vtrunc.f32 v12;
	v11 =	vcvt.f32.s32 v11  }
0x20c: {  	v17 =	vld [tilespmem:s9+$0x0];
	v12 =	vcvt.f32.s32 v12  }
0x20d: {  	v14 =	vsub.f32 v29, v5;
	v13 =	vmul.f32 v13, v9  }
0x20e: {  	v19 =	vld [tilespmem:s9+$0x20]  }
0x20f: {  	v18 =	vmul.f32 v14, v9;
	v14 =	vld [tilespmem:s9+$0xFFFFFFC0];
	v13 =	vclamp.gez.f32 v13, $1.023000000e+03  }
0x210: {  	v16 =	vld.idx.msk [tilespmem:v10+s29+$0x0], $0xffff;
	v10 =	vtrunc.f32 v13  }
0x211: {  	v13 =	vsub.f32 v17, v5;
	v23 =	vld.idx.msk [tilespmem:v11+s29+$0x0], $0xffff;
	v10 =	vcvt.f32.s32 v10  }
0x212: {  	v24 =	vld.idx.msk [tilespmem:v12+s29+$0x0], $0xffff  }
0x213: {  	v11 =	vmul.f32 v13, v9;
	v13 =	vclamp.gez.f32 v18, $1.023000000e+03  }
0x214: {  	v13 =	vtrunc.f32 v13  }
0x215: {  	v18 =	vsub.f32 v19, v5;
	v13 =	vcvt.f32.s32 v13  }
0x216: {  	v11 =	vclamp.gez.f32 v11, $1.023000000e+03  }
0x217: {  	v12 =	vmul.f32 v18, v9;
	v11 =	vtrunc.f32 v11;
	v25 =	vld.idx.msk [tilespmem:v10+s29+$0x0], $0xffff;
	v10 =	vsub.f32 v14, v5  }
0x218: {  	v11 =	vcvt.f32.s32 v11;
	v18 =	vld.idx.msk [tilespmem:v16+s7+$0x0], $0xffff  }
0x219: {  	v12 =	vclamp.gez.f32 v12, $1.023000000e+03;
	v26 =	vld.idx.msk [tilespmem:v23+s7+$0x0], $0xffff;
	v10 =	vmul.f32 v10, v9  }
0x21a: {  	v12 =	vtrunc.f32 v12;
	v32 =	vld.idx.msk [tilespmem:v24+s7+$0x0], $0xffff  }
0x21b: {  	s30 =	simm.s32 $0xAC0;
	v12 =	vcvt.f32.s32 v12;
	v27 =	vld.idx.msk [tilespmem:v13+s29+$0x0], $0xffff;
	v10 =	vclamp.gez.f32 v10, $1.023000000e+03  }
0x21c: {  	vm5 =	vlt.f32 v29, v4;
	vm6 =	vlt.f32 v21, v4;
	v13 =	vtrunc.f32 v10;
	v10 =	vld [tilespmem:s30+$0xFFFFFFD0]  }
0x21d: {  	vm3 =	vlt.f32 v19, v4;
	vm1 =	vlt.f32 v18, v20;
	v35 =	vcvt.f32.s32 v13;
	v13 =	vld [tilespmem:s30+$0x0]  }
0x21e: {  	vm2 =	vlt.f32 v20, v4;
	vm8 =	vlt.f32 v22, v4;
	v28 =	vld.idx.msk [tilespmem:v11+s29+$0x0], $0xffff;
	v18 =	vsel vm1, $0x1, v3  }
0x21f: {  	vm0 =	vlt.f32 v14, v4;
	vm7 =	vlt.f32 v26, v21;
	v31 =	vld.idx.msk [tilespmem:v25+s7+$0x0], $0xffff;
	v11 =	vadd.s32 v18, v16  }
0x220: {  	vm1 =	vlt.f32 v17, v4;
	v18 =	vld [tilespmem:s30+$0x30];
	vm4 =	vlt.s32 v11, $0x3F;
	v16 =	vadd.s32 $0xFFFFFFFF, v11  }
0x221: {  	v33 =	vld.idx.msk [tilespmem:v12+s29+$0x0], $0xffff;
	v34 =	vnsel vm4, $0x3F, v11;
	vm4 =	vgt.s32 v16, $0x0;
	v26 =	vsub.f32 v10, v5  }
0x222: {  	v12 =	vld [tilespmem:s30+$0x20];
	v11 =	vnsel vm4, $0x0, v16;
	v16 =	vsel vm7, $0x1, v3;
	v42 =	vsub.f32 v13, v5  }
0x223: {  	v36 =	vnsel vm2, $0x3F, v11;
	v30 =	vadd.s32 v16, v23;
	vm2 =	vlt.f32 v15, v4  }
0x224: {  	v26 =	vmul.f32 v26, v9;
	vm4 =	vlt.f32 v31, v22;
	v23 =	vadd.s32 $0xFFFFFFFF, v30  }
0x225: {  	v56 =	vsub.f32 v18, v5;
	v42 =	vmul.f32 v42, v9;
	v16 =	vsel vm4, $0x1, v3  }
0x226: {  	v55 =	vld.idx.msk [tilespmem:v27+s7+$0x0], $0xffff;
	vm7 =	vgt.s32 v23, $0x0;
	vm4 =	vlt.f32 v32, v15;
	v26 =	vclamp.gez.f32 v26, $1.023000000e+03  }
0x227: {  	v11 =	vld [tilespmem:s30+$0xFFFFFFF0];
	v31 =	vsel vm4, $0x1, v3;
	v37 =	vadd.s32 v16, v25;
	v16 =	vsub.f32 v12, v5  }
0x228: {  	v25 =	vld.idx.msk [tilespmem:v28+s7+$0x0], $0xffff;
	v26 =	vtrunc.f32 v26;
	v23 =	vnsel vm7, $0x0, v23;
	v38 =	vadd.s32 $0xFFFFFFFF, v37  }
0x229: {  	v32 =	vmul.f32 v56, v9;
	v56 =	vclamp.gez.f32 v42, $1.023000000e+03;
	vm9 =	vgt.s32 v38, $0x0;
	v39 =	vld.idx.msk [tilespmem:v36+s7+$0x0], $0xffff  }
0x22a: {  	vm4 =	vlt.s32 v37, $0x3F;
	v41 =	vmul.f32 v16, v9;
	v16 =	vnsel vm9, $0x0, v38  }
0x22b: {  	v23 =	vnsel vm6, $0x3F, v23;
	vm7 =	vlt.f32 v55, v29;
	v38 =	vnsel vm8, $0x3F, v16;
	v16 =	vld [tilespmem:s30+$0xFFFFFFE0]  }
0x22c: {  	v59 =	vcvt.f32.s32 v26;
	v40 =	vsub.f32 v11, v5;
	v32 =	vclamp.gez.f32 v32, $1.023000000e+03  }
0x22d: {  	v35 =	vld.idx.msk [tilespmem:v35+s29+$0x0], $0xffff;
	v32 =	vtrunc.f32 v32;
	v41 =	vclamp.gez.f32 v41, $1.023000000e+03;
	vm6 =	vlt.f32 v25, v17  }
0x22e: {  	v43 =	vld.idx.msk [tilespmem:v33+s7+$0x0], $0xffff;
	v25 =	vsel vm7, $0x1, v3;
	v39 =	vsub.f32 v20, v39;
	v20 =	vtrunc.f32 v41  }
0x22f: {  	v40 =	vmul.f32 v40, v9;
	v25 =	vadd.s32 v25, v27;
	v44 =	vcvt.f32.s32 v20;
	v20 =	vld [tilespmem:s30+$0x10]  }
0x230: {  	v32 =	vcvt.f32.s32 v32;
	v45 =	vadd.s32 $0xFFFFFFFF, v25;
	v27 =	vld.idx.msk [tilespmem:v38+s7+$0x0], $0xffff;
	v57 =	vsub.f32 v16, v5  }
0x231: {  	v61 =	vld.idx.msk [tilespmem:v36+s18+$0x0], $0xffff;
	v40 =	vclamp.gez.f32 v40, $1.023000000e+03;
	vm15 =	vlt.s32 v25, $0x3F;
	vm7 =	vgt.s32 v45, $0x0  }
0x232: {  	v58 =	vld.idx.msk [tilespmem:v23+s7+$0x0], $0xffff;
	v40 =	vtrunc.f32 v40;
	v45 =	vnsel vm7, $0x0, v45;
	v41 =	vmul.f32 v57, v9  }
0x233: {  	v47 =	vnsel vm15, $0x3F, v25;
	v25 =	vcvt.f32.s32 v40;
	v46 =	vld.idx.msk [tilespmem:v38+s18+$0x0], $0xffff;
	v45 =	vnsel vm5, $0x3F, v45  }
0x234: {  	vm5 =	vlt.f32 v43, v19;
	v26 =	vclamp.gez.f32 v41, $1.023000000e+03;
	v60 =	vsub.f32 v20, v5  }
0x235: {  	v22 =	vsub.f32 v22, v27;
	v27 =	vsel vm5, $0x1, v3;
	v26 =	vtrunc.f32 v26  }
0x236: {  	v52 =	vmul.f32 v61, v39;
	v27 =	vadd.s32 v27, v33;
	v62 =	vcvt.f32.s32 v26  }
0x237: {  	v55 =	vld.idx.msk [tilespmem:v35+s7+$0x0], $0xffff;
	v33 =	vmul.f32 v60, v9;
	v26 =	vadd.s32 v31, v24;
	v31 =	vsub.f32 v21, v58  }
0x238: {  	v48 =	vld.idx.msk [tilespmem:v23+s18+$0x0], $0xffff;
	v21 =	vsel vm6, $0x1, v3;
	v22 =	vmul.f32 v46, v22;
	v49 =	vadd.s32 $0xFFFFFFFF, v27  }
0x239: {  	v50 =	vld.idx.msk [tilespmem:v45+s18+$0x0], $0xffff;
	vm5 =	vlt.s32 v27, $0x3F;
	v28 =	vadd.s32 v21, v28;
	vm7 =	vgt.s32 v49, $0x0  }
0x23a: {  	[tilespmem:s2+$0x30] =	vst v36;
	v53 =	vld.idx.msk [tilespmem:v45+s7+$0x0], $0xffff;
	v24 =	vclamp.gez.f32 v33, $1.023000000e+03;
	v40 =	vmax.f32 v22, $0.0e+00;
	v22 =	vnsel vm7, $0x0, v49  }
0x23b: {  	[tilespmem:s2+$0xFFFFFFD0] =	vst v23;
	v21 =	vld [tilespmem:s30+$0xFFFFFFC0];
	v23 =	vadd.s32 $0xFFFFFFFF, v28;
	v24 =	vtrunc.f32 v24;
	v51 =	vnsel vm3, $0x3F, v22  }
0x23c: {  	[tilespmem:s4+$0x30] =	vst v34;
	v49 =	vnsel vm5, $0x3F, v27;
	v27 =	vld.idx.msk [tilespmem:v32+s29+$0x0], $0xffff;
	vm5 =	vgt.s32 v23, $0x0;
	v54 =	vcvt.f32.s32 v24  }
0x23d: {  	[tilespmem:s2+$0x10] =	vst v38;
	v39 =	vmax.f32 v52, $0.0e+00;
	v57 =	vtrunc.f32 v56;
	v22 =	vld.idx.msk [tilespmem:v44+s29+$0x0], $0xffff;
	v23 =	vnsel vm5, $0x0, v23  }
0x23e: {  	[tilespmem:s1+$0x30] =	vst v39;
	v63 =	vadd.s32 $0xFFFFFFFF, v26;
	v31 =	vmul.f32 v48, v31;
	v24 =	vld.idx.msk [tilespmem:v59+s29+$0x0], $0xffff;
	v58 =	vnsel vm1, $0x3F, v23  }
0x23f: {  	v36 =	vcvt.f32.s32 v57;
	[tilespmem:s2+$0xFFFFFFF0] =	vst v45;
	v60 =	vnsel vm4, $0x3F, v37;
	vm3 =	vgt.s32 v63, $0x0;
	v23 =	vld.idx.msk [tilespmem:v62+s29+$0x0], $0xffff  }
0x240: {  	[tilespmem:s4+$0xFFFFFFF0] =	vst v47;
	vm5 =	vlt.s32 v28, $0x3F;
	v31 =	vmax.f32 v31, $0.0e+00;
	v33 =	vnsel vm3, $0x0, v63;
	v32 =	vld.idx.msk [tilespmem:v51+s7+$0x0], $0xffff  }
0x241: {  	[tilespmem:s4+$0x10] =	vst v60;
	vm3 =	vlt.s32 v30, $0x3F;
	v59 =	vsub.f32 v21, v5;
	v34 =	vnsel vm2, $0x3F, v33;
	v37 =	vld.idx.msk [tilespmem:v51+s18+$0x0], $0xffff  }
0x242: {  	v29 =	vsub.f32 v29, v53;
	vm1 =	vlt.f32 v11, v4;
	vm2 =	vlt.f32 v55, v14;
	v33 =	vld.idx.msk [tilespmem:v54+s29+$0x0], $0xffff  }
0x243: {  	[tilespmem:s1+$0x10] =	vst v40;
	v38 =	vnsel vm3, $0x3F, v30;
	v62 =	vsel vm2, $0x1, v3;
	v61 =	vmul.f32 v59, v9;
	v30 =	vld.idx.msk [tilespmem:v58+s18+$0x0], $0xffff  }
0x244: {  	v28 =	vnsel vm5, $0x3F, v28;
	v63 =	vmul.f32 v50, v29;
	v42 =	vadd.s32 v62, v35;
	[tilespmem:s2+$0x20] =	vst v51;
	v39 =	vld.idx.msk [tilespmem:v27+s7+$0x0], $0xffff  }
0x245: {  	s14 =	simm.s32 $0x8;
	s15 =	simm.s32 $0xB40;
	vm3 =	vlt.s32 v42, $0x3F;
	v43 =	vadd.s32 $0xFFFFFFFF, v42;
	v29 =	vclamp.gez.f32 v61, $1.023000000e+03;
	v41 =	vld.idx.msk [tilespmem:v58+s7+$0x0], $0xffff;
	[tilespmem:s4+$0x20] =	vst v49  }
0x246: {  	s10 =	simm.s32 $0x8A40;
	s13 =	simm.s32 $0x4A40;
	s9 =	simm.s32 $0xCAC0;
	v35 =	vmax.f32 v63, $0.0e+00;
	vm4 =	vgt.s32 v43, $0x0;
	[tilespmem:s2+$0x0] =	vst v58;
	v29 =	vtrunc.f32 v29;
	v40 =	vld.idx.msk [tilespmem:v34+s7+$0x0], $0xffff  }
.LBB2_8:
0x247: {  	v42 =	vnsel vm3, $0x3F, v42  }
0x248: {  	s14 =	sadd.s32 $0x8, s14;
	v44 =	vld.idx.msk [tilespmem:v24+s7+$0x0], $0xffff;
	v43 =	vnsel vm4, $0x0, v43;
	[tilespmem:s4+$0xFFFFFFD0] =	vst v38;
	s2 =	sadd.s32 $0x80, s2;
	s10 =	sadd.s32 $0x80, s10;
	vm2 =	vmmov vm0;
	vm0 =	vlt.f32 v21, v4  }
0x249: {  	vm3 =	vlt.f32 v39, v18;
	v39 =	vsub.f32 v19, v32;
	p2 =	slt.u32 s14, $0x1F8;
	v25 =	vld.idx.msk [tilespmem:v25+s29+$0x0], $0xffff;
	v38 =	vnsel vm2, $0x3F, v43;
	[tilespmem:s1+$0xFFFFFFD0] =	vst v31  }
0x24a: {  	vm6 =	vlt.f32 v10, v4;
	v19 =	vmovc v12;
	vm2 =	vlt.f32 v13, v4;
	v43 =	vsel vm3, $0x1, v3;
	v32 =	vld [tilespmem:s15+$0xFFFFFFD0]  }
0x24b: {  	vm4 =	vlt.s32 v26, $0x3F;
	vm3 =	vlt.f32 v19, v4;
	v31 =	vld.idx.msk [tilespmem:v36+s29+$0x0], $0xffff;
	v36 =	vmul.f32 v37, v39  }
0x24c: {  	vm5 =	vlt.f32 v18, v4;
	v12 =	vadd.s32 v43, v27;
	v27 =	vsub.f32 v17, v41;
	v37 =	vld.idx.msk [tilespmem:v33+s7+$0x0], $0xffff  }
0x24d: {  	vm7 =	vlt.s32 v12, $0x3F;
	v39 =	vadd.s32 $0xFFFFFFFF, v12;
	v41 =	vnsel vm4, $0x3F, v26;
	v17 =	vmovc v13;
	v43 =	vld.idx.msk [tilespmem:v34+s18+$0x0], $0xffff  }
0x24e: {  	v26 =	vnsel vm7, $0x3F, v12;
	vm4 =	vgt.s32 v39, $0x0;
	v13 =	vsub.f32 v15, v40;
	v15 =	vmovc v16;
	v45 =	vld.idx.msk [tilespmem:v23+s7+$0x0], $0xffff;
	[tilespmem:s13+$0xFFFFFFE0] =	vst v34  }
0x24f: {  	v12 =	vnsel vm4, $0x0, v39;
	v27 =	vmul.f32 v30, v27;
	v16 =	vsub.f32 v32, v5;
	v34 =	vld.idx.msk [tilespmem:v38+s18+$0x0], $0xffff;
	[tilespmem:s4+$0xFFFFFFE0] =	vst v41  }
0x250: {  	v39 =	vcvt.f32.s32 v29;
	vm4 =	vlt.f32 v44, v10;
	v40 =	vnsel vm5, $0x3F, v12;
	v41 =	vld.idx.msk [tilespmem:v38+s7+$0x0], $0xffff  }
0x251: {  	v30 =	vsel vm4, $0x1, v3;
	v27 =	vmax.f32 v27, $0.0e+00;
	v12 =	vld [tilespmem:s15+$0x20];
	[tilespmem:s4+$0x0] =	vst v28;
	v28 =	vmax.f32 v36, $0.0e+00  }
0x252: {  	vm4 =	vlt.f32 v15, v4;
	v30 =	vadd.s32 v30, v24;
	vm5 =	vlt.f32 v37, v20;
	v29 =	vld [tilespmem:s15+$0xFFFFFFF0];
	[tilespmem:s1+$0xFFFFFFF0] =	vst v35  }
0x253: {  	v35 =	vadd.s32 $0xFFFFFFFF, v30;
	v36 =	vsel vm5, $0x1, v3;
	v37 =	vmul.f32 v43, v13;
	v24 =	vld [tilespmem:s15+$0x30];
	[tilespmem:s1+$0x0] =	vst v27  }
0x254: {  	vm8 =	vlt.f32 v20, v4;
	vm7 =	vgt.s32 v35, $0x0;
	vm5 =	vlt.f32 v45, v15;
	v13 =	vld [tilespmem:s15+$0x0];
	[tilespmem:s1+$0x20] =	vst v28  }
0x255: {  	v33 =	vadd.s32 v36, v33;
	v28 =	vsel vm5, $0x1, v3;
	v36 =	vmax.f32 v37, $0.0e+00;
	v27 =	vld.idx.msk [tilespmem:v25+s7+$0x0], $0xffff;
	[tilespmem:s13+$0xFFFFFFC0] =	vst v38;
	s13 =	smov.u32 s2  }
0x256: {  	v43 =	vadd.s32 $0xFFFFFFFF, v33;
	v41 =	vsub.f32 v14, v41;
	v37 =	vsub.f32 v12, v5;
	v38 =	vld.idx.msk [tilespmem:v31+s7+$0x0], $0xffff;
	[tilespmem:s4+$0xFFFFFFC0] =	vst v42;
	s4 =	smov.u32 s10  }
0x257: {  	v16 =	vmul.f32 v16, v9;
	vm5 =	vlt.s32 v33, $0x3F;
	vm9 =	vgt.s32 v43, $0x0;
	v14 =	vmovc v21;
	v42 =	vld.idx.msk [tilespmem:v40+s7+$0x0], $0xffff;
	[tilespmem:s1+$0xFFFFFFE0] =	vst v36  }
0x258: {  	v21 =	vsub.f32 v29, v5;
	v36 =	vmul.f32 v37, v9;
	v37 =	vnsel vm9, $0x0, v43  }
0x259: {  	v16 =	vclamp.gez.f32 v16, $1.023000000e+03;
	v34 =	vmul.f32 v34, v41;
	v37 =	vnsel vm8, $0x3F, v37  }
0x25a: {  	v35 =	vnsel vm7, $0x0, v35;
	v41 =	vtrunc.f32 v16;
	v43 =	vsub.f32 v13, v5;
	v16 =	vld [tilespmem:s15+$0xFFFFFFE0]  }
0x25b: {  	v35 =	vnsel vm6, $0x3F, v35;
	v36 =	vclamp.gez.f32 v36, $1.023000000e+03;
	vm7 =	vlt.f32 v27, v11  }
0x25c: {  	v34 =	vmax.f32 v34, $0.0e+00;
	v27 =	vsub.f32 v24, v5;
	vm6 =	vlt.f32 v38, v17  }
0x25d: {  	v38 =	vmul.f32 v43, v9;
	v43 =	vsel vm7, $0x1, v3;
	v42 =	vsub.f32 v18, v42;
	v44 =	vld.idx.msk [tilespmem:v22+s7+$0x0], $0xffff;
	[tilespmem:s1+$0xFFFFFFC0] =	vst v34;
	s1 =	smov.u32 s9  }
0x25e: {  	v27 =	vmul.f32 v27, v9;
	v25 =	vadd.s32 v43, v25;
	v18 =	vmovc v24;
	v34 =	vtrunc.f32 v36;
	v36 =	vld.idx.msk [tilespmem:v37+s7+$0x0], $0xffff  }
0x25f: {  	v43 =	vadd.s32 $0xFFFFFFFF, v25;
	v34 =	vcvt.f32.s32 v34;
	v24 =	vsub.f32 v16, v5  }
0x260: {  	v21 =	vmul.f32 v21, v9;
	v27 =	vclamp.gez.f32 v27, $1.023000000e+03;
	vm7 =	vgt.s32 v43, $0x0;
	v45 =	vld.idx.msk [tilespmem:v37+s18+$0x0], $0xffff  }
0x261: {  	vm8 =	vlt.s32 v25, $0x3F;
	v27 =	vtrunc.f32 v27;
	v43 =	vnsel vm7, $0x0, v43;
	v46 =	vld [tilespmem:s15+$0x10];
	[tilespmem:s2+$0x10] =	vst v37  }
0x262: {  	v21 =	vclamp.gez.f32 v21, $1.023000000e+03;
	v27 =	vcvt.f32.s32 v27;
	v37 =	vnsel vm1, $0x3F, v43  }
0x263: {  	v21 =	vtrunc.f32 v21;
	v47 =	vnsel vm8, $0x3F, v25;
	v24 =	vmul.f32 v24, v9;
	v43 =	vld.idx.msk [tilespmem:v35+s18+$0x0], $0xffff  }
0x264: {  	v25 =	vcvt.f32.s32 v21;
	vm1 =	vlt.f32 v44, v19;
	v0 =	vsub.f32 v20, v36;
	v48 =	vld.idx.msk [tilespmem:v35+s7+$0x0], $0xffff  }
0x265: {  	v36 =	vcvt.f32.s32 v41;
	v21 =	vclamp.gez.f32 v24, $1.023000000e+03;
	v24 =	vsel vm1, $0x1, v3;
	v41 =	vld.idx.msk [tilespmem:v39+s29+$0x0], $0xffff;
	[tilespmem:s2+$0xFFFFFFD0] =	vst v35  }
0x266: {  	v21 =	vtrunc.f32 v21;
	v22 =	vadd.s32 v24, v22;
	v35 =	vmul.f32 v45, v0;
	v39 =	vld.idx.msk [tilespmem:v40+s18+$0x0], $0xffff;
	v20 =	vmovc v46  }
0x267: {  	v44 =	vcvt.f32.s32 v21;
	vm1 =	vlt.s32 v22, $0x3F;
	v24 =	vsub.f32 v20, v5;
	v45 =	vld.idx.msk [tilespmem:v37+s18+$0x0], $0xffff;
	[tilespmem:s2+$0x30] =	vst v40  }
0x268: {  	v46 =	vadd.s32 $0xFFFFFFFF, v22;
	v35 =	vmax.f32 v35, $0.0e+00;
	v40 =	vnsel vm1, $0x3F, v22;
	v21 =	vld [tilespmem:s15+$0xFFFFFFC0];
	[tilespmem:s10+$0x30] =	vst v26  }
0x269: {  	vm1 =	vgt.s32 v46, $0x0;
	v26 =	vadd.s32 v28, v23;
	v49 =	vmul.f32 v24, v9;
	v27 =	vld.idx.msk [tilespmem:v27+s29+$0x0], $0xffff  }
0x26a: {  	v28 =	vsel vm6, $0x1, v3;
	v23 =	vsub.f32 v10, v48;
	v10 =	vmovc v32;
	v22 =	vld.idx.msk [tilespmem:v34+s29+$0x0], $0xffff;
	v34 =	vnsel vm1, $0x0, v46  }
0x26b: {  	v46 =	vadd.s32 $0xFFFFFFFF, v26;
	v24 =	vld.idx.msk [tilespmem:v36+s29+$0x0], $0xffff;
	v32 =	vclamp.gez.f32 v49, $1.023000000e+03;
	v48 =	vnsel vm3, $0x3F, v34  }
0x26c: {  	v28 =	vadd.s32 v28, v31;
	v31 =	vmul.f32 v39, v42;
	v32 =	vtrunc.f32 v32;
	v49 =	vld.idx.msk [tilespmem:v37+s7+$0x0], $0xffff  }
0x26d: {  	vm1 =	vgt.s32 v46, $0x0;
	v42 =	vcvt.f32.s32 v32;
	v50 =	vld.idx.msk [tilespmem:v41+s7+$0x0], $0xffff;
	v32 =	vadd.s32 $0xFFFFFFFF, v28  }
0x26e: {  	v34 =	vclamp.gez.f32 v38, $1.023000000e+03;
	v31 =	vmax.f32 v31, $0.0e+00;
	[tilespmem:s2+$0xFFFFFFF0] =	vst v37;
	vm3 =	vgt.s32 v32, $0x0  }
0x26f: {  	v34 =	vtrunc.f32 v34;
	v37 =	vmul.f32 v43, v23;
	[tilespmem:s10+$0xFFFFFFF0] =	vst v47;
	v23 =	vnsel vm3, $0x0, v32  }
0x270: {  	v36 =	vcvt.f32.s32 v34;
	vm3 =	vlt.s32 v28, $0x3F;
	v47 =	vnsel vm2, $0x3F, v23;
	v32 =	vld.idx.msk [tilespmem:v48+s7+$0x0], $0xffff;
	[tilespmem:s9+$0x30] =	vst v31  }
0x271: {  	v34 =	vnsel vm1, $0x0, v46;
	v31 =	vmax.f32 v37, $0.0e+00;
	v28 =	vnsel vm3, $0x3F, v28;
	v23 =	vld.idx.msk [tilespmem:v44+s29+$0x0], $0xffff  }
0x272: {  	v33 =	vnsel vm5, $0x3F, v33;
	v38 =	vsub.f32 v21, v5;
	v34 =	vnsel vm4, $0x3F, v34;
	v37 =	vld.idx.msk [tilespmem:v48+s18+$0x0], $0xffff  }
.Ltmp7:
0x273: {  	vm3 =	vlt.s32 v30, $0x3F;
	v0 =	vsub.f32 v11, v49;
	vm2 =	vlt.f32 v50, v14;
	v39 =	vld.idx.msk [tilespmem:v27+s7+$0x0], $0xffff;
	[tilespmem:s10+$0x10] =	vst v33;
	(pc) =	sbr.rel @p2 .LBB2_8-.Ltmp7, $4  }
0x274: {  	vm1 =	vlt.f32 v29, v4;
	v43 =	vmul.f32 v38, v9;
	v38 =	vsel vm2, $0x1, v3;
	v33 =	vld.idx.msk [tilespmem:v42+s29+$0x0], $0xffff;
	[tilespmem:s9+$0x10] =	vst v35  }
0x275: {  	v42 =	vadd.s32 v38, v41;
	v38 =	vnsel vm3, $0x3F, v30;
	v35 =	vmul.f32 v45, v0;
	v30 =	vld.idx.msk [tilespmem:v47+s18+$0x0], $0xffff;
	[tilespmem:s2+$0x20] =	vst v48  }
0x276: {  	v44 =	vclamp.gez.f32 v43, $1.023000000e+03;
	v11 =	vmovc v29;
	vm3 =	vlt.s32 v42, $0x3F;
	v43 =	vadd.s32 $0xFFFFFFFF, v42;
	v41 =	vld.idx.msk [tilespmem:v47+s7+$0x0], $0xffff;
	[tilespmem:s10+$0x20] =	vst v40  }
0x277: {  	s15 =	sadd.s32 $0x80, s15;
	v29 =	vtrunc.f32 v44;
	s9 =	sadd.s32 $0x80, s9;
	vm4 =	vgt.s32 v43, $0x0;
	v35 =	vmax.f32 v35, $0.0e+00;
	v40 =	vld.idx.msk [tilespmem:v34+s7+$0x0], $0xffff;
	[tilespmem:s2+$0x0] =	vst v47  }
0x278: {  	_ =	sdelay $0x3  }
0x279: {  	v44 =	vld.idx.msk [tilespmem:v24+s7+$0x0], $0xffff;
	v42 =	vnsel vm3, $0x3F, v42;
	v43 =	vnsel vm4, $0x0, v43  }
0x27a: {  	vm0 =	vmmov vm0;
	v25 =	vld.idx.msk [tilespmem:v25+s29+$0x0], $0xffff;
	vm14 =	vlt.f32 v39, v18;
	v19 =	vsub.f32 v19, v32  }
0x27b: {  	vm5 =	vlt.f32 v10, v4;
	v36 =	vld.idx.msk [tilespmem:v36+s29+$0x0], $0xffff;
	vm3 =	vlt.f32 v12, v4;
	vm15 =	vlt.s32 v26, $0x3F  }
0x27c: {  	vm6 =	vlt.f32 v18, v4;
	v57 =	vld.idx.msk [tilespmem:v34+s18+$0x0], $0xffff;
	v29 =	vcvt.f32.s32 v29;
	vm4 =	vlt.f32 v16, v4  }
0x27d: {  	v58 =	vld.idx.msk [tilespmem:v23+s7+$0x0], $0xffff;
	vm12 =	vlt.f32 v20, v4;
	v39 =	vnsel vm0, $0x3F, v43;
	v55 =	vsel vm14, $0x1, v3  }
0x27e: {  	vm0 =	vlt.f32 v13, v4;
	v56 =	vld.idx.msk [tilespmem:v33+s7+$0x0], $0xffff;
	v26 =	vnsel vm15, $0x3F, v26;
	v27 =	vadd.s32 v55, v27  }
0x27f: {  	v49 =	vld.idx.msk [tilespmem:v22+s7+$0x0], $0xffff;
	v19 =	vmul.f32 v37, v19;
	vm7 =	vlt.s32 v27, $0x3F;
	v32 =	vadd.s32 $0xFFFFFFFF, v27  }
0x280: {  	v17 =	vsub.f32 v17, v41;
	v27 =	vnsel vm7, $0x3F, v27;
	vm8 =	vgt.s32 v32, $0x0  }
0x281: {  	v15 =	vsub.f32 v15, v40;
	v19 =	vmax.f32 v19, $0.0e+00;
	v32 =	vnsel vm8, $0x0, v32  }
0x282: {  	v17 =	vmul.f32 v30, v17;
	vm10 =	vlt.f32 v44, v10;
	vm13 =	vlt.f32 v58, v16  }
0x283: {  	vm9 =	vlt.f32 v56, v20;
	v59 =	vld.idx.msk [tilespmem:v39+s18+$0x0], $0xffff;
	v32 =	vnsel vm6, $0x3F, v32;
	v61 =	vsel vm10, $0x1, v3  }
0x284: {  	v63 =	vld.idx.msk [tilespmem:v39+s7+$0x0], $0xffff;
	v15 =	vmul.f32 v57, v15;
	v50 =	vsel vm13, $0x1, v3;
	vm13 =	vlt.f32 v49, v12  }
0x285: {  	[tilespmem:s13+$0xFFFFFFE0] =	vst v34;
	v29 =	vld.idx.msk [tilespmem:v29+s29+$0x0], $0xffff;
	v60 =	vsel vm9, $0x1, v3;
	v17 =	vmax.f32 v17, $0.0e+00;
	v24 =	vadd.s32 v61, v24  }
0x286: {  	[tilespmem:s13+$0xFFFFFFC0] =	vst v39;
	v56 =	vsel vm13, $0x1, v3;
	v39 =	vadd.s32 v50, v23;
	v62 =	vld.idx.msk [tilespmem:v25+s7+$0x0], $0xffff;
	v30 =	vadd.s32 v60, v33  }
0x287: {  	[tilespmem:s4+$0xFFFFFFE0] =	vst v26;
	v46 =	vld.idx.msk [tilespmem:v36+s7+$0x0], $0xffff;
	v48 =	vadd.s32 $0xFFFFFFFF, v24;
	v15 =	vmax.f32 v15, $0.0e+00;
	v26 =	vadd.s32 $0xFFFFFFFF, v39  }
0x288: {  	[tilespmem:s4+$0xFFFFFFD0] =	vst v38;
	v45 =	vadd.s32 $0xFFFFFFFF, v30;
	vm8 =	vgt.s32 v48, $0x0;
	vm6 =	vlt.s32 v30, $0x3F  }
0x289: {  	[tilespmem:s4+$0x0] =	vst v28;
	vm11 =	vgt.s32 v45, $0x0;
	v34 =	vnsel vm8, $0x0, v48;
	vm8 =	vgt.s32 v26, $0x0  }
0x28a: {  	[tilespmem:s1+$0xFFFFFFF0] =	vst v35;
	v50 =	vnsel vm6, $0x3F, v30;
	v47 =	vnsel vm11, $0x0, v45;
	v14 =	vsub.f32 v14, v63  }
0x28b: {  	[tilespmem:s1+$0xFFFFFFD0] =	vst v31;
	v51 =	vld.idx.msk [tilespmem:v32+s7+$0x0], $0xffff;
	v53 =	vnsel vm5, $0x3F, v34;
	v31 =	vnsel vm12, $0x3F, v47;
	vm14 =	vlt.f32 v62, v11  }
0x28c: {  	[tilespmem:s1+$0x20] =	vst v19;
	v14 =	vmul.f32 v59, v14;
	vm15 =	vlt.f32 v46, v13;
	v59 =	vadd.s32 v56, v22  }
0x28d: {  	[tilespmem:s4+$0xFFFFFFC0] =	vst v42;
	v46 =	vnsel vm8, $0x0, v26;
	v52 =	vsel vm14, $0x1, v3;
	v35 =	vadd.s32 $0xFFFFFFFF, v59  }
0x28e: {  	[tilespmem:s1+$0x0] =	vst v17;
	v60 =	vld.idx.msk [tilespmem:v29+s7+$0x0], $0xffff;
	v37 =	vsel vm15, $0x1, v3;
	v49 =	vnsel vm4, $0x3F, v46;
	v25 =	vadd.s32 v52, v25  }
0x28f: {  	s2 =	sadd.s32 $0x80, s2;
	[tilespmem:s1+$0xFFFFFFE0] =	vst v15;
	v14 =	vmax.f32 v14, $0.0e+00;
	vm15 =	vgt.s32 v35, $0x0;
	v33 =	vadd.s32 $0xFFFFFFFF, v25  }
0x290: {  	s30 =	sadd.s32 $0x80, s10;
	v61 =	vld.idx.msk [tilespmem:v32+s18+$0x0], $0xffff;
	[tilespmem:s2+$0x30] =	vst v32;
	v36 =	vadd.s32 v37, v36;
	v57 =	vsub.f32 v18, v51;
	vm12 =	vgt.s32 v33, $0x0  }
0x291: {  	[tilespmem:s30+$0x30] =	vst v27;
	vm14 =	vlt.s32 v25, $0x3F;
	v38 =	vadd.s32 $0xFFFFFFFF, v36;
	v54 =	vld.idx.msk [tilespmem:v31+s7+$0x0], $0xffff;
	v33 =	vnsel vm12, $0x0, v33  }
0x292: {  	[tilespmem:s1+$0xFFFFFFC0] =	vst v14;
	v62 =	vld.idx.msk [tilespmem:v53+s18+$0x0], $0xffff;
	v37 =	vnsel vm15, $0x0, v35;
	vm5 =	vgt.s32 v38, $0x0;
	v58 =	vnsel vm1, $0x3F, v33  }
0x293: {  	v63 =	vld.idx.msk [tilespmem:v53+s7+$0x0], $0xffff;
	[tilespmem:s2+$0xFFFFFFD0] =	vst v53;
	v25 =	vnsel vm14, $0x3F, v25;
	v41 =	vnsel vm5, $0x0, v38;
	vm7 =	vlt.f32 v60, v21  }
0x294: {  	v55 =	vld.idx.msk [tilespmem:v31+s18+$0x0], $0xffff;
	[tilespmem:s2+$0x10] =	vst v31;
	vm14 =	vlt.s32 v39, $0x3F;
	v43 =	vnsel vm0, $0x3F, v41;
	v44 =	vsel vm7, $0x1, v3  }
0x295: {  	v15 =	vmul.f32 v61, v57;
	[tilespmem:s30+$0x10] =	vst v50;
	v17 =	vnsel vm14, $0x3F, v39;
	v56 =	vld.idx.msk [tilespmem:v49+s7+$0x0], $0xffff;
	v45 =	vadd.s32 v44, v29  }
0x296: {  	v57 =	vld.idx.msk [tilespmem:v49+s18+$0x0], $0xffff;
	[tilespmem:s2+$0xFFFFFFE0] =	vst v49;
	v19 =	vsub.f32 v20, v54;
	v20 =	vnsel vm3, $0x3F, v37;
	v47 =	vadd.s32 $0xFFFFFFFF, v45  }
0x297: {  	vm2 =	vlt.f32 v21, v4;
	[tilespmem:s30+$0xFFFFFFE0] =	vst v17;
	vm9 =	vgt.s32 v47, $0x0;
	v40 =	vld.idx.msk [tilespmem:v58+s18+$0x0], $0xffff  }
0x298: {  	vm10 =	vmmov vm2;
	v42 =	vld.idx.msk [tilespmem:v58+s7+$0x0], $0xffff;
	[tilespmem:s2+$0xFFFFFFF0] =	vst v58;
	v52 =	vnsel vm9, $0x0, v47  }
0x299: {  	v15 =	vmax.f32 v15, $0.0e+00;
	v10 =	vsub.f32 v10, v63;
	v53 =	vld.idx.msk [tilespmem:v43+s7+$0x0], $0xffff;
	[tilespmem:s30+$0xFFFFFFF0] =	vst v25;
	v25 =	vnsel vm10, $0x3F, v52  }
0x29a: {  	vm13 =	vlt.s32 v36, $0x3F;
	vm12 =	vlt.s32 v24, $0x3F;
	[tilespmem:s9+$0x30] =	vst v15;
	v54 =	vld.idx.msk [tilespmem:v43+s18+$0x0], $0xffff  }
0x29b: {  	v10 =	vmul.f32 v62, v10;
	v19 =	vmul.f32 v55, v19;
	v55 =	vnsel vm12, $0x3F, v24;
	[tilespmem:s2+$0x0] =	vst v43;
	v48 =	vld.idx.msk [tilespmem:v20+s7+$0x0], $0xffff  }
0x29c: {  	v60 =	vnsel vm13, $0x3F, v36;
	[tilespmem:s30+$0xFFFFFFD0] =	vst v55  }
0x29d: {  	v10 =	vmax.f32 v10, $0.0e+00;
	[tilespmem:s30+$0x0] =	vst v60;
	v51 =	vld.idx.msk [tilespmem:v20+s18+$0x0], $0xffff  }
0x29e: {  	v19 =	vmax.f32 v19, $0.0e+00;
	[tilespmem:s9+$0xFFFFFFD0] =	vst v10;
	v10 =	vsub.f32 v13, v53;
	v58 =	vld.idx.msk [tilespmem:v25+s7+$0x0], $0xffff  }
0x29f: {  	vm11 =	vlt.s32 v59, $0x3F;
	[tilespmem:s9+$0x10] =	vst v19;
	v11 =	vsub.f32 v11, v42  }
0x2a0: {  	v22 =	vnsel vm11, $0x3F, v59;
	[tilespmem:s2+$0x20] =	vst v20;
	v61 =	vld.idx.msk [tilespmem:v25+s18+$0x0], $0xffff;
	v10 =	vmul.f32 v54, v10;
	v59 =	vsub.f32 v12, v48  }
0x2a1: {  	v62 =	vsub.f32 v16, v56;
	[tilespmem:s30+$0x20] =	vst v22;
	v11 =	vmul.f32 v40, v11  }
0x2a2: {  	[tilespmem:s2+$0xFFFFFFC0] =	vst v25;
	v10 =	vmax.f32 v10, $0.0e+00;
	v12 =	vmul.f32 v51, v59  }
0x2a3: {  	v63 =	vmul.f32 v57, v62;
	v11 =	vmax.f32 v11, $0.0e+00;
	[tilespmem:s9+$0x0] =	vst v10;
	v10 =	vsub.f32 v21, v58  }
0x2a4: {  	[tilespmem:s9+$0xFFFFFFF0] =	vst v11;
	v11 =	vmax.f32 v12, $0.0e+00  }
0x2a5: {  	vm15 =	vlt.s32 v45, $0x3F;
	v12 =	vmax.f32 v63, $0.0e+00;
	[tilespmem:s9+$0x20] =	vst v11;
	v10 =	vmul.f32 v61, v10  }
0x2a6: {  	v11 =	vnsel vm15, $0x3F, v45;
	[tilespmem:s9+$0xFFFFFFE0] =	vst v12  }
0x2a7: {  	[tilespmem:s30+$0xFFFFFFC0] =	vst v11;
	v10 =	vmax.f32 v10, $0.0e+00  }
0x2a8: {  	[tilespmem:s9+$0xFFFFFFC0] =	vst v10  }
.LBB2_13:
0x2a9: {  	s4 =	sshll.u32 s31, $0xE  }
0x2aa: {  	s1 =	sor.u32 s8, s4  }
0x2ab: {  	s1 =	sshrl.u32 s1, $0x3  }
0x2ac: {  	p2 =	sne.s32 s31, $0x1F;
	s2 =	sadd.s32 s3, s1  }
0x2ad: {  	[hbm4b:s2+s7] =	stream.linear.scatter [tilespmem:s19], [sflag:$0x3], $0x2000, $0x38;
	[tilespmem:$0x10A00] =	vst v63  }
.Ltmp8:
0x2ae: {  	_ = 	snop;
	(pc) =	sbr.rel @p2 .LBB2_15-.Ltmp8, $4  }
0x2af: {  	s28 =	sadd.s32 s5, s1  }
0x2b0: {  	[hbm4b:s28+s7] =	stream.linear.scatter [tilespmem:s20], [sflag:$0x3], $0x2000, $0x38;
	[tilespmem:$0x10A00] =	vst v63  }
0x2b1: {  	s30 =	sadd.s32 s6, s1  }
0x2b2: {  	[hbm4b:s30+s7] =	stream.linear.scatter [tilespmem:s21], [sflag:$0x3], $0x2000, $0x38;
	[tilespmem:$0x10A00] =	vst v63  }
.Ltmp9:
0x2b3: {  	(pc) =	sbr.rel .LBB2_16-.Ltmp9, $4  }
0x2b4: {  	_ = 	snop  }
0x2b5: {  	_ =	swait.ge [sflag:s22], $0x2000  }
0x2b6: {  	[sflag:s22] =	ssyncset.done $0x0  }
0x2b7: {  	[sflag:s22] =	ssyncadd.s32 $0xFFFFE000  }
.LBB2_15:
0x2b8: {  	s2 =	sadd.s32 s4, s11  }
0x2b9: {  	s2 =	sshrl.u32 s2, $0x3  }
.Ltmp10:
0x2ba: {  	s9 =	simm.s32 $0xA00;
	s2 =	sadd.s32 s0, s2;
	(pc) =	sbr.rel @p1 .LBB2_17-.Ltmp10, $4  }
0x2bb: {  	[tilespmem:s9], [sflag:$0x1] =	stream.linear.gather [hbm4b:s2+s7], $0x2000, $0x38;
	[tilespmem:$0x10A00] =	vst v63  }
0x2bc: {  	_ =	swait.ge [sflag:s22], $0x2000  }
0x2bd: {  	[sflag:s22] =	ssyncset.done $0x0  }
0x2be: {  	[sflag:s22] =	ssyncadd.s32 $0xFFFFE000  }
.LBB2_16:
0x2bf: {  	_ =	swait.ge [sflag:s23], $0x2000  }
0x2c0: {  	[sflag:s23] =	ssyncset.done $0x0  }
0x2c1: {  	[sflag:s23] =	ssyncadd.s32 $0xFFFFE000  }
0x2c2: {  	_ =	swait.ge [sflag:s23], $0x2000  }
0x2c3: {  	[sflag:s23] =	ssyncset.done $0x0  }
0x2c4: {  	[sflag:s23] =	ssyncadd.s32 $0xFFFFE000  }
0x2c5: {  	_ =	swait.ge [sflag:s23], $0x2000  }
0x2c6: {  	[sflag:s23] =	ssyncset.done $0x0  }
0x2c7: {  	[sflag:s23] =	ssyncadd.s32 $0xFFFFE000  }
.LBB2_17:
.Ltmp11:
0x2c8: {  	(pc) =	sbr.rel @!p0 .LBB2_18-.Ltmp11, $3  }
0x2c9: {  	_ =	sdelay $0x1  }
0x2ca: {  	s9 =	simm.s32 $0x2A40  }
0x2cb: {  	s10 =	simm.s32 $0x6A40;
	s13 =	simm.s32 $0xAA40;
	s2 =	simm.s32 $0xEA40  }
0x2cc: {  	v20 =	vld [tilespmem:s9+$0x0];
	_ =	sdelay $0x4  }
0x2cd: {  	vm0 =	vlt.f32 v6, v20  }
0x2ce: {  	v25 =	vld [tilespmem:s9+$0xFFFFFFC0];
	v0 =	vsel vm0, $0x1F, v1;
	v2 =	vsel vm0, v8, v7  }
0x2cf: {  	v54 =	vld [tilespmem:s9+$0xFFFFFFE0];
	vm0 =	vlt.f32 v2, v20;
	v2 =	vadd.s32 $0x10, v0  }
0x2d0: {  	v24 =	vld [tilespmem:s9+$0x10];
	v0 =	vsel vm0, v2, v0  }
0x2d1: {  	v2 =	vadd.s32 $0x8, v0;
	_ =	sdelay $0x1  }
0x2d2: {  	v10 =	vld [tilespmem:s9+$0xFFFFFFF0]  }
0x2d3: {  	vm1 =	vlt.f32 v6, v25;
	vm2 =	vlt.f32 v6, v54  }
0x2d4: {  	vm3 =	vlt.f32 v6, v24;
	v11 =	vsel vm1, $0x1F, v1;
	v13 =	vsel vm2, $0x1F, v1  }
0x2d5: {  	v14 =	vsel vm3, $0x1F, v1;
	v15 =	vsel vm3, v8, v7;
	v16 =	vsel vm1, v8, v7;
	v12 =	vld.idx.msk [tilespmem:v2+s7+$0x0], $0xffff  }
0x2d6: {  	vm1 =	vlt.f32 v15, v24;
	v15 =	vadd.s32 $0x10, v14;
	v17 =	vadd.s32 $0x10, v11  }
0x2d7: {  	v22 =	vld [tilespmem:s9+$0xFFFFFFD0];
	vm0 =	vlt.f32 v6, v10;
	v15 =	vsel vm1, v15, v14;
	vm1 =	vlt.f32 v16, v25  }
0x2d8: {  	v14 =	vsel vm2, v8, v7;
	v16 =	vadd.s32 $0x8, v15;
	v11 =	vsel vm1, v17, v11  }
0x2d9: {  	v17 =	vsel vm0, $0x1F, v1;
	vm2 =	vlt.f32 v14, v54;
	v18 =	vadd.s32 $0x8, v11  }
0x2da: {  	v19 =	vadd.s32 $0x10, v17;
	vm1 =	vlt.f32 v12, v20;
	v12 =	vadd.s32 $0x10, v13  }
0x2db: {  	v0 =	vsel vm1, v2, v0;
	v2 =	vsel vm0, v8, v7;
	v12 =	vsel vm2, v12, v13  }
0x2dc: {  	vm0 =	vlt.f32 v6, v22;
	v13 =	vadd.s32 $0x4, v0;
	v21 =	vadd.s32 $0x8, v12  }
0x2dd: {  	v14 =	vld [tilespmem:s9+$0x30];
	vm1 =	vlt.f32 v2, v10;
	v2 =	vsel vm0, $0x1F, v1;
	v26 =	vsel vm0, v8, v7  }
0x2de: {  	v27 =	vld.idx.msk [tilespmem:v16+s7+$0x0], $0xffff;
	v17 =	vsel vm1, v19, v17;
	vm0 =	vlt.f32 v26, v22;
	v19 =	vadd.s32 $0x10, v2  }
0x2df: {  	v26 =	vld.idx.msk [tilespmem:v18+s7+$0x0], $0xffff;
	v2 =	vsel vm0, v19, v2;
	v19 =	vadd.s32 $0x8, v17;
	_ =	sdelay $0x1  }
0x2e0: {  	v28 =	vadd.s32 $0x8, v2  }
0x2e1: {  	vm0 =	vlt.f32 v6, v14;
	v29 =	vld.idx.msk [tilespmem:v13+s7+$0x0], $0xffff  }
0x2e2: {  	v31 =	vsel vm0, $0x1F, v1;
	v32 =	vsel vm0, v8, v7;
	vm0 =	vlt.f32 v27, v24;
	v30 =	vld.idx.msk [tilespmem:v21+s7+$0x0], $0xffff  }
0x2e3: {  	v16 =	vsel vm0, v16, v15;
	vm0 =	vlt.f32 v32, v14;
	vm1 =	vlt.f32 v26, v25;
	v26 =	vld.idx.msk [tilespmem:v19+s7+$0x0], $0xffff  }
0x2e4: {  	v15 =	vadd.s32 $0x10, v31;
	v27 =	vadd.s32 $0x4, v16;
	v11 =	vsel vm1, v18, v11  }
0x2e5: {  	v31 =	vsel vm0, v15, v31;
	v18 =	vld.idx.msk [tilespmem:v28+s7+$0x0], $0xffff;
	v49 =	vadd.s32 $0x4, v11  }
0x2e6: {  	v15 =	vld [tilespmem:s9+$0x20];
	vm0 =	vlt.f32 v29, v20;
	v29 =	vadd.s32 $0x8, v31  }
0x2e7: {  	vm1 =	vlt.f32 v30, v54;
	v0 =	vsel vm0, v13, v0  }
0x2e8: {  	v12 =	vsel vm1, v21, v12;
	v13 =	vadd.s32 $0x2, v0;
	vm0 =	vlt.f32 v26, v10  }
0x2e9: {  	v30 =	vld.idx.msk [tilespmem:v27+s7+$0x0], $0xffff;
	v21 =	vadd.s32 $0x4, v12;
	v17 =	vsel vm0, v19, v17  }
0x2ea: {  	vm1 =	vlt.f32 v18, v22;
	v19 =	vld.idx.msk [tilespmem:v49+s7+$0x0], $0xffff;
	v26 =	vadd.s32 $0x4, v17  }
0x2eb: {  	vm0 =	vlt.f32 v6, v15;
	v2 =	vsel vm1, v28, v2;
	v18 =	vld.idx.msk [tilespmem:v29+s7+$0x0], $0xffff  }
0x2ec: {  	v28 =	vsel vm0, v8, v7;
	v33 =	vsel vm0, $0x1F, v1;
	v35 =	vadd.s32 $0x4, v2  }
0x2ed: {  	vm0 =	vlt.f32 v28, v15;
	v28 =	vadd.s32 $0x10, v33;
	v34 =	vld.idx.msk [tilespmem:v13+s7+$0x0], $0xffff  }
0x2ee: {  	v28 =	vsel vm0, v28, v33;
	vm0 =	vlt.f32 v30, v24;
	v36 =	vld.idx.msk [tilespmem:v21+s7+$0x0], $0xffff  }
0x2ef: {  	v30 =	vadd.s32 $0x8, v28;
	v16 =	vsel vm0, v27, v16;
	vm1 =	vlt.f32 v19, v25;
	v19 =	vld.idx.msk [tilespmem:v26+s7+$0x0], $0xffff  }
0x2f0: {  	v11 =	vsel vm1, v49, v11;
	vm0 =	vlt.f32 v18, v14;
	v18 =	vadd.s32 $0x2, v16  }
0x2f1: {  	v32 =	vadd.s32 $0x2, v11;
	v27 =	vsel vm0, v29, v31;
	v29 =	vld.idx.msk [tilespmem:v35+s7+$0x0], $0xffff  }
0x2f2: {  	vm0 =	vlt.f32 v34, v20  }
0x2f3: {  	v31 =	vadd.s32 $0x4, v27;
	v0 =	vsel vm0, v13, v0;
	vm0 =	vlt.f32 v36, v54  }
0x2f4: {  	v13 =	vadd.s32 $0x1, v0;
	v12 =	vsel vm0, v21, v12;
	v21 =	vld.idx.msk [tilespmem:v30+s7+$0x0], $0xffff;
	vm0 =	vlt.f32 v19, v10  }
0x2f5: {  	v50 =	vadd.s32 $0x2, v12;
	v51 =	vld.idx.msk [tilespmem:v18+s7+$0x0], $0xffff;
	v19 =	vsel vm0, v26, v17  }
0x2f6: {  	v52 =	vld.idx.msk [tilespmem:v32+s7+$0x0], $0xffff;
	vm0 =	vlt.f32 v29, v22;
	v29 =	vadd.s32 $0x2, v19;
	_ =	sdelay $0x1  }
0x2f7: {  	v17 =	vld.idx.msk [tilespmem:v31+s7+$0x0], $0xffff  }
0x2f8: {  	v37 =	vld.idx.msk [tilespmem:v13+s7+$0x0], $0xffff  }
0x2f9: {  	v2 =	vsel vm0, v35, v2;
	v38 =	vld.idx.msk [tilespmem:v50+s7+$0x0], $0xffff;
	vm2 =	vlt.f32 v51, v24  }
0x2fa: {  	s15 =	simm.s32 $0x2AC0;
	vm3 =	vlt.f32 v21, v15;
	vm4 =	vlt.f32 v52, v25;
	v21 =	vsel vm2, v18, v16;
	v16 =	vld.idx.msk [tilespmem:v29+s7+$0x0], $0xffff  }
0x2fb: {  	v35 =	vadd.s32 $0x2, v2;
	v32 =	vsel vm4, v32, v11;
	v11 =	vld [tilespmem:s15+$0xFFFFFFC0]  }
0x2fc: {  	vm6 =	vlt.f32 v20, v4;
	v26 =	vsel vm3, v30, v28;
	v18 =	vld [tilespmem:s15+$0x0]  }
0x2fd: {  	vm2 =	vlt.f32 v25, v4;
	vm4 =	vlt.f32 v54, v4;
	vm3 =	vlt.f32 v17, v14  }
0x2fe: {  	v30 =	vadd.s32 $0x1, v21;
	v17 =	vld [tilespmem:s15+$0xFFFFFFE0];
	v31 =	vsel vm3, v31, v27;
	vm3 =	vlt.f32 v37, v20  }
0x2ff: {  	v36 =	vadd.s32 $0x1, v32;
	vm5 =	vlt.f32 v38, v54;
	v0 =	vsel vm3, v13, v0  }
0x300: {  	v28 =	vld.idx.msk [tilespmem:v35+s7+$0x0], $0xffff;
	v53 =	vadd.s32 $0x2, v31;
	v33 =	vsel vm5, v50, v12;
	vm3 =	vgt.s32 v0, $0x0  }
0x301: {  	vm5 =	vlt.f32 v16, v10;
	vm15 =	vlt.f32 v6, v11;
	vm7 =	vlt.f32 v6, v18  }
0x302: {  	v12 =	vnsel vm3, $0x0, v0;
	vm3 =	vlt.f32 v22, v4;
	v37 =	vsel vm5, v29, v19  }
0x303: {  	v38 =	vadd.s32 $0x1, v33;
	v0 =	vadd.s32 $0x1, v0;
	vm8 =	vlt.f32 v6, v17  }
0x304: {  	v13 =	vld [tilespmem:s15+$0xFFFFFFF0];
	v16 =	vsel vm7, $0x1F, v1;
	v29 =	vsel vm7, v8, v7;
	v40 =	vsel vm15, $0x1F, v1;
	[tilespmem:$0x1FFC0] =	vst v0  }
0x305: {  	v46 =	vsel vm15, v8, v7;
	v27 =	vnsel vm6, $0x3F, v12;
	vm5 =	vlt.f32 v28, v22;
	v12 =	vld [tilespmem:s15+$0x10]  }
0x306: {  	vm7 =	vlt.f32 v29, v18;
	v29 =	vadd.s32 $0x10, v16;
	v41 =	vsel vm8, $0x1F, v1;
	v19 =	vld.idx.msk [tilespmem:v53+s7+$0x0], $0xffff  }
0x307: {  	v42 =	vadd.s32 $0x10, v40;
	v44 =	vsel vm8, v8, v7;
	v43 =	vsel vm7, v29, v16;
	v16 =	vld [tilespmem:s15+$0x30]  }
0x308: {  	vm13 =	vlt.f32 v46, v11;
	v0 =	vsel vm5, v35, v2;
	v2 =	vadd.s32 $0x1, v37  }
0x309: {  	v40 =	vsel vm13, v42, v40;
	vm13 =	vlt.f32 v44, v17;
	v39 =	vadd.s32 $0x1, v0  }
0x30a: {  	v62 =	vadd.s32 $0x10, v41;
	vm5 =	vlt.f32 v6, v13;
	v45 =	vadd.s32 $0x8, v43  }
0x30b: {  	v35 =	vadd.s32 $0x4, v26;
	v41 =	vsel vm13, v62, v41;
	v56 =	vsel vm5, v8, v7;
	v50 =	vld.idx.msk [tilespmem:v38+s7+$0x0], $0xffff  }
0x30c: {  	v59 =	vld.idx.msk [tilespmem:v36+s7+$0x0], $0xffff;
	vm10 =	vlt.f32 v6, v12;
	vm12 =	vlt.f32 v19, v14;
	vm14 =	vlt.f32 v6, v16  }
0x30d: {  	v49 =	vld.idx.msk [tilespmem:v30+s7+$0x0], $0xffff;
	v29 =	vsel vm10, $0x1F, v1;
	v47 =	vsel vm10, v8, v7;
	v46 =	vsel vm14, $0x1F, v1  }
0x30e: {  	v48 =	vld.idx.msk [tilespmem:v39+s7+$0x0], $0xffff;
	v42 =	vsel vm14, v8, v7;
	vm11 =	vlt.f32 v47, v12;
	v55 =	vadd.s32 $0x10, v29  }
0x30f: {  	v52 =	vld.idx.msk [tilespmem:v45+s7+$0x0], $0xffff;
	v47 =	vsel vm11, v55, v29;
	v29 =	vsel vm12, v53, v31;
	v31 =	vsel vm5, $0x1F, v1  }
0x310: {  	v19 =	vld [tilespmem:s15+$0xFFFFFFD0];
	vm5 =	vlt.f32 v56, v13;
	vm14 =	vlt.f32 v50, v54;
	v34 =	vadd.s32 $0x8, v47  }
0x311: {  	v57 =	vld.idx.msk [tilespmem:v27+s7+$0x0], $0xffff;
	v53 =	vadd.s32 $0x8, v41;
	vm11 =	vlt.f32 v59, v25;
	v51 =	vadd.s32 $0x10, v31  }
0x312: {  	v31 =	vsel vm5, v51, v31;
	vm5 =	vlt.f32 v49, v24;
	v49 =	vadd.s32 $0x8, v40  }
0x313: {  	v33 =	vsel vm14, v38, v33;
	v55 =	vsel vm11, v36, v32;
	vm15 =	vlt.f32 v48, v22  }
0x314: {  	v63 =	vld.idx.msk [tilespmem:v27+s18+$0x0], $0xffff;
	vm14 =	vlt.f32 v42, v16;
	v23 =	vsel vm15, v39, v0;
	vm15 =	vlt.f32 v52, v18  }
0x315: {  	vm12 =	vlt.f32 v6, v19;
	vm10 =	vgt.s32 v33, $0x0;
	v43 =	vsel vm15, v45, v43;
	v45 =	vld.idx.msk [tilespmem:v34+s7+$0x0], $0xffff  }
0x316: {  	v58 =	vsel vm12, $0x1F, v1;
	v61 =	vsel vm12, v8, v7;
	v48 =	vsub.f32 v20, v57  }
0x317: {  	vm12 =	vgt.s32 v55, $0x0;
	v30 =	vsel vm5, v30, v21;
	v0 =	vadd.s32 $0x1, v33;
	v60 =	vld.idx.msk [tilespmem:v49+s7+$0x0], $0xffff  }
0x318: {  	vm9 =	vlt.f32 v61, v19;
	v20 =	vadd.s32 $0x10, v58;
	v51 =	vadd.s32 $0x4, v43;
	[tilespmem:$0x1FFD0] =	vst v0  }
0x319: {  	v38 =	vsel vm9, v20, v58;
	v20 =	vnsel vm10, $0x0, v33;
	v63 =	vmul.f32 v63, v48;
	v61 =	vld.idx.msk [tilespmem:v35+s7+$0x0], $0xffff  }
0x31a: {  	v39 =	vadd.s32 $0x8, v31;
	v56 =	vnsel vm4, $0x3F, v20;
	v62 =	vld.idx.msk [tilespmem:v2+s7+$0x0], $0xffff;
	vm4 =	vlt.f32 v45, v12  }
0x31b: {  	v44 =	vadd.s32 $0x8, v38;
	v42 =	vmax.f32 v63, $0.0e+00;
	v20 =	vld [tilespmem:s15+$0x20];
	v34 =	vsel vm4, v34, v47  }
0x31c: {  	v57 =	vld.idx.msk [tilespmem:v53+s7+$0x0], $0xffff;
	v47 =	vnsel vm12, $0x0, v55;
	vm4 =	vgt.s32 v23, $0x0;
	vm13 =	vlt.f32 v60, v11  }
0x31d: {  	v58 =	vld.idx.msk [tilespmem:v51+s7+$0x0], $0xffff;
	v60 =	vadd.s32 $0x10, v46;
	v59 =	vnsel vm4, $0x0, v23;
	v36 =	vadd.s32 $0x4, v34  }
0x31e: {  	v40 =	vsel vm13, v49, v40;
	v46 =	vsel vm14, v60, v46;
	v50 =	vnsel vm3, $0x3F, v59  }
0x31f: {  	vm4 =	vlt.f32 v62, v10;
	v49 =	vadd.s32 $0x1, v29;
	vm3 =	vlt.f32 v61, v15  }
0x320: {  	v61 =	vld.idx.msk [tilespmem:v39+s7+$0x0], $0xffff;
	v52 =	vadd.s32 $0x4, v40;
	v45 =	vadd.s32 $0x8, v46;
	v35 =	vsel vm3, v35, v26  }
0x321: {  	v62 =	vld.idx.msk [tilespmem:v44+s7+$0x0], $0xffff;
	v26 =	vsel vm4, v2, v37;
	vm3 =	vlt.f32 v57, v17;
	vm4 =	vlt.f32 v6, v20  }
0x322: {  	v2 =	vadd.s32 $0x2, v35;
	vm15 =	vlt.f32 v58, v18;
	v41 =	vsel vm3, v53, v41;
	v53 =	vld.idx.msk [tilespmem:v36+s7+$0x0], $0xffff  }
0x323: {  	v63 =	vsel vm4, v8, v7;
	v57 =	vsel vm4, $0x1F, v1;
	v43 =	vsel vm15, v51, v43;
	v48 =	vld.idx.msk [tilespmem:v50+s7+$0x0], $0xffff  }
0x324: {  	vm3 =	vlt.f32 v63, v20;
	v21 =	vadd.s32 $0x10, v57;
	v51 =	vadd.s32 $0x2, v43;
	v37 =	vld.idx.msk [tilespmem:v50+s18+$0x0], $0xffff  }
0x325: {  	v57 =	vsel vm3, v21, v57;
	v21 =	vnsel vm2, $0x3F, v47;
	v47 =	vld.idx.msk [tilespmem:v52+s7+$0x0], $0xffff;
	vm2 =	vlt.f32 v61, v13  }
0x326: {  	v58 =	vadd.s32 $0x4, v41;
	vm3 =	vgt.s32 v30, $0x0;
	v60 =	vsel vm2, v39, v31;
	v31 =	vld.idx.msk [tilespmem:v45+s7+$0x0], $0xffff  }
0x327: {  	v32 =	vnsel vm3, $0x0, v30;
	vm3 =	vlt.f32 v62, v19;
	v39 =	vld.idx.msk [tilespmem:v49+s7+$0x0], $0xffff  }
0x328: {  	v63 =	vsel vm3, v44, v38;
	v44 =	vld.idx.msk [tilespmem:v56+s18+$0x0], $0xffff  }
0x329: {  	vm1 =	vlt.f32 v24, v4;
	vm0 =	vlt.f32 v10, v4;
	v0 =	vadd.s32 $0x8, v57;
	v59 =	vld.idx.msk [tilespmem:v2+s7+$0x0], $0xffff  }
0x32a: {  	v61 =	vnsel vm1, $0x3F, v32;
	vm1 =	vgt.s32 v26, $0x0;
	v62 =	vadd.s32 $0x4, v60;
	v38 =	vld.idx.msk [tilespmem:v51+s7+$0x0], $0xffff  }
0x32b: {  	v28 =	vadd.s32 $0x1, v30;
	v30 =	vnsel vm1, $0x0, v26;
	vm1 =	vlt.f32 v53, v12;
	v53 =	vld.idx.msk [tilespmem:v58+s7+$0x0], $0xffff  }
0x32c: {  	[tilespmem:s10+$0x0] =	vst v27;
	v32 =	vnsel vm0, $0x3F, v30;
	v30 =	vld.idx.msk [tilespmem:v21+s7+$0x0], $0xffff;
	v22 =	vsub.f32 v22, v48;
	v48 =	vadd.s32 $0x4, v63  }
0x32d: {  	v33 =	vsel vm1, v36, v34;
	vm1 =	vlt.f32 v31, v16;
	v31 =	vld [tilespmem:$0x1FFC0]  }
0x32e: {  	v34 =	vadd.s32 $0x2, v33;
	[tilespmem:s10+$0xFFFFFFD0] =	vst v50;
	v50 =	vld.idx.msk [tilespmem:v0+s7+$0x0], $0xffff;
	v22 =	vmul.f32 v37, v22  }
0x32f: {  	v23 =	vadd.s32 $0x1, v23;
	vm0 =	vlt.f32 v59, v15;
	v27 =	vld.idx.msk [tilespmem:v62+s7+$0x0], $0xffff  }
0x330: {  	[tilespmem:s13+$0xFFFFFFD0] =	vst v23;
	v2 =	vsel vm0, v2, v35;
	v35 =	vld.idx.msk [tilespmem:v61+s7+$0x0], $0xffff;
	vm0 =	vlt.f32 v47, v11;
	v37 =	vmax.f32 v22, $0.0e+00  }
0x331: {  	v59 =	vadd.s32 $0x1, v2;
	v36 =	vsel vm0, v52, v40;
	vm0 =	vlt.f32 v38, v18;
	v52 =	vld.idx.msk [tilespmem:v48+s7+$0x0], $0xffff;
	[tilespmem:s2+$0xFFFFFFD0] =	vst v37  }
0x332: {  	v22 =	vadd.s32 $0x1, v55;
	v38 =	vsel vm0, v51, v43;
	v37 =	vld.idx.msk [tilespmem:v21+s18+$0x0], $0xffff;
	[tilespmem:s13+$0x0] =	vst v31  }
0x333: {  	vm0 =	vlt.f32 v39, v14;
	v39 =	vadd.s32 $0x2, v36;
	v23 =	vld.idx.msk [tilespmem:v34+s7+$0x0], $0xffff;
	[tilespmem:s2+$0x0] =	vst v42;
	v42 =	vsel vm1, v45, v46  }
0x334: {  	v31 =	vsub.f32 v25, v30;
	v51 =	vsel vm0, v49, v29;
	v30 =	vld.idx.msk [tilespmem:v61+s18+$0x0], $0xffff;
	v47 =	vadd.s32 $0x4, v42  }
0x335: {  	vm2 =	vlt.f32 v50, v20;
	vm1 =	vlt.f32 v53, v17;
	v25 =	vsub.f32 v24, v35;
	v24 =	vld.idx.msk [tilespmem:v56+s7+$0x0], $0xffff  }
0x336: {  	v40 =	vadd.s32 $0x1, v38;
	vm0 =	vlt.f32 v27, v13;
	v43 =	vsel vm1, v58, v41;
	[tilespmem:s10+$0xFFFFFFE0] =	vst v56;
	v58 =	vld.idx.msk [tilespmem:v59+s7+$0x0], $0xffff  }
0x337: {  	vm1 =	vgt.s32 v51, $0x0;
	v41 =	vsel vm0, v62, v60;
	v46 =	vadd.s32 $0x2, v43;
	v62 =	vld [tilespmem:$0x1FFD0]  }
0x338: {  	vm0 =	vlt.f32 v14, v4;
	v27 =	vnsel vm1, $0x0, v51;
	vm1 =	vlt.f32 v52, v19;
	v52 =	vld.idx.msk [tilespmem:v39+s7+$0x0], $0xffff  }
0x339: {  	v29 =	vadd.s32 $0x1, v51;
	v45 =	vadd.s32 $0x2, v41;
	[tilespmem:s10+$0x10] =	vst v61;
	v35 =	vnsel vm0, $0x3F, v27;
	v51 =	vld.idx.msk [tilespmem:v47+s7+$0x0], $0xffff  }
0x33a: {  	vm0 =	vlt.f32 v13, v4;
	[tilespmem:s13+$0x10] =	vst v28;
	v28 =	vsel vm2, v0, v57;
	v48 =	vsel vm1, v48, v63  }
0x33b: {  	s30 =	simm.s32 $0x8;
	s28 =	simm.s32 $0x6A40;
	v53 =	vld.idx.msk [tilespmem:v40+s7+$0x0], $0xffff;
	vm1 =	vlt.f32 v12, v4;
	vm3 =	vlt.f32 v23, v12;
	vm4 =	vlt.f32 v58, v15  }
0x33c: {  	s14 =	simm.s32 $0xAA40;
	s9 =	simm.s32 $0xEAC0;
	s15 =	simm.s32 $0x2B40;
	v49 =	vadd.s32 $0x2, v48;
	v23 =	vsub.f32 v54, v24;
	[tilespmem:s13+$0xFFFFFFE0] =	vst v62;
	v27 =	vld.idx.msk [tilespmem:v46+s7+$0x0], $0xffff;
	v50 =	vsel vm4, v59, v2  }
.LBB2_22:
0x33d: {  	s30 =	sadd.s32 $0x8, s30;
	vm2 =	vlt.f32 v11, v4;
	v33 =	vsel vm3, v34, v33;
	v0 =	vld.idx.msk [tilespmem:v32+s18+$0x0], $0xffff;
	vm3 =	vlt.f32 v15, v4;
	s10 =	sadd.s32 $0x80, s10;
	s13 =	sadd.s32 $0x80, s13  }
0x33e: {  	vm4 =	vlt.f32 v51, v16;
	v24 =	vld [tilespmem:s15+$0x10];
	p1 =	slt.u32 s30, $0x1F8;
	v34 =	vadd.s32 $0x1, v33;
	v2 =	vmul.f32 v44, v23;
	v23 =	vmovc v17  }
0x33f: {  	v26 =	vadd.s32 $0x1, v26;
	vm5 =	vlt.f32 v52, v11;
	v47 =	vsel vm4, v47, v42;
	v44 =	vld.idx.msk [tilespmem:v45+s7+$0x0], $0xffff  }
0x340: {  	vm6 =	vgt.s32 v50, $0x0;
	vm4 =	vlt.f32 v53, v18;
	v2 =	vmax.f32 v2, $0.0e+00;
	v51 =	vld.idx.msk [tilespmem:v32+s7+$0x0], $0xffff  }
0x341: {  	vm8 =	vlt.f32 v18, v4;
	vm7 =	vlt.f32 v27, v23;
	v52 =	vld.idx.msk [tilespmem:v49+s7+$0x0], $0xffff;
	[tilespmem:s2+$0xFFFFFFE0] =	vst v2;
	v2 =	vnsel vm6, $0x0, v50  }
0x342: {  	v42 =	vsel vm7, v46, v43;
	v43 =	vsel vm4, v40, v38;
	v17 =	vld [tilespmem:s15+$0xFFFFFFE0];
	[tilespmem:s28+$0xFFFFFFF0] =	vst v32;
	v2 =	vnsel vm3, $0x3F, v2  }
0x343: {  	v38 =	vsel vm5, v39, v36;
	v46 =	vadd.s32 $0x2, v47;
	vm3 =	vgt.s32 v43, $0x0;
	[tilespmem:s14+$0xFFFFFFF0] =	vst v26;
	v53 =	vld.idx.msk [tilespmem:v35+s7+$0x0], $0xffff  }
0x344: {  	vm4 =	vlt.f32 v23, v4;
	v39 =	vadd.s32 $0x1, v38;
	v26 =	vnsel vm3, $0x0, v43;
	v54 =	vld [tilespmem:s15+$0xFFFFFFF0]  }
0x345: {  	v50 =	vadd.s32 $0x1, v50;
	vm5 =	vlt.f32 v44, v13;
	v44 =	vnsel vm8, $0x3F, v26;
	v27 =	vld [tilespmem:s15+$0xFFFFFFC0]  }
0x346: {  	vm3 =	vlt.f32 v19, v4;
	v26 =	vsel vm5, v45, v41;
	v41 =	vsub.f32 v10, v51;
	v10 =	vmovc v13;
	v40 =	vld [tilespmem:s15+$0x0]  }
0x347: {  	v43 =	vadd.s32 $0x1, v43;
	v45 =	vadd.s32 $0x1, v42;
	vm5 =	vlt.f32 v52, v19;
	v51 =	vld.idx.msk [tilespmem:v2+s7+$0x0], $0xffff  }
0x348: {  	v36 =	vadd.s32 $0x4, v28;
	v32 =	vadd.s32 $0x1, v26;
	v48 =	vsel vm5, v49, v48;
	v52 =	vld [tilespmem:s15+$0x30]  }
0x349: {  	v49 =	vadd.s32 $0x1, v48;
	v53 =	vsub.f32 v14, v53;
	vm5 =	vlt.f32 v6, v54;
	v55 =	vld.idx.msk [tilespmem:v2+s18+$0x0], $0xffff;
	v13 =	vmovc v54  }
0x34a: {  	vm7 =	vlt.f32 v6, v17;
	v0 =	vmul.f32 v0, v41;
	vm6 =	vlt.f32 v6, v27;
	[tilespmem:s28+$0x20] =	vst v2  }
0x34b: {  	v41 =	vsel vm7, $0x1F, v1;
	v14 =	vmovc v16;
	v2 =	vsel vm6, $0x1F, v1;
	vm8 =	vlt.f32 v6, v40;
	v54 =	vld.idx.msk [tilespmem:v46+s7+$0x0], $0xffff;
	[tilespmem:s14+$0x20] =	vst v50  }
0x34c: {  	v56 =	vsel vm7, v8, v7;
	vm7 =	vlt.f32 v6, v24;
	v50 =	vadd.s32 $0x10, v2  }
0x34d: {  	v0 =	vmax.f32 v0, $0.0e+00;
	v57 =	vsel vm8, $0x1F, v1;
	v58 =	vsel vm8, v8, v7;
	v59 =	vld.idx.msk [tilespmem:v35+s18+$0x0], $0xffff;
	v16 =	vmovc v52  }
0x34e: {  	v51 =	vsub.f32 v15, v51;
	v15 =	vmovc v20;
	vm8 =	vlt.f32 v58, v40;
	v52 =	vadd.s32 $0x10, v57;
	[tilespmem:s28+$0x30] =	vst v35  }
0x34f: {  	v20 =	vsel vm6, v8, v7;
	v35 =	vsel vm8, v52, v57;
	v52 =	vsel vm7, $0x1F, v1;
	v57 =	vld.idx.msk [tilespmem:v34+s7+$0x0], $0xffff;
	[tilespmem:s2+$0xFFFFFFF0] =	vst v0  }
0x350: {  	v37 =	vmul.f32 v37, v31;
	v58 =	vsel vm7, v8, v7;
	v0 =	vadd.s32 $0x8, v35;
	v60 =	vld.idx.msk [tilespmem:v49+s7+$0x0], $0xffff;
	[tilespmem:s14+$0x30] =	vst v29  }
0x351: {  	vm6 =	vlt.f32 v58, v24;
	v29 =	vadd.s32 $0x10, v52;
	vm7 =	vlt.f32 v54, v14;
	v58 =	vld.idx.msk [tilespmem:v44+s7+$0x0], $0xffff  }
0x352: {  	v52 =	vsel vm6, v29, v52;
	v29 =	vsel vm7, v46, v47;
	v46 =	vmul.f32 v55, v51  }
0x353: {  	v47 =	vsel vm5, $0x1F, v1;
	v51 =	vadd.s32 $0x8, v52;
	v53 =	vmul.f32 v59, v53;
	v31 =	vld [tilespmem:s15+$0xFFFFFFD0]  }
0x354: {  	vm6 =	vlt.f32 v20, v27;
	v20 =	vsel vm5, v8, v7;
	v54 =	vadd.s32 $0x10, v47;
	v55 =	vld.idx.msk [tilespmem:v45+s7+$0x0], $0xffff  }
0x355: {  	vm7 =	vlt.f32 v6, v16;
	v59 =	vld.idx.msk [tilespmem:v0+s7+$0x0], $0xffff;
	[tilespmem:s28+$0xFFFFFFC0] =	vst v21;
	v21 =	vmul.f32 v30, v25;
	v25 =	vmax.f32 v53, $0.0e+00;
	s28 =	smov.u32 s10  }
0x356: {  	vm5 =	vlt.f32 v20, v13;
	v20 =	vmax.f32 v46, $0.0e+00;
	v53 =	vsel vm7, $0x1F, v1;
	[tilespmem:s2+$0x30] =	vst v25  }
0x357: {  	vm8 =	vlt.f32 v60, v19;
	v25 =	vsel vm5, v54, v47;
	vm5 =	vlt.f32 v57, v12;
	[tilespmem:s2+$0x20] =	vst v20  }
0x358: {  	v2 =	vsel vm6, v50, v2;
	v46 =	vsel vm7, v8, v7;
	v20 =	vmax.f32 v37, $0.0e+00;
	[tilespmem:s14+$0xFFFFFFC0] =	vst v22;
	s14 =	smov.u32 s13  }
0x359: {  	v37 =	vsel vm8, v49, v48;
	v22 =	vadd.s32 $0x8, v2;
	vm6 =	vlt.f32 v6, v31;
	[tilespmem:s2+$0xFFFFFFC0] =	vst v20  }
0x35a: {  	vm7 =	vlt.f32 v56, v17;
	v20 =	vsel vm6, $0x1F, v1;
	vm8 =	vlt.f32 v55, v23;
	v30 =	vld.idx.msk [tilespmem:v39+s7+$0x0], $0xffff  }
0x35b: {  	v21 =	vmax.f32 v21, $0.0e+00;
	v47 =	vsel vm6, v8, v7;
	vm6 =	vlt.f32 v59, v40;
	v48 =	vld.idx.msk [tilespmem:v44+s18+$0x0], $0xffff  }
0x35c: {  	vm9 =	vlt.f32 v47, v31;
	v47 =	vadd.s32 $0x10, v41;
	v0 =	vsel vm6, v0, v35;
	v49 =	vld.idx.msk [tilespmem:v51+s7+$0x0], $0xffff;
	[tilespmem:s10+$0x0] =	vst v44  }
0x35d: {  	v41 =	vsel vm7, v47, v41;
	v47 =	vsub.f32 v18, v58;
	v18 =	vmovc v40;
	v44 =	vadd.s32 $0x4, v0;
	[tilespmem:s2+$0x10] =	vst v21;
	s2 =	smov.u32 s9  }
0x35e: {  	v42 =	vsel vm8, v45, v42;
	v35 =	vadd.s32 $0x10, v20;
	v40 =	vadd.s32 $0x8, v41;
	v21 =	vld.idx.msk [tilespmem:v22+s7+$0x0], $0xffff;
	[tilespmem:s13+$0x0] =	vst v43  }
0x35f: {  	vm6 =	vgt.s32 v42, $0x0;
	v43 =	vsel vm9, v35, v20;
	v35 =	vadd.s32 $0x1, v42  }
0x360: {  	v45 =	vadd.s32 $0x8, v25;
	v20 =	vnsel vm6, $0x0, v42;
	vm7 =	vlt.f32 v30, v11;
	v42 =	vld.idx.msk [tilespmem:v36+s7+$0x0], $0xffff  }
0x361: {  	v50 =	vadd.s32 $0x8, v43;
	v30 =	vnsel vm4, $0x3F, v20;
	v38 =	vsel vm7, v39, v38;
	v39 =	vld.idx.msk [tilespmem:v32+s7+$0x0], $0xffff  }
0x362: {  	v47 =	vmul.f32 v48, v47;
	vm4 =	vlt.f32 v49, v24;
	vm6 =	vgt.s32 v38, $0x0;
	v20 =	vld [tilespmem:s15+$0x20]  }
0x363: {  	v49 =	vsel vm4, v51, v52;
	v51 =	vnsel vm6, $0x0, v38;
	vm4 =	vgt.s32 v37, $0x0;
	v48 =	vld.idx.msk [tilespmem:v40+s7+$0x0], $0xffff  }
0x364: {  	vm7 =	vlt.f32 v46, v16;
	v46 =	vmax.f32 v47, $0.0e+00;
	vm6 =	vlt.f32 v21, v27;
	v21 =	vld.idx.msk [tilespmem:v44+s7+$0x0], $0xffff  }
0x365: {  	v47 =	vnsel vm4, $0x0, v37;
	v2 =	vsel vm6, v22, v2;
	v22 =	vadd.s32 $0x10, v53;
	[tilespmem:s9+$0x0] =	vst v46  }
0x366: {  	v52 =	vadd.s32 $0x4, v49;
	v53 =	vsel vm7, v22, v53;
	v22 =	vnsel vm3, $0x3F, v47;
	v46 =	vld.idx.msk [tilespmem:v45+s7+$0x0], $0xffff  }
0x367: {  	v54 =	vadd.s32 $0x1, v29;
	vm4 =	vlt.f32 v42, v15;
	vm3 =	vlt.f32 v39, v10;
	v47 =	vld.idx.msk [tilespmem:v50+s7+$0x0], $0xffff  }
0x368: {  	v39 =	vadd.s32 $0x4, v2;
	v28 =	vsel vm4, v36, v28;
	v26 =	vsel vm3, v32, v26  }
0x369: {  	vm4 =	vlt.f32 v6, v20;
	v36 =	vadd.s32 $0x2, v28;
	vm3 =	vlt.f32 v48, v17  }
0x36a: {  	v32 =	vsel vm4, v8, v7;
	vm6 =	vlt.f32 v21, v18;
	v21 =	vnsel vm2, $0x3F, v51  }
0x36b: {  	v41 =	vsel vm3, v40, v41;
	v40 =	vadd.s32 $0x8, v53;
	v0 =	vsel vm6, v44, v0;
	v42 =	vld.idx.msk [tilespmem:v22+s7+$0x0], $0xffff  }
0x36c: {  	v33 =	vsel vm5, v34, v33;
	v51 =	vsel vm4, $0x1F, v1;
	v48 =	vadd.s32 $0x2, v0;
	v44 =	vld.idx.msk [tilespmem:v52+s7+$0x0], $0xffff  }
0x36d: {  	vm3 =	vlt.f32 v32, v20;
	v32 =	vadd.s32 $0x10, v51;
	vm2 =	vlt.f32 v47, v31;
	v34 =	vld.idx.msk [tilespmem:v22+s18+$0x0], $0xffff  }
0x36e: {  	v55 =	vadd.s32 $0x4, v41;
	v56 =	vsel vm3, v32, v51;
	vm3 =	vgt.s32 v33, $0x0;
	v47 =	vld.idx.msk [tilespmem:v36+s7+$0x0], $0xffff  }
0x36f: {  	vm5 =	vgt.s32 v26, $0x0;
	vm4 =	vlt.f32 v46, v13;
	v32 =	vnsel vm3, $0x0, v33;
	v51 =	vld.idx.msk [tilespmem:v39+s7+$0x0], $0xffff  }
0x370: {  	v57 =	vadd.s32 $0x1, v33;
	v45 =	vsel vm4, v45, v25;
	v58 =	vnsel vm1, $0x3F, v32;
	v25 =	vld.idx.msk [tilespmem:v40+s7+$0x0], $0xffff;
	[tilespmem:s10+$0xFFFFFFD0] =	vst v22  }
0x371: {  	v33 =	vnsel vm5, $0x0, v26;
	v59 =	vadd.s32 $0x4, v45;
	v32 =	vadd.s32 $0x1, v37;
	v22 =	vld.idx.msk [tilespmem:v48+s7+$0x0], $0xffff  }
0x372: {  	v37 =	vsel vm2, v50, v43;
	v50 =	vadd.s32 $0x8, v56;
	v42 =	vsub.f32 v19, v42;
	v19 =	vmovc v31;
	v43 =	vld.idx.msk [tilespmem:v54+s7+$0x0], $0xffff  }
0x373: {  	v60 =	vadd.s32 $0x4, v37;
	vm1 =	vlt.f32 v44, v24;
	v31 =	vld.idx.msk [tilespmem:v55+s7+$0x0], $0xffff;
	[tilespmem:s13+$0xFFFFFFD0] =	vst v32;
	v32 =	vnsel vm0, $0x3F, v33  }
0x374: {  	v42 =	vmul.f32 v34, v42;
	v33 =	vsel vm1, v52, v49;
	vm0 =	vlt.f32 v47, v15;
	v46 =	vld.idx.msk [tilespmem:v21+s7+$0x0], $0xffff  }
0x375: {  	vm1 =	vlt.f32 v51, v27;
	v34 =	vadd.s32 $0x2, v33;
	v61 =	vsel vm0, v36, v28;
	v49 =	vld.idx.msk [tilespmem:v58+s7+$0x0], $0xffff  }
0x376: {  	vm0 =	vlt.f32 v25, v16;
	v25 =	vmax.f32 v42, $0.0e+00;
	v62 =	vadd.s32 $0x1, v61;
	v28 =	vld.idx.msk [tilespmem:v59+s7+$0x0], $0xffff  }
0x377: {  	v36 =	vsel vm1, v39, v2;
	vm1 =	vlt.f32 v22, v18;
	v22 =	vadd.s32 $0x1, v38;
	[tilespmem:s9+$0xFFFFFFD0] =	vst v25;
	v44 =	vld.idx.msk [tilespmem:v30+s18+$0x0], $0xffff  }
0x378: {  	v42 =	vsel vm0, v40, v53;
	v38 =	vsel vm1, v48, v0;
	vm0 =	vlt.f32 v43, v14;
	v2 =	vld.idx.msk [tilespmem:v60+s7+$0x0], $0xffff  }
0x379: {  	v39 =	vadd.s32 $0x2, v36;
	v47 =	vadd.s32 $0x4, v42;
	v40 =	vadd.s32 $0x1, v38;
	v0 =	vld.idx.msk [tilespmem:v50+s7+$0x0], $0xffff  }
0x37a: {  	vm1 =	vlt.f32 v31, v17;
	v48 =	vsel vm0, v54, v29;
	v31 =	vsub.f32 v11, v46;
	v63 =	vld.idx.msk [tilespmem:v34+s7+$0x0], $0xffff  }
0x37b: {  	v43 =	vsel vm1, v55, v41;
	vm0 =	vgt.s32 v48, $0x0;
	v25 =	vsub.f32 v12, v49;
	v12 =	vmovc v24;
	v54 =	vld.idx.msk [tilespmem:v62+s7+$0x0], $0xffff  }
0x37c: {  	v29 =	vadd.s32 $0x1, v48;
	v11 =	vmovc v27;
	v46 =	vadd.s32 $0x2, v43;
	vm1 =	vlt.f32 v28, v13;
	v24 =	vld.idx.msk [tilespmem:v30+s7+$0x0], $0xffff  }
0x37d: {  	v27 =	vnsel vm0, $0x0, v48;
	v41 =	vsel vm1, v59, v45;
	vm1 =	vlt.f32 v14, v4;
	[tilespmem:s10+$0xFFFFFFE0] =	vst v30;
	v30 =	vld.idx.msk [tilespmem:v58+s18+$0x0], $0xffff  }
.Ltmp12:
0x37e: {  	vm0 =	vlt.f32 v2, v19;
	v45 =	vadd.s32 $0x2, v41;
	v51 =	vld.idx.msk [tilespmem:v47+s7+$0x0], $0xffff;
	[tilespmem:s13+$0xFFFFFFE0] =	vst v35;
	v35 =	vnsel vm1, $0x3F, v27;
	(pc) =	sbr.rel @p1 .LBB2_22-.Ltmp12, $4  }
0x37f: {  	v48 =	vsel vm0, v60, v37;
	v52 =	vld.idx.msk [tilespmem:v39+s7+$0x0], $0xffff;
	[tilespmem:s10+$0x10] =	vst v58  }
0x380: {  	vm0 =	vlt.f32 v13, v4;
	vm1 =	vlt.f32 v12, v4;
	v49 =	vadd.s32 $0x2, v48;
	v53 =	vld.idx.msk [tilespmem:v40+s7+$0x0], $0xffff;
	[tilespmem:s13+$0x10] =	vst v57  }
0x381: {  	vm2 =	vlt.f32 v0, v20;
	vm3 =	vlt.f32 v63, v12;
	vm4 =	vlt.f32 v54, v15;
	v27 =	vld.idx.msk [tilespmem:v46+s7+$0x0], $0xffff  }
0x382: {  	s15 =	sadd.s32 $0x80, s15;
	s9 =	sadd.s32 $0x80, s9;
	v28 =	vsel vm2, v50, v56;
	v23 =	vsub.f32 v23, v24;
	v50 =	vsel vm4, v62, v61;
	v37 =	vld.idx.msk [tilespmem:v21+s18+$0x0], $0xffff  }
0x383: {  	_ = 	snop  }
0x384: {  	v2 =	vadd.s32 $0x4, v28;
	_ =	sdelay $0x2  }
0x385: {  	v0 =	vld.idx.msk [tilespmem:v49+s7+$0x0], $0xffff;
	_ =	sdelay $0x1  }
0x386: {  	vm2 =	vlt.f32 v11, v4;
	vm10 =	vlt.f32 v15, v4;
	vm11 =	vgt.s32 v50, $0x0;
	v56 =	vld.idx.msk [tilespmem:v2+s7+$0x0], $0xffff  }
0x387: {  	vm5 =	vlt.f32 v51, v16;
	v26 =	vadd.s32 $0x1, v26;
	vm15 =	vlt.f32 v18, v4  }
0x388: {  	v58 =	vld.idx.msk [tilespmem:v45+s7+$0x0], $0xffff;
	v25 =	vmul.f32 v30, v25;
	v57 =	vnsel vm11, $0x0, v50;
	v42 =	vsel vm5, v47, v42  }
0x389: {  	v59 =	vld.idx.msk [tilespmem:v32+s7+$0x0], $0xffff;
	vm12 =	vlt.f32 v52, v11;
	v52 =	vadd.s32 $0x2, v42;
	vm4 =	vlt.f32 v0, v19  }
0x38a: {  	v23 =	vmul.f32 v44, v23;
	v24 =	vsel vm4, v49, v48;
	v49 =	vnsel vm10, $0x3F, v57  }
0x38b: {  	v51 =	vld.idx.msk [tilespmem:v32+s18+$0x0], $0xffff;
	v0 =	vsel vm3, v34, v33;
	v34 =	vadd.s32 $0x1, v24;
	vm14 =	vlt.f32 v56, v20  }
0x38c: {  	v62 =	vld.idx.msk [tilespmem:v35+s7+$0x0], $0xffff;
	vm13 =	vlt.f32 v53, v18;
	vm6 =	vlt.f32 v27, v17;
	v2 =	vsel vm14, v2, v28  }
0x38d: {  	v61 =	vsel vm13, v40, v38;
	vm8 =	vlt.f32 v58, v13;
	v58 =	vld.idx.msk [tilespmem:v35+s18+$0x0], $0xffff;
	v40 =	vadd.s32 $0x2, v2  }
0x38e: {  	v36 =	vsel vm12, v39, v36;
	v10 =	vsub.f32 v10, v59;
	v56 =	vld.idx.msk [tilespmem:v52+s7+$0x0], $0xffff;
	v28 =	vsel vm6, v46, v43  }
0x38f: {  	vm3 =	vgt.s32 v61, $0x0;
	v41 =	vsel vm8, v45, v41;
	v63 =	vld.idx.msk [tilespmem:v49+s7+$0x0], $0xffff;
	v44 =	vadd.s32 $0x1, v28  }
0x390: {  	v54 =	vnsel vm3, $0x0, v61;
	v10 =	vmul.f32 v51, v10;
	v51 =	vadd.s32 $0x1, v41;
	v60 =	vld.idx.msk [tilespmem:v34+s7+$0x0], $0xffff  }
0x391: {  	v23 =	vmax.f32 v23, $0.0e+00;
	v31 =	vmul.f32 v37, v31;
	v55 =	vld.idx.msk [tilespmem:v49+s18+$0x0], $0xffff;
	v43 =	vnsel vm15, $0x3F, v54  }
0x392: {  	[tilespmem:s28+$0xFFFFFFF0] =	vst v32;
	v33 =	vadd.s32 $0x1, v61;
	v14 =	vsub.f32 v14, v62;
	v46 =	vadd.s32 $0x1, v36;
	v59 =	vld.idx.msk [tilespmem:v40+s7+$0x0], $0xffff  }
0x393: {  	[tilespmem:s28+$0xFFFFFFC0] =	vst v21;
	v48 =	vadd.s32 $0x1, v0;
	vm3 =	vlt.f32 v17, v4;
	v57 =	vadd.s32 $0x1, v50  }
0x394: {  	[tilespmem:s14+$0xFFFFFFF0] =	vst v26;
	vm10 =	vlt.f32 v19, v4;
	v10 =	vmax.f32 v10, $0.0e+00;
	v14 =	vmul.f32 v58, v14;
	v62 =	vld.idx.msk [tilespmem:v44+s7+$0x0], $0xffff  }
0x395: {  	vm11 =	vlt.f32 v56, v16;
	v56 =	vld.idx.msk [tilespmem:v51+s7+$0x0], $0xffff;
	v61 =	vsub.f32 v15, v63;
	vm9 =	vlt.f32 v60, v19  }
0x396: {  	[tilespmem:s2+$0xFFFFFFF0] =	vst v10;
	v10 =	vmax.f32 v31, $0.0e+00;
	v63 =	vld.idx.msk [tilespmem:v43+s7+$0x0], $0xffff;
	v52 =	vsel vm11, v52, v42;
	v24 =	vsel vm9, v34, v24  }
0x397: {  	[tilespmem:s14+$0xFFFFFFC0] =	vst v22;
	v53 =	vld.idx.msk [tilespmem:v46+s7+$0x0], $0xffff;
	v15 =	vmul.f32 v55, v61;
	v55 =	vadd.s32 $0x1, v52;
	vm12 =	vlt.f32 v59, v20  }
0x398: {  	[tilespmem:s28+$0x20] =	vst v49;
	v14 =	vmax.f32 v14, $0.0e+00;
	v60 =	vld.idx.msk [tilespmem:v48+s7+$0x0], $0xffff;
	vm4 =	vgt.s32 v24, $0x0;
	v2 =	vsel vm12, v40, v2  }
0x399: {  	[tilespmem:s14+$0x20] =	vst v57;
	v47 =	vnsel vm4, $0x0, v24;
	vm13 =	vlt.f32 v62, v17;
	v57 =	vadd.s32 $0x1, v2  }
0x39a: {  	[tilespmem:s2+$0xFFFFFFE0] =	vst v23;
	v54 =	vld.idx.msk [tilespmem:v43+s18+$0x0], $0xffff;
	v15 =	vmax.f32 v15, $0.0e+00;
	vm8 =	vlt.f32 v56, v13;
	v28 =	vsel vm13, v44, v28  }
0x39b: {  	[tilespmem:s28+$0x30] =	vst v35;
	v24 =	vadd.s32 $0x1, v24;
	v37 =	vnsel vm10, $0x3F, v47;
	vm4 =	vgt.s32 v28, $0x0  }
0x39c: {  	[tilespmem:s14+$0x30] =	vst v29;
	v58 =	vsub.f32 v18, v63;
	vm15 =	vlt.f32 v53, v11;
	v30 =	vld.idx.msk [tilespmem:v55+s7+$0x0], $0xffff;
	v61 =	vnsel vm4, $0x0, v28  }
0x39d: {  	[tilespmem:s2+$0xFFFFFFC0] =	vst v10;
	v38 =	vsel vm8, v51, v41;
	vm14 =	vlt.f32 v60, v12;
	v63 =	vnsel vm3, $0x3F, v61  }
0x39e: {  	s10 =	sadd.s32 $0x80, s10;
	[tilespmem:s2+$0x30] =	vst v14;
	v60 =	vmax.f32 v25, $0.0e+00;
	v29 =	vsel vm15, v46, v36;
	vm10 =	vgt.s32 v38, $0x0;
	v36 =	vld.idx.msk [tilespmem:v57+s7+$0x0], $0xffff  }
0x39f: {  	s13 =	sadd.s32 $0x80, s13;
	[tilespmem:s10+$0x0] =	vst v43;
	vm7 =	vgt.s32 v29, $0x0;
	v18 =	vmul.f32 v54, v58;
	v41 =	vnsel vm10, $0x0, v38  }
0x3a0: {  	[tilespmem:s13+$0x0] =	vst v33;
	v0 =	vsel vm14, v48, v0;
	v32 =	vnsel vm7, $0x0, v29;
	v21 =	vnsel vm0, $0x3F, v41  }
0x3a1: {  	[tilespmem:s2+$0x20] =	vst v15;
	vm9 =	vgt.s32 v0, $0x0;
	v18 =	vmax.f32 v18, $0.0e+00;
	v59 =	vld.idx.msk [tilespmem:v37+s7+$0x0], $0xffff;
	vm11 =	vlt.f32 v30, v16  }
0x3a2: {  	[tilespmem:s2+$0x10] =	vst v60;
	v10 =	vnsel vm2, $0x3F, v32;
	v39 =	vnsel vm9, $0x0, v0;
	v26 =	vsel vm11, v55, v52;
	v42 =	vld.idx.msk [tilespmem:v63+s7+$0x0], $0xffff  }
0x3a3: {  	v62 =	vld.idx.msk [tilespmem:v37+s18+$0x0], $0xffff;
	v15 =	vnsel vm1, $0x3F, v39;
	[tilespmem:s9+$0x0] =	vst v18;
	vm1 =	vgt.s32 v26, $0x0;
	vm12 =	vlt.f32 v36, v20  }
0x3a4: {  	vm13 =	vlt.f32 v16, v4;
	[tilespmem:s10+$0xFFFFFFD0] =	vst v37;
	v44 =	vld.idx.msk [tilespmem:v63+s18+$0x0], $0xffff;
	v45 =	vnsel vm1, $0x0, v26;
	v2 =	vsel vm12, v57, v2  }
0x3a5: {  	[tilespmem:s13+$0xFFFFFFD0] =	vst v24;
	v52 =	vld.idx.msk [tilespmem:v21+s7+$0x0], $0xffff;
	v23 =	vnsel vm13, $0x3F, v45;
	vm14 =	vgt.s32 v2, $0x0  }
0x3a6: {  	vm15 =	vlt.f32 v20, v4;
	v56 =	vadd.s32 $0x1, v38;
	v54 =	vld.idx.msk [tilespmem:v21+s18+$0x0], $0xffff;
	[tilespmem:s10+$0xFFFFFFF0] =	vst v21;
	v47 =	vnsel vm14, $0x0, v2  }
0x3a7: {  	v46 =	vld.idx.msk [tilespmem:v10+s7+$0x0], $0xffff;
	[tilespmem:s13+$0xFFFFFFF0] =	vst v56;
	v49 =	vsub.f32 v17, v42;
	v50 =	vnsel vm15, $0x3F, v47  }
0x3a8: {  	v48 =	vld.idx.msk [tilespmem:v15+s7+$0x0], $0xffff;
	[tilespmem:s10+$0xFFFFFFE0] =	vst v63  }
0x3a9: {  	v51 =	vadd.s32 $0x1, v28;
	v40 =	vsub.f32 v19, v59;
	v53 =	vld.idx.msk [tilespmem:v15+s18+$0x0], $0xffff;
	[tilespmem:s10+$0x10] =	vst v15;
	v17 =	vmul.f32 v44, v49  }
0x3aa: {  	v0 =	vadd.s32 $0x1, v0;
	[tilespmem:s13+$0xFFFFFFE0] =	vst v51;
	v55 =	vld.idx.msk [tilespmem:v23+s7+$0x0], $0xffff  }
0x3ab: {  	[tilespmem:s13+$0x10] =	vst v0;
	v19 =	vmul.f32 v62, v40;
	v58 =	vld.idx.msk [tilespmem:v23+s18+$0x0], $0xffff;
	v0 =	vmax.f32 v17, $0.0e+00  }
0x3ac: {  	v57 =	vsub.f32 v13, v52;
	[tilespmem:s9+$0xFFFFFFE0] =	vst v0;
	v0 =	vld.idx.msk [tilespmem:v50+s7+$0x0], $0xffff  }
0x3ad: {  	v60 =	vld.idx.msk [tilespmem:v10+s18+$0x0], $0xffff;
	[tilespmem:s10+$0xFFFFFFC0] =	vst v10;
	v43 =	vmax.f32 v19, $0.0e+00  }
0x3ae: {  	[tilespmem:s9+$0xFFFFFFD0] =	vst v43;
	v13 =	vmul.f32 v54, v57;
	v59 =	vld.idx.msk [tilespmem:v50+s18+$0x0], $0xffff  }
0x3af: {  	v2 =	vadd.s32 $0x1, v2;
	v61 =	vsub.f32 v16, v55;
	[tilespmem:s10+$0x20] =	vst v50  }
0x3b0: {  	[tilespmem:s13+$0x20] =	vst v2;
	v2 =	vmax.f32 v13, $0.0e+00  }
0x3b1: {  	[tilespmem:s9+$0xFFFFFFF0] =	vst v2;
	v2 =	vmul.f32 v58, v61;
	v0 =	vsub.f32 v20, v0  }
0x3b2: {  	v62 =	vadd.s32 $0x1, v26;
	v11 =	vsub.f32 v11, v46;
	[tilespmem:s10+$0x30] =	vst v23  }
0x3b3: {  	v63 =	vsub.f32 v12, v48;
	[tilespmem:s13+$0x30] =	vst v62;
	v2 =	vmax.f32 v2, $0.0e+00;
	v0 =	vmul.f32 v59, v0  }
.Ltmp13:
0x3b4: {  	v10 =	vmul.f32 v60, v11;
	[tilespmem:s9+$0x30] =	vst v2;
	v2 =	vadd.s32 $0x1, v29;
	(pc) =	sbr.rel .LBB2_24-.Ltmp13, $4  }
0x3b5: {  	v11 =	vmul.f32 v53, v63;
	[tilespmem:s13+$0xFFFFFFC0] =	vst v2;
	v0 =	vmax.f32 v0, $0.0e+00  }
0x3b6: {  	[tilespmem:s9+$0x20] =	vst v0;
	v0 =	vmax.f32 v10, $0.0e+00  }
0x3b7: {  	[tilespmem:s9+$0xFFFFFFC0] =	vst v0;
	v0 =	vmax.f32 v11, $0.0e+00  }
0x3b8: {  	[tilespmem:s9+$0x10] =	vst v0  }
.LBB2_18:
0x3b9: {  	v0 =	vld [tilespmem:s9+$0x30]  }
0x3ba: {  	v21 =	vld [tilespmem:s9+$0xFFFFFFD0]  }
0x3bb: {  	v15 =	vld [tilespmem:s9+$0xFFFFFFE0]  }
0x3bc: {  	v22 =	vld [tilespmem:s9+$0x10]  }
0x3bd: {  	v29 =	vld [tilespmem:s9+$0xFFFFFFF0];
	_ =	sdelay $0x2  }
0x3be: {  	v2 =	vsub.f32 v0, v5;
	v10 =	vsub.f32 v21, v5  }
0x3bf: {  	v11 =	vsub.f32 v15, v5;
	v12 =	vsub.f32 v22, v5  }
0x3c0: {  	v13 =	vsub.f32 v29, v5;
	v2 =	vmul.f32 v2, v9;
	v10 =	vmul.f32 v10, v9  }
0x3c1: {  	v11 =	vmul.f32 v11, v9;
	v12 =	vmul.f32 v12, v9  }
0x3c2: {  	v13 =	vmul.f32 v13, v9;
	v2 =	vclamp.gez.f32 v2, $1.023000000e+03  }
0x3c3: {  	v10 =	vclamp.gez.f32 v10, $1.023000000e+03;
	v2 =	vtrunc.f32 v2  }
0x3c4: {  	v17 =	vld [tilespmem:s9+$0x0];
	v10 =	vtrunc.f32 v10;
	v2 =	vcvt.f32.s32 v2  }
0x3c5: {  	v11 =	vclamp.gez.f32 v11, $1.023000000e+03;
	v10 =	vcvt.f32.s32 v10  }
0x3c6: {  	v12 =	vclamp.gez.f32 v12, $1.023000000e+03;
	v11 =	vtrunc.f32 v11  }
0x3c7: {  	v19 =	vld [tilespmem:s9+$0x20];
	v12 =	vtrunc.f32 v12;
	v11 =	vcvt.f32.s32 v11  }
0x3c8: {  	v12 =	vcvt.f32.s32 v12  }
0x3c9: {  	v14 =	vld [tilespmem:s9+$0xFFFFFFC0];
	v16 =	vsub.f32 v17, v5;
	v13 =	vclamp.gez.f32 v13, $1.023000000e+03  }
0x3ca: {  	v13 =	vtrunc.f32 v13;
	v2 =	vld.idx.msk [tilespmem:v2+s29+$0x0], $0xffff  }
0x3cb: {  	v13 =	vcvt.f32.s32 v13;
	v18 =	vld.idx.msk [tilespmem:v10+s29+$0x0], $0xffff;
	v10 =	vmul.f32 v16, v9  }
0x3cc: {  	v16 =	vsub.f32 v19, v5  }
0x3cd: {  	v23 =	vld.idx.msk [tilespmem:v11+s29+$0x0], $0xffff;
	v10 =	vclamp.gez.f32 v10, $1.023000000e+03  }
0x3ce: {  	v11 =	vmul.f32 v16, v9;
	v16 =	vld.idx.msk [tilespmem:v12+s29+$0x0], $0xffff;
	v10 =	vtrunc.f32 v10  }
0x3cf: {  	v12 =	vcvt.f32.s32 v10;
	v10 =	vsub.f32 v14, v5;
	_ =	sdelay $0x1  }
0x3d0: {  	v25 =	vld.idx.msk [tilespmem:v13+s29+$0x0], $0xffff;
	v10 =	vmul.f32 v10, v9  }
0x3d1: {  	v20 =	vld.idx.msk [tilespmem:v2+s7+$0x0], $0xffff  }
0x3d2: {  	s15 =	simm.s32 $0x2AC0;
	v11 =	vclamp.gez.f32 v11, $1.023000000e+03;
	v24 =	vld.idx.msk [tilespmem:v18+s7+$0x0], $0xffff;
	v10 =	vclamp.gez.f32 v10, $1.023000000e+03  }
0x3d3: {  	v11 =	vtrunc.f32 v11;
	v13 =	vtrunc.f32 v10;
	v10 =	vld [tilespmem:s15+$0xFFFFFFD0]  }
0x3d4: {  	vm5 =	vlt.f32 v29, v4;
	vm0 =	vlt.f32 v14, v4;
	v11 =	vcvt.f32.s32 v11;
	v27 =	vld.idx.msk [tilespmem:v12+s29+$0x0], $0xffff  }
0x3d5: {  	vm6 =	vlt.f32 v21, v4;
	vm3 =	vlt.f32 v19, v4;
	vm2 =	vlt.f32 v0, v4;
	v26 =	vld.idx.msk [tilespmem:v16+s7+$0x0], $0xffff  }
0x3d6: {  	vm8 =	vlt.f32 v22, v4;
	v31 =	vcvt.f32.s32 v13;
	v13 =	vld [tilespmem:s15+$0x0];
	vm1 =	vlt.f32 v20, v0  }
0x3d7: {  	vm7 =	vlt.f32 v24, v21;
	v20 =	vsel vm1, $0x1, v3;
	vm1 =	vlt.f32 v17, v4  }
0x3d8: {  	v24 =	vsub.f32 v10, v5;
	v30 =	vsel vm7, $0x1, v3;
	v2 =	vadd.s32 v20, v2  }
0x3d9: {  	v20 =	vld.idx.msk [tilespmem:v23+s7+$0x0], $0xffff;
	v30 =	vadd.s32 v30, v18;
	vm4 =	vlt.s32 v2, $0x3F;
	v12 =	vadd.s32 $0xFFFFFFFF, v2  }
0x3da: {  	v28 =	vld.idx.msk [tilespmem:v11+s29+$0x0], $0xffff;
	v24 =	vmul.f32 v24, v9;
	v2 =	vnsel vm4, $0x3F, v2;
	vm4 =	vgt.s32 v12, $0x0  }
0x3db: {  	v40 =	vsub.f32 v13, v5;
	v11 =	vnsel vm4, $0x0, v12;
	v12 =	vld [tilespmem:s15+$0x20];
	vm4 =	vlt.f32 v26, v22  }
0x3dc: {  	v26 =	vadd.s32 $0xFFFFFFFF, v30;
	v35 =	vld.idx.msk [tilespmem:v27+s7+$0x0], $0xffff;
	v24 =	vclamp.gez.f32 v24, $1.023000000e+03;
	v32 =	vnsel vm2, $0x3F, v11  }
0x3dd: {  	v11 =	vld [tilespmem:s15+$0xFFFFFFF0];
	vm2 =	vlt.f32 v15, v4;
	v33 =	vsel vm4, $0x1, v3;
	vm7 =	vgt.s32 v26, $0x0  }
0x3de: {  	v24 =	vtrunc.f32 v24;
	vm4 =	vlt.f32 v20, v15;
	v20 =	vld.idx.msk [tilespmem:v25+s7+$0x0], $0xffff;
	v33 =	vadd.s32 v33, v16  }
0x3df: {  	v18 =	vld [tilespmem:s15+$0x30];
	v26 =	vnsel vm7, $0x0, v26;
	v24 =	vcvt.f32.s32 v24;
	v34 =	vsel vm4, $0x1, v3  }
0x3e0: {  	v36 =	vadd.s32 $0xFFFFFFFF, v33;
	vm4 =	vlt.s32 v33, $0x3F;
	v41 =	vnsel vm6, $0x3F, v26  }
0x3e1: {  	vm9 =	vgt.s32 v36, $0x0;
	v33 =	vnsel vm4, $0x3F, v33;
	v16 =	vsub.f32 v12, v5  }
0x3e2: {  	vm6 =	vlt.f32 v35, v17;
	v35 =	vmul.f32 v40, v9;
	v37 =	vld.idx.msk [tilespmem:v32+s7+$0x0], $0xffff;
	v38 =	vsub.f32 v11, v5  }
0x3e3: {  	v39 =	vmul.f32 v16, v9;
	v16 =	vnsel vm9, $0x0, v36;
	vm7 =	vlt.f32 v20, v29  }
0x3e4: {  	v61 =	vld.idx.msk [tilespmem:v28+s7+$0x0], $0xffff;
	v20 =	vsub.f32 v18, v5;
	v36 =	vnsel vm8, $0x3F, v16;
	v26 =	vsel vm7, $0x1, v3  }
0x3e5: {  	v16 =	vld [tilespmem:s15+$0xFFFFFFE0];
	v38 =	vmul.f32 v38, v9;
	v39 =	vclamp.gez.f32 v39, $1.023000000e+03;
	v25 =	vadd.s32 v26, v25  }
0x3e6: {  	v52 =	vld.idx.msk [tilespmem:v31+s29+$0x0], $0xffff;
	v20 =	vmul.f32 v20, v9;
	v39 =	vtrunc.f32 v39;
	v42 =	vadd.s32 $0xFFFFFFFF, v25  }
0x3e7: {  	v53 =	vld.idx.msk [tilespmem:v32+s18+$0x0], $0xffff;
	vm15 =	vlt.s32 v25, $0x3F;
	v38 =	vclamp.gez.f32 v38, $1.023000000e+03;
	v0 =	vsub.f32 v0, v37  }
0x3e8: {  	v39 =	vcvt.f32.s32 v39;
	v43 =	vclamp.gez.f32 v20, $1.023000000e+03;
	vm7 =	vgt.s32 v42, $0x0;
	v20 =	vld [tilespmem:s15+$0x10]  }
0x3e9: {  	v38 =	vtrunc.f32 v38;
	v45 =	vnsel vm15, $0x3F, v25;
	v42 =	vnsel vm7, $0x0, v42;
	v26 =	vld.idx.msk [tilespmem:v36+s7+$0x0], $0xffff  }
0x3ea: {  	v62 =	vsub.f32 v16, v5;
	v42 =	vnsel vm5, $0x3F, v42;
	vm5 =	vlt.f32 v61, v19  }
0x3eb: {  	v43 =	vtrunc.f32 v43;
	v25 =	vcvt.f32.s32 v38;
	v44 =	vld.idx.msk [tilespmem:v36+s18+$0x0], $0xffff;
	v37 =	vsel vm5, $0x1, v3  }
0x3ec: {  	v63 =	vld.idx.msk [tilespmem:v41+s7+$0x0], $0xffff;
	v43 =	vcvt.f32.s32 v43;
	v40 =	vmul.f32 v62, v9;
	v28 =	vadd.s32 v37, v28  }
0x3ed: {  	v0 =	vmul.f32 v53, v0;
	v31 =	vsub.f32 v20, v5;
	vm5 =	vlt.s32 v28, $0x3F  }
0x3ee: {  	v47 =	vadd.s32 $0xFFFFFFFF, v28;
	v22 =	vsub.f32 v22, v26;
	v26 =	vclamp.gez.f32 v40, $1.023000000e+03  }
0x3ef: {  	v50 =	vld.idx.msk [tilespmem:v52+s7+$0x0], $0xffff;
	vm7 =	vgt.s32 v47, $0x0;
	v31 =	vmul.f32 v31, v9;
	v26 =	vtrunc.f32 v26  }
0x3f0: {  	v46 =	vld.idx.msk [tilespmem:v41+s18+$0x0], $0xffff;
	v57 =	vnsel vm5, $0x3F, v28;
	v22 =	vmul.f32 v44, v22;
	v54 =	vcvt.f32.s32 v26  }
0x3f1: {  	v24 =	vld.idx.msk [tilespmem:v24+s29+$0x0], $0xffff;
	v26 =	vadd.s32 v34, v23;
	v23 =	vsub.f32 v21, v63;
	v21 =	vsel vm6, $0x1, v3  }
0x3f2: {  	v60 =	vld.idx.msk [tilespmem:v42+s7+$0x0], $0xffff;
	v28 =	vclamp.gez.f32 v31, $1.023000000e+03;
	v56 =	vmax.f32 v22, $0.0e+00;
	v22 =	vnsel vm7, $0x0, v47  }
0x3f3: {  	[tilespmem:s10+$0x30] =	vst v32;
	v55 =	vadd.s32 v21, v27;
	v27 =	vld.idx.msk [tilespmem:v43+s29+$0x0], $0xffff;
	v28 =	vtrunc.f32 v28;
	v58 =	vnsel vm3, $0x3F, v22  }
0x3f4: {  	[tilespmem:s13+$0x30] =	vst v2;
	v0 =	vmax.f32 v0, $0.0e+00;
	v21 =	vld [tilespmem:s15+$0xFFFFFFC0];
	v49 =	vcvt.f32.s32 v28;
	v28 =	vadd.s32 $0xFFFFFFFF, v55  }
0x3f5: {  	[tilespmem:s10+$0xFFFFFFD0] =	vst v41;
	v48 =	vld.idx.msk [tilespmem:v42+s18+$0x0], $0xffff;
	v31 =	vclamp.gez.f32 v35, $1.023000000e+03;
	v59 =	vadd.s32 $0xFFFFFFFF, v26;
	vm5 =	vgt.s32 v28, $0x0  }
0x3f6: {  	[tilespmem:s10+$0x10] =	vst v36;
	v2 =	vtrunc.f32 v31;
	v31 =	vmul.f32 v46, v23;
	v22 =	vld.idx.msk [tilespmem:v39+s29+$0x0], $0xffff;
	v23 =	vnsel vm5, $0x0, v28  }
0x3f7: {  	[tilespmem:s13+$0x10] =	vst v33;
	v36 =	vcvt.f32.s32 v2;
	vm3 =	vgt.s32 v59, $0x0;
	v2 =	vnsel vm1, $0x3F, v23;
	v23 =	vld.idx.msk [tilespmem:v54+s29+$0x0], $0xffff  }
0x3f8: {  	[tilespmem:s2+$0x30] =	vst v0;
	v29 =	vsub.f32 v29, v60;
	vm5 =	vlt.s32 v55, $0x3F;
	v61 =	vnsel vm3, $0x0, v59;
	v32 =	vld.idx.msk [tilespmem:v58+s7+$0x0], $0xffff  }
0x3f9: {  	[tilespmem:s10+$0xFFFFFFF0] =	vst v42;
	v31 =	vmax.f32 v31, $0.0e+00;
	v34 =	vnsel vm2, $0x3F, v61;
	v0 =	vsub.f32 v21, v5;
	v37 =	vld.idx.msk [tilespmem:v58+s18+$0x0], $0xffff  }
0x3fa: {  	[tilespmem:s13+$0xFFFFFFF0] =	vst v45;
	vm3 =	vlt.s32 v30, $0x3F;
	v28 =	vnsel vm5, $0x3F, v55;
	vm2 =	vlt.f32 v50, v14;
	v33 =	vld.idx.msk [tilespmem:v49+s29+$0x0], $0xffff  }
0x3fb: {  	[tilespmem:s2+$0x10] =	vst v56;
	v63 =	vmul.f32 v48, v29;
	v62 =	vsel vm2, $0x1, v3;
	v0 =	vmul.f32 v0, v9;
	v39 =	vld.idx.msk [tilespmem:v27+s7+$0x0], $0xffff  }
0x3fc: {  	vm1 =	vlt.f32 v11, v4;
	v38 =	vnsel vm3, $0x3F, v30;
	v42 =	vadd.s32 v62, v52;
	[tilespmem:s10+$0x20] =	vst v58;
	v30 =	vld.idx.msk [tilespmem:v2+s18+$0x0], $0xffff  }
0x3fd: {  	s28 =	simm.s32 $0x8;
	s30 =	simm.s32 $0x2B40;
	v35 =	vmax.f32 v63, $0.0e+00;
	v43 =	vadd.s32 $0xFFFFFFFF, v42;
	[tilespmem:s13+$0x20] =	vst v57;
	v0 =	vclamp.gez.f32 v0, $1.023000000e+03;
	v41 =	vld.idx.msk [tilespmem:v2+s7+$0x0], $0xffff  }
0x3fe: {  	s9 =	simm.s32 $0xEAC0;
	s14 =	simm.s32 $0xAA40;
	s15 =	simm.s32 $0x6A40;
	vm3 =	vlt.s32 v42, $0x3F;
	vm4 =	vgt.s32 v43, $0x0;
	v40 =	vld.idx.msk [tilespmem:v34+s7+$0x0], $0xffff;
	[tilespmem:s10+$0x0] =	vst v2;
	v29 =	vtrunc.f32 v0  }
.LBB2_19:
0x3ff: {  	v2 =	vnsel vm3, $0x3F, v42  }
0x400: {  	s28 =	sadd.s32 $0x8, s28;
	v0 =	vld.idx.msk [tilespmem:v24+s7+$0x0], $0xffff;
	v42 =	vnsel vm4, $0x0, v43;
	[tilespmem:s13+$0xFFFFFFD0] =	vst v38;
	s10 =	sadd.s32 $0x80, s10;
	s14 =	sadd.s32 $0x80, s14;
	vm2 =	vmmov vm0;
	vm0 =	vlt.f32 v21, v4  }
0x401: {  	vm3 =	vlt.f32 v39, v18;
	v39 =	vsub.f32 v19, v32;
	p1 =	slt.u32 s28, $0x1F8;
	v25 =	vld.idx.msk [tilespmem:v25+s29+$0x0], $0xffff;
	v38 =	vnsel vm2, $0x3F, v42;
	[tilespmem:s2+$0xFFFFFFD0] =	vst v31  }
0x402: {  	vm6 =	vlt.f32 v10, v4;
	v19 =	vmovc v12;
	vm2 =	vlt.f32 v13, v4;
	v42 =	vsel vm3, $0x1, v3;
	v32 =	vld [tilespmem:s30+$0xFFFFFFD0]  }
0x403: {  	vm4 =	vlt.s32 v26, $0x3F;
	vm3 =	vlt.f32 v19, v4;
	v31 =	vld.idx.msk [tilespmem:v36+s29+$0x0], $0xffff;
	v36 =	vmul.f32 v37, v39  }
0x404: {  	vm5 =	vlt.f32 v18, v4;
	v12 =	vadd.s32 v42, v27;
	v27 =	vsub.f32 v17, v41;
	v37 =	vld.idx.msk [tilespmem:v33+s7+$0x0], $0xffff  }
0x405: {  	vm7 =	vlt.s32 v12, $0x3F;
	v39 =	vadd.s32 $0xFFFFFFFF, v12;
	v41 =	vnsel vm4, $0x3F, v26;
	v17 =	vmovc v13;
	v42 =	vld.idx.msk [tilespmem:v34+s18+$0x0], $0xffff  }
0x406: {  	v26 =	vnsel vm7, $0x3F, v12;
	vm4 =	vgt.s32 v39, $0x0;
	v13 =	vsub.f32 v15, v40;
	v15 =	vmovc v16;
	v43 =	vld.idx.msk [tilespmem:v23+s7+$0x0], $0xffff;
	[tilespmem:s15+$0xFFFFFFE0] =	vst v34  }
0x407: {  	v12 =	vnsel vm4, $0x0, v39;
	v27 =	vmul.f32 v30, v27;
	v16 =	vsub.f32 v32, v5;
	v34 =	vld.idx.msk [tilespmem:v38+s18+$0x0], $0xffff;
	[tilespmem:s13+$0xFFFFFFE0] =	vst v41  }
0x408: {  	v39 =	vcvt.f32.s32 v29;
	vm4 =	vlt.f32 v0, v10;
	v0 =	vnsel vm5, $0x3F, v12;
	v40 =	vld.idx.msk [tilespmem:v38+s7+$0x0], $0xffff  }
0x409: {  	v30 =	vsel vm4, $0x1, v3;
	v27 =	vmax.f32 v27, $0.0e+00;
	v12 =	vld [tilespmem:s30+$0x20];
	[tilespmem:s13+$0x0] =	vst v28;
	v28 =	vmax.f32 v36, $0.0e+00  }
0x40a: {  	vm4 =	vlt.f32 v15, v4;
	v30 =	vadd.s32 v30, v24;
	vm5 =	vlt.f32 v37, v20;
	v29 =	vld [tilespmem:s30+$0xFFFFFFF0];
	[tilespmem:s2+$0xFFFFFFF0] =	vst v35  }
0x40b: {  	v35 =	vadd.s32 $0xFFFFFFFF, v30;
	v36 =	vsel vm5, $0x1, v3;
	v37 =	vmul.f32 v42, v13;
	v24 =	vld [tilespmem:s30+$0x30];
	[tilespmem:s2+$0x0] =	vst v27  }
0x40c: {  	vm8 =	vlt.f32 v20, v4;
	vm7 =	vgt.s32 v35, $0x0;
	vm5 =	vlt.f32 v43, v15;
	v13 =	vld [tilespmem:s30+$0x0];
	[tilespmem:s2+$0x20] =	vst v28  }
0x40d: {  	v33 =	vadd.s32 v36, v33;
	v28 =	vsel vm5, $0x1, v3;
	v36 =	vmax.f32 v37, $0.0e+00;
	v27 =	vld.idx.msk [tilespmem:v25+s7+$0x0], $0xffff;
	[tilespmem:s15+$0xFFFFFFC0] =	vst v38;
	s15 =	smov.u32 s10  }
0x40e: {  	v41 =	vadd.s32 $0xFFFFFFFF, v33;
	v40 =	vsub.f32 v14, v40;
	v37 =	vsub.f32 v12, v5;
	v38 =	vld.idx.msk [tilespmem:v31+s7+$0x0], $0xffff;
	[tilespmem:s13+$0xFFFFFFC0] =	vst v2;
	s13 =	smov.u32 s14  }
0x40f: {  	vm5 =	vlt.s32 v33, $0x3F;
	vm9 =	vgt.s32 v41, $0x0;
	v14 =	vmovc v21;
	v2 =	vmul.f32 v16, v9;
	v42 =	vld.idx.msk [tilespmem:v0+s7+$0x0], $0xffff;
	[tilespmem:s2+$0xFFFFFFE0] =	vst v36  }
0x410: {  	v16 =	vnsel vm9, $0x0, v41;
	v21 =	vsub.f32 v29, v5;
	v36 =	vmul.f32 v37, v9  }
0x411: {  	v34 =	vmul.f32 v34, v40;
	v2 =	vclamp.gez.f32 v2, $1.023000000e+03;
	v37 =	vnsel vm8, $0x3F, v16  }
0x412: {  	v35 =	vnsel vm7, $0x0, v35;
	v2 =	vtrunc.f32 v2;
	v40 =	vsub.f32 v13, v5;
	v16 =	vld [tilespmem:s30+$0xFFFFFFE0]  }
0x413: {  	v35 =	vnsel vm6, $0x3F, v35;
	v36 =	vclamp.gez.f32 v36, $1.023000000e+03;
	vm7 =	vlt.f32 v27, v11  }
0x414: {  	v34 =	vmax.f32 v34, $0.0e+00;
	v27 =	vsub.f32 v24, v5;
	vm6 =	vlt.f32 v38, v17  }
0x415: {  	v38 =	vmul.f32 v40, v9;
	v40 =	vsel vm7, $0x1, v3;
	v42 =	vsub.f32 v18, v42;
	v41 =	vld.idx.msk [tilespmem:v22+s7+$0x0], $0xffff;
	[tilespmem:s2+$0xFFFFFFC0] =	vst v34;
	s2 =	smov.u32 s9  }
0x416: {  	v27 =	vmul.f32 v27, v9;
	v25 =	vadd.s32 v40, v25;
	v18 =	vmovc v24;
	v34 =	vtrunc.f32 v36;
	v36 =	vld.idx.msk [tilespmem:v37+s7+$0x0], $0xffff  }
0x417: {  	v40 =	vadd.s32 $0xFFFFFFFF, v25;
	v34 =	vcvt.f32.s32 v34;
	v24 =	vsub.f32 v16, v5  }
0x418: {  	v21 =	vmul.f32 v21, v9;
	v27 =	vclamp.gez.f32 v27, $1.023000000e+03;
	vm7 =	vgt.s32 v40, $0x0;
	v43 =	vld.idx.msk [tilespmem:v37+s18+$0x0], $0xffff  }
0x419: {  	vm8 =	vlt.s32 v25, $0x3F;
	v27 =	vtrunc.f32 v27;
	v40 =	vnsel vm7, $0x0, v40;
	v44 =	vld [tilespmem:s30+$0x10];
	[tilespmem:s10+$0x10] =	vst v37  }
0x41a: {  	v21 =	vclamp.gez.f32 v21, $1.023000000e+03;
	v27 =	vcvt.f32.s32 v27;
	v37 =	vnsel vm1, $0x3F, v40  }
0x41b: {  	v21 =	vtrunc.f32 v21;
	v45 =	vnsel vm8, $0x3F, v25;
	v24 =	vmul.f32 v24, v9;
	v40 =	vld.idx.msk [tilespmem:v35+s18+$0x0], $0xffff  }
0x41c: {  	v25 =	vcvt.f32.s32 v21;
	vm1 =	vlt.f32 v41, v19;
	v47 =	vsub.f32 v20, v36;
	v46 =	vld.idx.msk [tilespmem:v35+s7+$0x0], $0xffff  }
0x41d: {  	v2 =	vcvt.f32.s32 v2;
	v21 =	vclamp.gez.f32 v24, $1.023000000e+03;
	v24 =	vsel vm1, $0x1, v3;
	v41 =	vld.idx.msk [tilespmem:v39+s29+$0x0], $0xffff;
	[tilespmem:s10+$0xFFFFFFD0] =	vst v35  }
0x41e: {  	v21 =	vtrunc.f32 v21;
	v22 =	vadd.s32 v24, v22;
	v35 =	vmul.f32 v43, v47;
	v36 =	vld.idx.msk [tilespmem:v0+s18+$0x0], $0xffff;
	v20 =	vmovc v44  }
0x41f: {  	v39 =	vcvt.f32.s32 v21;
	vm1 =	vlt.s32 v22, $0x3F;
	v24 =	vsub.f32 v20, v5;
	v43 =	vld.idx.msk [tilespmem:v37+s18+$0x0], $0xffff;
	[tilespmem:s10+$0x30] =	vst v0  }
0x420: {  	v44 =	vadd.s32 $0xFFFFFFFF, v22;
	v0 =	vmax.f32 v35, $0.0e+00;
	v35 =	vnsel vm1, $0x3F, v22;
	v21 =	vld [tilespmem:s30+$0xFFFFFFC0];
	[tilespmem:s14+$0x30] =	vst v26  }
0x421: {  	vm1 =	vgt.s32 v44, $0x0;
	v26 =	vadd.s32 v28, v23;
	v47 =	vmul.f32 v24, v9;
	v27 =	vld.idx.msk [tilespmem:v27+s29+$0x0], $0xffff  }
0x422: {  	v28 =	vsel vm6, $0x1, v3;
	v23 =	vsub.f32 v10, v46;
	v10 =	vmovc v32;
	v22 =	vld.idx.msk [tilespmem:v34+s29+$0x0], $0xffff;
	v34 =	vnsel vm1, $0x0, v44  }
0x423: {  	v44 =	vadd.s32 $0xFFFFFFFF, v26;
	v24 =	vld.idx.msk [tilespmem:v2+s29+$0x0], $0xffff;
	v2 =	vclamp.gez.f32 v47, $1.023000000e+03;
	v46 =	vnsel vm3, $0x3F, v34  }
0x424: {  	v28 =	vadd.s32 v28, v31;
	v31 =	vmul.f32 v36, v42;
	v2 =	vtrunc.f32 v2;
	v47 =	vld.idx.msk [tilespmem:v37+s7+$0x0], $0xffff  }
0x425: {  	v32 =	vadd.s32 $0xFFFFFFFF, v28;
	vm1 =	vgt.s32 v44, $0x0;
	v2 =	vcvt.f32.s32 v2;
	v42 =	vld.idx.msk [tilespmem:v41+s7+$0x0], $0xffff  }
0x426: {  	v34 =	vclamp.gez.f32 v38, $1.023000000e+03;
	vm3 =	vgt.s32 v32, $0x0;
	v31 =	vmax.f32 v31, $0.0e+00;
	[tilespmem:s10+$0xFFFFFFF0] =	vst v37  }
0x427: {  	v34 =	vtrunc.f32 v34;
	v37 =	vmul.f32 v40, v23;
	v23 =	vnsel vm3, $0x0, v32;
	[tilespmem:s14+$0xFFFFFFF0] =	vst v45  }
0x428: {  	v36 =	vcvt.f32.s32 v34;
	vm3 =	vlt.s32 v28, $0x3F;
	v45 =	vnsel vm2, $0x3F, v23;
	v32 =	vld.idx.msk [tilespmem:v46+s7+$0x0], $0xffff;
	[tilespmem:s9+$0x30] =	vst v31  }
0x429: {  	v34 =	vnsel vm1, $0x0, v44;
	v28 =	vnsel vm3, $0x3F, v28;
	v31 =	vmax.f32 v37, $0.0e+00;
	v23 =	vld.idx.msk [tilespmem:v39+s29+$0x0], $0xffff  }
0x42a: {  	v33 =	vnsel vm5, $0x3F, v33;
	v38 =	vsub.f32 v21, v5;
	v34 =	vnsel vm4, $0x3F, v34;
	v37 =	vld.idx.msk [tilespmem:v46+s18+$0x0], $0xffff  }
.Ltmp14:
0x42b: {  	vm3 =	vlt.s32 v30, $0x3F;
	v44 =	vsub.f32 v11, v47;
	vm2 =	vlt.f32 v42, v14;
	v39 =	vld.idx.msk [tilespmem:v27+s7+$0x0], $0xffff;
	[tilespmem:s14+$0x10] =	vst v33;
	(pc) =	sbr.rel @p1 .LBB2_19-.Ltmp14, $4  }
0x42c: {  	vm1 =	vlt.f32 v29, v4;
	v40 =	vmul.f32 v38, v9;
	v33 =	vld.idx.msk [tilespmem:v2+s29+$0x0], $0xffff;
	v2 =	vsel vm2, $0x1, v3;
	[tilespmem:s9+$0x10] =	vst v0  }
0x42d: {  	v38 =	vnsel vm3, $0x3F, v30;
	v0 =	vmul.f32 v43, v44;
	v42 =	vadd.s32 v2, v41;
	v30 =	vld.idx.msk [tilespmem:v45+s18+$0x0], $0xffff;
	[tilespmem:s10+$0x20] =	vst v46  }
0x42e: {  	v11 =	vmovc v29;
	v2 =	vclamp.gez.f32 v40, $1.023000000e+03;
	vm3 =	vlt.s32 v42, $0x3F;
	v43 =	vadd.s32 $0xFFFFFFFF, v42;
	v41 =	vld.idx.msk [tilespmem:v45+s7+$0x0], $0xffff;
	[tilespmem:s14+$0x20] =	vst v35  }
0x42f: {  	s30 =	sadd.s32 $0x80, s30;
	s9 =	sadd.s32 $0x80, s9;
	v29 =	vtrunc.f32 v2;
	v35 =	vmax.f32 v0, $0.0e+00;
	vm4 =	vgt.s32 v43, $0x0;
	v40 =	vld.idx.msk [tilespmem:v34+s7+$0x0], $0xffff;
	[tilespmem:s10+$0x0] =	vst v45  }
0x430: {  	_ =	sdelay $0x2  }
0x431: {  	vm2 =	vlt.f32 v21, v4;
	v2 =	vnsel vm3, $0x3F, v42  }
0x432: {  	v0 =	vld.idx.msk [tilespmem:v24+s7+$0x0], $0xffff;
	v60 =	vnsel vm4, $0x0, v43;
	vm0 =	vmmov vm0;
	vm14 =	vlt.f32 v39, v18  }
0x433: {  	v25 =	vld.idx.msk [tilespmem:v25+s29+$0x0], $0xffff;
	v19 =	vsub.f32 v19, v32;
	vm5 =	vlt.f32 v10, v4;
	vm3 =	vlt.f32 v12, v4  }
0x434: {  	v36 =	vld.idx.msk [tilespmem:v36+s29+$0x0], $0xffff;
	vm15 =	vlt.s32 v26, $0x3F;
	vm6 =	vlt.f32 v18, v4;
	v29 =	vcvt.f32.s32 v29  }
0x435: {  	v46 =	vld.idx.msk [tilespmem:v23+s7+$0x0], $0xffff;
	vm4 =	vlt.f32 v16, v4;
	vm12 =	vlt.f32 v20, v4;
	v62 =	vsel vm14, $0x1, v3  }
0x436: {  	v61 =	vnsel vm0, $0x3F, v60;
	vm0 =	vlt.f32 v13, v4;
	v63 =	vld.idx.msk [tilespmem:v33+s7+$0x0], $0xffff;
	v27 =	vadd.s32 v62, v27  }
0x437: {  	v45 =	vld.idx.msk [tilespmem:v34+s18+$0x0], $0xffff;
	v26 =	vnsel vm15, $0x3F, v26;
	v19 =	vmul.f32 v37, v19;
	vm7 =	vlt.s32 v27, $0x3F  }
0x438: {  	v55 =	vld.idx.msk [tilespmem:v22+s7+$0x0], $0xffff;
	v17 =	vsub.f32 v17, v41;
	v32 =	vadd.s32 $0xFFFFFFFF, v27;
	v27 =	vnsel vm7, $0x3F, v27  }
0x439: {  	vm8 =	vgt.s32 v32, $0x0;
	v15 =	vsub.f32 v15, v40;
	v19 =	vmax.f32 v19, $0.0e+00  }
0x43a: {  	v32 =	vnsel vm8, $0x0, v32;
	v17 =	vmul.f32 v30, v17;
	vm10 =	vlt.f32 v0, v10  }
0x43b: {  	vm13 =	vlt.f32 v46, v16;
	vm9 =	vlt.f32 v63, v20;
	v30 =	vnsel vm6, $0x3F, v32  }
0x43c: {  	v48 =	vsel vm10, $0x1, v3;
	v15 =	vmul.f32 v45, v15;
	v56 =	vsel vm13, $0x1, v3  }
0x43d: {  	[tilespmem:s13+$0xFFFFFFD0] =	vst v38;
	v29 =	vld.idx.msk [tilespmem:v29+s29+$0x0], $0xffff;
	vm13 =	vlt.f32 v55, v12;
	vm10 =	vmmov vm2;
	v0 =	vsel vm9, $0x1, v3  }
0x43e: {  	[tilespmem:s15+$0xFFFFFFE0] =	vst v34;
	v17 =	vmax.f32 v17, $0.0e+00;
	v24 =	vadd.s32 v48, v24;
	v62 =	vsel vm13, $0x1, v3;
	v49 =	vld.idx.msk [tilespmem:v25+s7+$0x0], $0xffff  }
0x43f: {  	[tilespmem:s13+$0x0] =	vst v28;
	v50 =	vld.idx.msk [tilespmem:v61+s7+$0x0], $0xffff;
	v46 =	vadd.s32 v56, v23;
	v0 =	vadd.s32 v0, v33;
	v54 =	vadd.s32 $0xFFFFFFFF, v24  }
0x440: {  	[tilespmem:s13+$0xFFFFFFE0] =	vst v26;
	v52 =	vld.idx.msk [tilespmem:v36+s7+$0x0], $0xffff;
	v15 =	vmax.f32 v15, $0.0e+00;
	v37 =	vadd.s32 v62, v22;
	v26 =	vadd.s32 $0xFFFFFFFF, v46  }
0x441: {  	[tilespmem:s2+$0xFFFFFFF0] =	vst v35;
	v51 =	vadd.s32 $0xFFFFFFFF, v0;
	vm8 =	vgt.s32 v54, $0x0;
	vm6 =	vlt.s32 v0, $0x3F  }
0x442: {  	[tilespmem:s2+$0xFFFFFFD0] =	vst v31;
	v47 =	vld.idx.msk [tilespmem:v61+s18+$0x0], $0xffff;
	v40 =	vadd.s32 $0xFFFFFFFF, v37;
	vm11 =	vgt.s32 v51, $0x0;
	v34 =	vnsel vm8, $0x0, v54  }
0x443: {  	[tilespmem:s2+$0x20] =	vst v19;
	vm8 =	vgt.s32 v26, $0x0;
	v53 =	vnsel vm11, $0x0, v51;
	v57 =	vld.idx.msk [tilespmem:v30+s7+$0x0], $0xffff;
	vm14 =	vlt.f32 v49, v11  }
0x444: {  	[tilespmem:s15+$0xFFFFFFC0] =	vst v61;
	v14 =	vsub.f32 v14, v50;
	v59 =	vnsel vm5, $0x3F, v34;
	v58 =	vsel vm14, $0x1, v3  }
0x445: {  	[tilespmem:s13+$0xFFFFFFC0] =	vst v2;
	v39 =	vld.idx.msk [tilespmem:v30+s18+$0x0], $0xffff;
	v31 =	vnsel vm12, $0x3F, v53;
	vm15 =	vlt.f32 v52, v13;
	v25 =	vadd.s32 v58, v25  }
0x446: {  	[tilespmem:s2+$0x0] =	vst v17;
	v0 =	vnsel vm6, $0x3F, v0;
	v38 =	vld.idx.msk [tilespmem:v29+s7+$0x0], $0xffff;
	v41 =	vsel vm15, $0x1, v3;
	v33 =	vadd.s32 $0xFFFFFFFF, v25  }
0x447: {  	s10 =	sadd.s32 $0x80, s10;
	[tilespmem:s2+$0xFFFFFFE0] =	vst v15;
	v14 =	vmul.f32 v47, v14;
	v34 =	vadd.s32 v41, v36;
	vm12 =	vgt.s32 v33, $0x0  }
0x448: {  	s30 =	sadd.s32 $0x80, s14;
	[tilespmem:s10+$0x30] =	vst v30;
	v2 =	vsub.f32 v18, v57;
	v45 =	vadd.s32 $0xFFFFFFFF, v34;
	v33 =	vnsel vm12, $0x0, v33  }
0x449: {  	[tilespmem:s30+$0x30] =	vst v27;
	v14 =	vmax.f32 v14, $0.0e+00;
	v43 =	vld.idx.msk [tilespmem:v59+s7+$0x0], $0xffff;
	vm5 =	vgt.s32 v45, $0x0;
	v63 =	vnsel vm1, $0x3F, v33  }
0x44a: {  	v52 =	vnsel vm8, $0x0, v26;
	[tilespmem:s2+$0xFFFFFFC0] =	vst v14;
	v60 =	vld.idx.msk [tilespmem:v31+s7+$0x0], $0xffff;
	v48 =	vnsel vm5, $0x0, v45;
	v2 =	vmul.f32 v39, v2  }
0x44b: {  	vm15 =	vgt.s32 v40, $0x0;
	v42 =	vld.idx.msk [tilespmem:v59+s18+$0x0], $0xffff;
	[tilespmem:s10+$0xFFFFFFD0] =	vst v59;
	vm7 =	vlt.f32 v38, v21;
	v50 =	vnsel vm0, $0x3F, v48  }
0x44c: {  	v44 =	vnsel vm15, $0x0, v40;
	v61 =	vld.idx.msk [tilespmem:v31+s18+$0x0], $0xffff;
	[tilespmem:s10+$0x10] =	vst v31;
	v28 =	vsel vm7, $0x1, v3;
	v2 =	vmax.f32 v2, $0.0e+00  }
0x44d: {  	vm12 =	vlt.s32 v24, $0x3F;
	v51 =	vadd.s32 v28, v29;
	[tilespmem:s9+$0x30] =	vst v2;
	v2 =	vnsel vm4, $0x3F, v52  }
0x44e: {  	[tilespmem:s30+$0x10] =	vst v0;
	v58 =	vnsel vm12, $0x3F, v24;
	v10 =	vsub.f32 v10, v43;
	v53 =	vadd.s32 $0xFFFFFFFF, v51;
	v47 =	vld.idx.msk [tilespmem:v63+s18+$0x0], $0xffff  }
0x44f: {  	[tilespmem:s30+$0xFFFFFFD0] =	vst v58;
	v19 =	vsub.f32 v20, v60;
	v20 =	vnsel vm3, $0x3F, v44;
	vm9 =	vgt.s32 v53, $0x0;
	v49 =	vld.idx.msk [tilespmem:v63+s7+$0x0], $0xffff  }
0x450: {  	vm14 =	vlt.s32 v25, $0x3F;
	v10 =	vmul.f32 v42, v10;
	[tilespmem:s10+$0xFFFFFFF0] =	vst v63;
	v0 =	vnsel vm9, $0x0, v53;
	v56 =	vld.idx.msk [tilespmem:v50+s7+$0x0], $0xffff  }
0x451: {  	v25 =	vnsel vm14, $0x3F, v25;
	v57 =	vld.idx.msk [tilespmem:v50+s18+$0x0], $0xffff;
	[tilespmem:s10+$0x0] =	vst v50;
	v0 =	vnsel vm10, $0x3F, v0  }
0x452: {  	v19 =	vmul.f32 v61, v19;
	[tilespmem:s30+$0xFFFFFFF0] =	vst v25;
	v10 =	vmax.f32 v10, $0.0e+00;
	v59 =	vld.idx.msk [tilespmem:v2+s7+$0x0], $0xffff  }
0x453: {  	v60 =	vld.idx.msk [tilespmem:v2+s18+$0x0], $0xffff;
	[tilespmem:s9+$0xFFFFFFD0] =	vst v10  }
0x454: {  	v19 =	vmax.f32 v19, $0.0e+00;
	[tilespmem:s10+$0xFFFFFFE0] =	vst v2;
	v54 =	vld.idx.msk [tilespmem:v20+s7+$0x0], $0xffff  }
0x455: {  	vm14 =	vlt.s32 v46, $0x3F;
	v55 =	vld.idx.msk [tilespmem:v20+s18+$0x0], $0xffff;
	[tilespmem:s9+$0x10] =	vst v19  }
0x456: {  	vm13 =	vlt.s32 v34, $0x3F;
	v17 =	vnsel vm14, $0x3F, v46;
	[tilespmem:s10+$0x20] =	vst v20;
	v10 =	vsub.f32 v13, v56;
	v61 =	vld.idx.msk [tilespmem:v0+s7+$0x0], $0xffff  }
0x457: {  	vm11 =	vlt.s32 v37, $0x3F;
	v2 =	vnsel vm13, $0x3F, v34;
	[tilespmem:s30+$0xFFFFFFE0] =	vst v17;
	v11 =	vsub.f32 v11, v49  }
0x458: {  	v22 =	vnsel vm11, $0x3F, v37;
	[tilespmem:s30+$0x0] =	vst v2;
	v63 =	vld.idx.msk [tilespmem:v0+s18+$0x0], $0xffff;
	v10 =	vmul.f32 v57, v10;
	v2 =	vsub.f32 v16, v59  }
0x459: {  	[tilespmem:s30+$0x20] =	vst v22;
	v11 =	vmul.f32 v47, v11;
	v62 =	vsub.f32 v12, v54  }
0x45a: {  	[tilespmem:s10+$0xFFFFFFC0] =	vst v0;
	v10 =	vmax.f32 v10, $0.0e+00;
	v2 =	vmul.f32 v60, v2  }
0x45b: {  	v11 =	vmax.f32 v11, $0.0e+00;
	v12 =	vmul.f32 v55, v62;
	[tilespmem:s9+$0x0] =	vst v10;
	v10 =	vsub.f32 v21, v61  }
0x45c: {  	[tilespmem:s9+$0xFFFFFFF0] =	vst v11;
	v2 =	vmax.f32 v2, $0.0e+00  }
0x45d: {  	vm15 =	vlt.s32 v51, $0x3F;
	v11 =	vmax.f32 v12, $0.0e+00;
	[tilespmem:s9+$0xFFFFFFE0] =	vst v2;
	v0 =	vmul.f32 v63, v10  }
0x45e: {  	[tilespmem:s9+$0x20] =	vst v11;
	v11 =	vnsel vm15, $0x3F, v51  }
0x45f: {  	[tilespmem:s30+$0xFFFFFFC0] =	vst v11;
	v0 =	vmax.f32 v0, $0.0e+00  }
0x460: {  	[tilespmem:s9+$0xFFFFFFC0] =	vst v0  }
.LBB2_24:
0x461: {  	s1 =	sor.u32 $0x400, s1  }
0x462: {  	p1 =	seq.s32 s31, $0x1F;
	s2 =	sadd.s32 s3, s1  }
0x463: {  	[hbm4b:s2+s7] =	stream.linear.scatter [tilespmem:s24], [sflag:$0x4], $0x2000, $0x38;
	[tilespmem:$0x10A00] =	vst v63  }
.Ltmp15:
0x464: {  	_ = 	snop;
	(pc) =	sbr.rel @p1 .LBB2_26-.Ltmp15, $4  }
0x465: {  	s30 =	sadd.s32 s5, s1  }
0x466: {  	[hbm4b:s30+s7] =	stream.linear.scatter [tilespmem:s25], [sflag:$0x4], $0x2000, $0x38;
	[tilespmem:$0x10A00] =	vst v63  }
0x467: {  	s1 =	sadd.s32 s6, s1  }
0x468: {  	v0 =	vlaneseq.u32;
	[hbm4b:s1+s7] =	stream.linear.scatter [tilespmem:s26], [sflag:$0x4], $0x2000, $0x38;
	[tilespmem:$0x10A00] =	vst v63  }
.Ltmp16:
0x469: {  	(pc) =	sbr.rel .LBB2_6-.Ltmp16, $4  }
0x46a: {  	s1 =	sadd.s32 s4, s12  }
0x46b: {  	s1 =	sshrl.u32 s1, $0x3  }
0x46c: {  	s31 =	sadd.s32 $0x1, s31;
	s1 =	sadd.s32 s0, s1  }
0x46d: {  	[tilespmem:s16], [sflag:$0x2] =	stream.linear.gather [hbm4b:s1+s7], $0x2000, $0x38;
	[tilespmem:$0x10A00] =	vst v63  }
.LBB2_27:
0x46e: {  	_ =	sfence.sel $0x180000  }
0x46f: {  	[bflag:$0x0] =	sbarrier.arrive $0xFFFF  }
0x470: {  	_ =	strace $0x90000047  }
0x471: {  	s0 =	stileid.u32;
	[bflag:$0x2] =	sbarrier.arrive $0xFFFF  }
0x472: {  	p0 =	sne.s32 s0, $0x0;
	s0 =	rddreg [dreg:$0x5]  }
0x473: {  	s0 =	sadd.s32 @!p0 $0x100000, s0  }
0x474: {  	[sflag:s0] =	ssyncadd.tile.s32 @!p0 $0x1;
	_ =	shalt  }
.Lfunc_end2:
_tile_overlayer_lowered:
.L_overlay_start_2:
0x475: {  	(tag) =	ssettag $0x2  }
0x476: {  	s0 =	rddreg [dreg:$0x0];
	s2 =	stileid.u32  }
0x477: {  	s1 =	rddreg [dreg:$0x1];
	p0 =	sne.s32 s2, $0x0  }
0x478: {  	s3 =	rddreg [dreg:$0x2];
	[bflag:$0x3] =	sbarrier.arrive $0xFFFF;
	s2 =	simm.s32 @!p0 $0x1C05  }
0x479: {  	[timem:s3], [sflag:s2] =	dma.local @!p0 [hbm:s0], s1  }
0x47a: {  	s0 =	simm.s32 @!p0 $0x5  }
0x47b: {  	_ =	swait.ge @!p0 [sflag:s0], s1  }
0x47c: {  	s1 =	ssub.s32 @!p0 $0x0, s1;
	[sflag:s0] =	ssyncset.done @!p0 $0x0  }
0x47d: {  	[sflag:s0] =	ssyncadd.s32 @!p0 s1  }
0x47e: {  	[bflag:$0x3] =	sbarrier.arrive $0xFFFF  }
0x47f: {  	_ =	shalt  }

</sc_bundles>
